<compile_context>
chip_gen: v7x
topology: tpu7x:2x2x1
jax: 0.10.2.dev20260603
libtpu: 0.0.44.dev20260713+nightly
codegen_flags: <defaults>
</compile_context>

<pallas_src>
import math

import jax
import jax.numpy as jnp
import numpy as np
from jax import lax
from jax.experimental import pallas as pl
from jax.experimental.pallas import tpu as pltpu
from jax.experimental.pallas import tpu_sc as plsc

_P_MEAN = -0.4
_P_STD = 1.0
_BANDWIDTH = 0.3
_MAX_BW = 0.9
_TOTAL_STEPS = 5000
_STEP_SIZE = 0.1

_BATCH = 16384
_NUM_EXPERTS = 64


def _bandwidth(step):
    step = jnp.asarray(step)
    step_f = step.astype(jnp.float32)
    interval_size = _TOTAL_STEPS * _STEP_SIZE
    current_interval = jnp.floor(step_f / interval_size)
    total_intervals = int(1.0 / _STEP_SIZE)
    progress = jnp.minimum(current_interval / total_intervals, 1.0)
    bw = _BANDWIDTH + (_MAX_BW - _BANDWIDTH) * progress
    return jnp.where(step >= _TOTAL_STEPS, jnp.float32(_MAX_BW), bw).astype(
        jnp.float32
    )


_INV_SQRT2 = np.float32(1.0 / math.sqrt(2.0))
_LN2 = np.float32(0.6931471805599453)
_SQRT2 = np.float32(1.4142135)

_info = plsc.get_sparse_core_info()
_NC, _NS, _L = _info.num_cores, _info.num_subcores, _info.num_lanes
_NW = _NC * _NS


_SC_ROWS = _BATCH
_ROWS_W = _SC_ROWS // _NW
_GROUPS_W = _ROWS_W // 16


def _sc_body(sig_hbm, c_hbm, bw_hbm, out_hbm, sig_v, out_v, c_v, bw_v):
    wid = lax.axis_index("s") * _NC + lax.axis_index("c")
    base = wid * _ROWS_W
    pltpu.sync_copy(sig_hbm.at[pl.ds(base, _ROWS_W)], sig_v)
    pltpu.sync_copy(c_hbm, c_v)
    pltpu.sync_copy(bw_hbm, bw_v)
    def _percentile16(s):
        bits = lax.bitcast_convert_type(s, jnp.int32)
        e = (bits >> 23) - 127
        m = lax.bitcast_convert_type(
            (bits & jnp.int32(0x007FFFFF)) | jnp.int32(0x3F800000), jnp.float32
        )
        big = m >= _SQRT2
        m = jnp.where(big, m * np.float32(0.5), m)
        e = e + jnp.where(big, jnp.int32(1), jnp.int32(0))
        t = (m - 1.0) / (m + 1.0)
        t2 = t * t
        lg = 2.0 * t * (
            1.0
            + t2
            * (
                np.float32(1 / 3)
                + t2 * (np.float32(1 / 5) + t2 * np.float32(1 / 7))
            )
        )
        logs = e.astype(jnp.float32) * _LN2 + lg
        q = (logs - np.float32(_P_MEAN)) * _INV_SQRT2
        x = jnp.abs(q)
        tt = 1.0 / (1.0 + np.float32(0.3275911) * x)
        poly = tt * (
            np.float32(0.254829592)
            + tt
            * (
                np.float32(-0.284496736)
                + tt
                * (
                    np.float32(1.421413741)
                    + tt
                    * (np.float32(-1.453152027) + tt * np.float32(1.061405429))
                )
            )
        )
        er = 1.0 - poly * jnp.exp(-x * x)
        er = jnp.where(q < 0, -er, er)
        return jnp.clip(0.5 * (1.0 + er), 0.0, 1.0)

    bw = bw_v[...]
    c0 = c_v[pl.ds(0, 16)]
    c1 = c_v[pl.ds(16, 16)]
    c2 = c_v[pl.ds(32, 16)]
    c3 = c_v[pl.ds(48, 16)]
    one = jnp.full((_L,), 1.0, jnp.float32)
    zero = jnp.full((_L,), 0.0, jnp.float32)

    def gbody(g, carry):
        p_v = _percentile16(sig_v[pl.ds(g * 16, 16)])
        for j in range(16):
            pb = p_v.at[jnp.full((_L,), j, jnp.int32)].get(
                mode="promise_in_bounds"
            )
            row = g * 16 + j
            out_v[row, pl.ds(0, 16)] = jnp.where(jnp.abs(pb - c0) <= bw, one, zero)
            out_v[row, pl.ds(16, 16)] = jnp.where(
                jnp.abs(pb - c1) <= bw, one, zero
            )
            out_v[row, pl.ds(32, 16)] = jnp.where(
                jnp.abs(pb - c2) <= bw, one, zero
            )
            out_v[row, pl.ds(48, 16)] = jnp.where(
                jnp.abs(pb - c3) <= bw, one, zero
            )
        return carry

    lax.fori_loop(0, _GROUPS_W, gbody, 0, unroll=2)

    pltpu.sync_copy(out_v, out_hbm.at[pl.ds(base, _ROWS_W)])


def _sc_mask(sigma_sc, centers, bw16):
    run = pl.kernel(
        _sc_body,
        mesh=plsc.VectorSubcoreMesh(core_axis_name="c", subcore_axis_name="s"),
        out_type=jax.ShapeDtypeStruct((_SC_ROWS, _NUM_EXPERTS), jnp.float32),
        scratch_types=[
            pltpu.VMEM((_ROWS_W,), jnp.float32),
            pltpu.VMEM((_ROWS_W, _NUM_EXPERTS), jnp.float32),
            pltpu.VMEM((_NUM_EXPERTS,), jnp.float32),
            pltpu.VMEM((_L,), jnp.float32),
        ],
    )
    return run(sigma_sc, centers, bw16)


_sc_mask = jax.jit(_sc_mask)


def kernel(sigma, expert_centers, step):
    bw = _bandwidth(step)
    bw16 = jnp.broadcast_to(bw, (_L,))
    return _sc_mask(sigma.reshape(_BATCH), expert_centers, bw16)

# --- scband reference (transcript-rebuilt; emitter-appended) ---
"""Pipeline reference for scband-mask-generator-17068200034726 (READ-ONLY COPY).

The authoritative reference and input builder live on the scoring server;
editing this copy changes nothing except your own understanding.
"""

import jax, jax.numpy as jnp
import numpy as np
import math

NUM_EXPERTS = 64
BATCH = 16384
P_MEAN = -0.4
P_STD = 1.0
BANDWIDTH = 0.3
MAX_BW = 0.9
MIN_ACTIVE = 2
TOTAL_STEPS = 5000
STEP_SIZE = 0.1
NOISE_RANGE = (0.0, 1.0)
STRAT_BAND = 'step'


def _build_expert_centers():
    attrs = np.arange(NUM_EXPERTS, dtype=np.float32)
    sorted_indices = np.argsort(attrs, kind='stable')
    equidistant_points = np.linspace(NOISE_RANGE[0], NOISE_RANGE[1], NUM_EXPERTS, dtype=np.float32)
    final_centers = np.zeros_like(attrs)
    final_centers[sorted_indices] = equidistant_points
    return jnp.asarray(final_centers)


def _bandwidth_scheduler(step):
    step_f = step.astype(jnp.float32)
    if STRAT_BAND == 'linear':
        prog = step_f / float(TOTAL_STEPS)
        bw = BANDWIDTH + (MAX_BW - BANDWIDTH) * prog
    elif STRAT_BAND == 'step':
        interval_size = TOTAL_STEPS * STEP_SIZE
        current_interval = jnp.floor(step_f / interval_size)
        total_intervals = int(1.0 / STEP_SIZE)
        progress = jnp.minimum(current_interval / total_intervals, 1.0)
        bw = BANDWIDTH + (MAX_BW - BANDWIDTH) * progress
    else:
        bw = jnp.full_like(step_f, BANDWIDTH)
    return jnp.where(step >= TOTAL_STEPS, jnp.float32(MAX_BW), bw).astype(jnp.float32)


def setup_inputs(seed: int = 0) -> dict:
    key = jax.random.key(seed)
    k1, _ = jax.random.split(key)
    sigma = jax.random.uniform(k1, (BATCH,), dtype=jnp.float32)
    expert_centers = _build_expert_centers()
    return {"sigma": sigma, "expert_centers": expert_centers, "step": 2500}


def reference(sigma, expert_centers, step):
    s = sigma.reshape(-1)
    log_sigma = jnp.log(s)
    sigma_percentile = 0.5 * (1.0 + jax.scipy.special.erf((log_sigma - P_MEAN) / (P_STD * np.sqrt(2.0))))
    sigma_percentile = jnp.clip(sigma_percentile, 0.0, 1.0)
    sp_reshaped = sigma_percentile.reshape(-1, 1)
    experts_reshaped = expert_centers.reshape(1, -1)
    dist = jnp.abs(sp_reshaped - experts_reshaped)
    current_bw = _bandwidth_scheduler(jnp.asarray(step))
    mask = (dist <= current_bw).astype(jnp.float32)
    _, top_indices = jax.lax.top_k(-dist, MIN_ACTIVE)
    rows = jnp.arange(dist.shape[0])[:, None]
    mask = mask.at[rows, top_indices].set(1.0)
    return mask

if __name__ == "__main__":
    import jax
    _d = setup_inputs()
    print(jax.jit(kernel)(*tuple(_d.values())))

</pallas_src>

<mosaic_0001>
#map = affine_map<(d0, d1) -> (0)>
#map1 = affine_map<(d0, d1) -> (0, 0)>
module attributes {stable_mosaic.version = 14 : i64} {
  func.func @_sc_body(%arg0: i32, %arg1: i32, %arg2: memref<16384xf32, #tpu.memory_space<hbm>>, %arg3: memref<64xf32, #tpu.memory_space<hbm>>, %arg4: memref<16xf32, #tpu.memory_space<hbm>>, %arg5: memref<16384x64xf32, #tpu.memory_space<hbm>>, %arg6: memref<512xf32, #tpu.memory_space<vmem>>, %arg7: memref<512x64xf32, #tpu.memory_space<vmem>>, %arg8: memref<64xf32, #tpu.memory_space<vmem>>, %arg9: memref<16xf32, #tpu.memory_space<vmem>>) attributes {dimension_semantics = [#tpu.dimension_semantics<core_parallel>, #tpu.dimension_semantics<subcore_parallel>], iteration_bounds = array<i64: 2, 16>, scalar_prefetch = 0 : i64, scratch_operands = 4 : i64, tpu.core_type = #tpu.core_type<sc_vector_subcore>, window_params = [{transform_indices = #map}, {transform_indices = #map}, {transform_indices = #map}, {transform_indices = #map1}]} {
    %mul3A = arith.constant 2 : i32
    %mul3A_0 = arith.muli %arg1, %mul3A : i32
    %add3A = arith.addi %mul3A_0, %arg0 : i32
    %mul3A_1 = arith.constant 512 : i32
    %mul3A_2 = arith.muli %add3A, %mul3A_1 : i32
    "tpu.region"() ({
      %run_scoped3A = tpu.sem_alloc : memref<!tpu.dma_semaphore, #tpu.memory_space<semaphore_mem>>
      %dma_start3A = tpu.memref_slice %arg2[%mul3A_2] : memref<16384xf32, #tpu.memory_space<hbm>> -> memref<512xf32, #tpu.memory_space<hbm>>
      %dma_start3A_25 = tpu.memref_slice %arg2[%mul3A_2] : memref<16384xf32, #tpu.memory_space<hbm>> -> memref<512xf32, #tpu.memory_space<hbm>>
      tpu.enqueue_dma source(%dma_start3A_25 : memref<512xf32, #tpu.memory_space<hbm>>) target(%arg6 : memref<512xf32, #tpu.memory_space<vmem>>) target_semaphore(%run_scoped3A : memref<!tpu.dma_semaphore, #tpu.memory_space<semaphore_mem>>)
      %dma_wait3A = tpu.memref_slice %arg2[%mul3A_2] : memref<16384xf32, #tpu.memory_space<hbm>> -> memref<512xf32, #tpu.memory_space<hbm>>
      %dma_wait3A_26 = tpu.memref_slice %arg2[%mul3A_2] : memref<16384xf32, #tpu.memory_space<hbm>> -> memref<512xf32, #tpu.memory_space<hbm>>
      tpu.wait_dma2 semaphore(%run_scoped3A : memref<!tpu.dma_semaphore, #tpu.memory_space<semaphore_mem>>) src(%dma_wait3A_26 : memref<512xf32, #tpu.memory_space<hbm>>) dst(%arg6 : memref<512xf32, #tpu.memory_space<vmem>>)
      tpu.yield
    }) : () -> ()
    "tpu.region"() ({
      %run_scoped3A = tpu.sem_alloc : memref<!tpu.dma_semaphore, #tpu.memory_space<semaphore_mem>>
      tpu.enqueue_dma source(%arg3 : memref<64xf32, #tpu.memory_space<hbm>>) target(%arg8 : memref<64xf32, #tpu.memory_space<vmem>>) target_semaphore(%run_scoped3A : memref<!tpu.dma_semaphore, #tpu.memory_space<semaphore_mem>>)
      tpu.wait_dma2 semaphore(%run_scoped3A : memref<!tpu.dma_semaphore, #tpu.memory_space<semaphore_mem>>) src(%arg3 : memref<64xf32, #tpu.memory_space<hbm>>) dst(%arg8 : memref<64xf32, #tpu.memory_space<vmem>>)
      tpu.yield
    }) : () -> ()
    "tpu.region"() ({
      %run_scoped3A = tpu.sem_alloc : memref<!tpu.dma_semaphore, #tpu.memory_space<semaphore_mem>>
      tpu.enqueue_dma source(%arg4 : memref<16xf32, #tpu.memory_space<hbm>>) target(%arg9 : memref<16xf32, #tpu.memory_space<vmem>>) target_semaphore(%run_scoped3A : memref<!tpu.dma_semaphore, #tpu.memory_space<semaphore_mem>>)
      tpu.wait_dma2 semaphore(%run_scoped3A : memref<!tpu.dma_semaphore, #tpu.memory_space<semaphore_mem>>) src(%arg4 : memref<16xf32, #tpu.memory_space<hbm>>) dst(%arg9 : memref<16xf32, #tpu.memory_space<vmem>>)
      tpu.yield
    }) : () -> ()
    %get3A = arith.constant 0 : index
    %get3A_3 = tpu.vector_load %arg9[%get3A] {strides = array<i32>} : memref<16xf32, #tpu.memory_space<vmem>>, vector<16xf32>,
    %get3A_4 = vector.shape_cast %get3A_3 : vector<16xf32> to vector<16xf32>
    %get3A_5 = arith.constant 0 : index
    %get3A_6 = tpu.vector_load %arg8[%get3A_5] {strides = array<i32>} : memref<64xf32, #tpu.memory_space<vmem>>, vector<16xf32>,
    %get3A_7 = vector.shape_cast %get3A_6 : vector<16xf32> to vector<16xf32>
    %get3A_8 = arith.constant 16 : index
    %get3A_9 = tpu.vector_load %arg8[%get3A_8] {strides = array<i32>} : memref<64xf32, #tpu.memory_space<vmem>>, vector<16xf32>,
    %get3A_10 = vector.shape_cast %get3A_9 : vector<16xf32> to vector<16xf32>
    %get3A_11 = arith.constant 32 : index
    %get3A_12 = tpu.vector_load %arg8[%get3A_11] {strides = array<i32>} : memref<64xf32, #tpu.memory_space<vmem>>, vector<16xf32>,
    %get3A_13 = vector.shape_cast %get3A_12 : vector<16xf32> to vector<16xf32>
    %get3A_14 = arith.constant 48 : index
    %get3A_15 = tpu.vector_load %arg8[%get3A_14] {strides = array<i32>} : memref<64xf32, #tpu.memory_space<vmem>>, vector<16xf32>,
    %get3A_16 = vector.shape_cast %get3A_15 : vector<16xf32> to vector<16xf32>
    %broadcast_in_dim3A = arith.constant 1.000000e+00 : f32
    %broadcast_in_dim3A_17 = vector.broadcast %broadcast_in_dim3A : f32 to vector<16xf32>
    %broadcast_in_dim3A_18 = arith.constant 0.000000e+00 : f32
    %broadcast_in_dim3A_19 = vector.broadcast %broadcast_in_dim3A_18 : f32 to vector<16xf32>
    %scan3A = arith.constant 0 : i32
    %scan3A_20 = arith.constant 0 : i32
    %scan3A_21 = arith.constant 32 : i32
    %scan3A_22 = arith.addi %scan3A_20, %scan3A_21 : i32
    %scan3A_23 = arith.constant 2 : i32
    scf.for %scan3A_25 = %scan3A_20 to %scan3A_22 step %scan3A_23  : i32 {
      %mul3A_26 = arith.constant 16 : i32
      %mul3A_27 = arith.muli %scan3A_25, %mul3A_26 : i32
      %get3A_28 = arith.index_cast %mul3A_27 : i32 to index
      %get3A_29 = tpu.vector_load %arg6[%get3A_28] {strides = array<i32>} : memref<512xf32, #tpu.memory_space<vmem>>, vector<16xf32>,
      %get3A_30 = vector.shape_cast %get3A_29 : vector<16xf32> to vector<16xf32>
      %bitcast_convert_type3A = tpu.bitcast %get3A_30 : vector<16xf32> -> vector<16xi32>
      %shift_right_arithmetic3A = arith.constant 23 : i32
      %shift_right_arithmetic3A_31 = vector.broadcast %shift_right_arithmetic3A : i32 to vector<16xi32>
      %shift_right_arithmetic3A_32 = arith.shrsi %bitcast_convert_type3A, %shift_right_arithmetic3A_31 : vector<16xi32>
      %sub3A = arith.constant 127 : i32
      %sub3A_33 = vector.broadcast %sub3A : i32 to vector<16xi32>
      %sub3A_34 = arith.subi %shift_right_arithmetic3A_32, %sub3A_33 : vector<16xi32>
      %and3A = arith.constant 8388607 : i32
      %and3A_35 = vector.broadcast %and3A : i32 to vector<16xi32>
      %and3A_36 = arith.andi %bitcast_convert_type3A, %and3A_35 : vector<16xi32>
      %or3A = arith.constant 1065353216 : i32
      %or3A_37 = vector.broadcast %or3A : i32 to vector<16xi32>
      %or3A_38 = arith.ori %and3A_36, %or3A_37 : vector<16xi32>
      %bitcast_convert_type3A_39 = tpu.bitcast %or3A_38 : vector<16xi32> -> vector<16xf32>
      %ge3A = arith.constant 1.41421354 : f32
      %ge3A_40 = vector.broadcast %ge3A : f32 to vector<16xf32>
      %ge3A_41 = arith.cmpf oge, %bitcast_convert_type3A_39, %ge3A_40 : vector<16xf32>
      %mul3A_42 = arith.constant 5.000000e-01 : f32
      %mul3A_43 = vector.broadcast %mul3A_42 : f32 to vector<16xf32>
      %mul3A_44 = arith.mulf %bitcast_convert_type3A_39, %mul3A_43 : vector<16xf32>
      %select_n3A = arith.select %ge3A_41, %mul3A_44, %bitcast_convert_type3A_39 : vector<16xi1>, vector<16xf32>
      %jit3A = arith.constant 1 : i32
      %jit3A_45 = arith.constant 0 : i32
      %broadcast_in_dim3A_46 = vector.broadcast %jit3A : i32 to vector<16xi32>
      %broadcast_in_dim3A_47 = vector.broadcast %jit3A_45 : i32 to vector<16xi32>
      %select_n3A_48 = arith.select %ge3A_41, %broadcast_in_dim3A_46, %broadcast_in_dim3A_47 : vector<16xi1>, vector<16xi32>
      %add3A_49 = arith.addi %sub3A_34, %select_n3A_48 : vector<16xi32>
      %sub3A_50 = arith.constant 1.000000e+00 : f32
      %sub3A_51 = vector.broadcast %sub3A_50 : f32 to vector<16xf32>
      %sub3A_52 = arith.subf %select_n3A, %sub3A_51 : vector<16xf32>
      %add3A_53 = arith.constant 1.000000e+00 : f32
      %add3A_54 = vector.broadcast %add3A_53 : f32 to vector<16xf32>
      %add3A_55 = arith.addf %select_n3A, %add3A_54 : vector<16xf32>
      %div3A = arith.divf %sub3A_52, %add3A_55 : vector<16xf32>
      %mul3A_56 = arith.mulf %div3A, %div3A : vector<16xf32>
      %mul3A_57 = arith.constant 2.000000e+00 : f32
      %mul3A_58 = vector.broadcast %mul3A_57 : f32 to vector<16xf32>
      %mul3A_59 = arith.mulf %mul3A_58, %div3A : vector<16xf32>
      %mul3A_60 = arith.constant 0.142857149 : f32
      %mul3A_61 = vector.broadcast %mul3A_60 : f32 to vector<16xf32>
      %mul3A_62 = arith.mulf %mul3A_56, %mul3A_61 : vector<16xf32>
      %add3A_63 = arith.constant 2.000000e-01 : f32
      %add3A_64 = vector.broadcast %add3A_63 : f32 to vector<16xf32>
      %add3A_65 = arith.addf %add3A_64, %mul3A_62 : vector<16xf32>
      %mul3A_66 = arith.mulf %mul3A_56, %add3A_65 : vector<16xf32>
      %add3A_67 = arith.constant 0.333333343 : f32
      %add3A_68 = vector.broadcast %add3A_67 : f32 to vector<16xf32>
      %add3A_69 = arith.addf %add3A_68, %mul3A_66 : vector<16xf32>
      %mul3A_70 = arith.mulf %mul3A_56, %add3A_69 : vector<16xf32>
      %add3A_71 = arith.constant 1.000000e+00 : f32
      %add3A_72 = vector.broadcast %add3A_71 : f32 to vector<16xf32>
      %add3A_73 = arith.addf %add3A_72, %mul3A_70 : vector<16xf32>
      %mul3A_74 = arith.mulf %mul3A_59, %add3A_73 : vector<16xf32>
      %convert_element_type3A = arith.sitofp %add3A_49 : vector<16xi32> to vector<16xf32>
      %mul3A_75 = arith.constant 0.693147182 : f32
      %mul3A_76 = vector.broadcast %mul3A_75 : f32 to vector<16xf32>
      %mul3A_77 = arith.mulf %convert_element_type3A, %mul3A_76 : vector<16xf32>
      %add3A_78 = arith.addf %mul3A_77, %mul3A_74 : vector<16xf32>
      %sub3A_79 = arith.constant -4.000000e-01 : f32
      %sub3A_80 = vector.broadcast %sub3A_79 : f32 to vector<16xf32>
      %sub3A_81 = arith.subf %add3A_78, %sub3A_80 : vector<16xf32>
      %mul3A_82 = arith.constant 0.707106769 : f32
      %mul3A_83 = vector.broadcast %mul3A_82 : f32 to vector<16xf32>
      %mul3A_84 = arith.mulf %sub3A_81, %mul3A_83 : vector<16xf32>
      %abs3A = math.absf %mul3A_84 : vector<16xf32>
      %mul3A_85 = arith.constant 0.327591091 : f32
      %mul3A_86 = vector.broadcast %mul3A_85 : f32 to vector<16xf32>
      %mul3A_87 = arith.mulf %mul3A_86, %abs3A : vector<16xf32>
      %add3A_88 = arith.constant 1.000000e+00 : f32
      %add3A_89 = vector.broadcast %add3A_88 : f32 to vector<16xf32>
      %add3A_90 = arith.addf %add3A_89, %mul3A_87 : vector<16xf32>
      %div3A_91 = arith.constant 1.000000e+00 : f32
      %div3A_92 = vector.broadcast %div3A_91 : f32 to vector<16xf32>
      %div3A_93 = arith.divf %div3A_92, %add3A_90 : vector<16xf32>
      %mul3A_94 = arith.constant 1.06140542 : f32
      %mul3A_95 = vector.broadcast %mul3A_94 : f32 to vector<16xf32>
      %mul3A_96 = arith.mulf %div3A_93, %mul3A_95 : vector<16xf32>
      %add3A_97 = arith.constant -1.45315206 : f32
      %add3A_98 = vector.broadcast %add3A_97 : f32 to vector<16xf32>
      %add3A_99 = arith.addf %add3A_98, %mul3A_96 : vector<16xf32>
      %mul3A_100 = arith.mulf %div3A_93, %add3A_99 : vector<16xf32>
      %add3A_101 = arith.constant 1.42141378 : f32
      %add3A_102 = vector.broadcast %add3A_101 : f32 to vector<16xf32>
      %add3A_103 = arith.addf %add3A_102, %mul3A_100 : vector<16xf32>
      %mul3A_104 = arith.mulf %div3A_93, %add3A_103 : vector<16xf32>
      %add3A_105 = arith.constant -0.284496725 : f32
      %add3A_106 = vector.broadcast %add3A_105 : f32 to vector<16xf32>
      %add3A_107 = arith.addf %add3A_106, %mul3A_104 : vector<16xf32>
      %mul3A_108 = arith.mulf %div3A_93, %add3A_107 : vector<16xf32>
      %add3A_109 = arith.constant 0.254829586 : f32
      %add3A_110 = vector.broadcast %add3A_109 : f32 to vector<16xf32>
      %add3A_111 = arith.addf %add3A_110, %mul3A_108 : vector<16xf32>
      %mul3A_112 = arith.mulf %div3A_93, %add3A_111 : vector<16xf32>
      %neg3A = arith.constant 0.000000e+00 : f32
      %neg3A_113 = vector.broadcast %neg3A : f32 to vector<16xf32>
      %neg3A_114 = arith.subf %neg3A_113, %abs3A : vector<16xf32>
      %mul3A_115 = arith.mulf %neg3A_114, %abs3A : vector<16xf32>
      %exp3A = math.exp %mul3A_115 : vector<16xf32>
      %mul3A_116 = arith.mulf %mul3A_112, %exp3A : vector<16xf32>
      %sub3A_117 = arith.constant 1.000000e+00 : f32
      %sub3A_118 = vector.broadcast %sub3A_117 : f32 to vector<16xf32>
      %sub3A_119 = arith.subf %sub3A_118, %mul3A_116 : vector<16xf32>
      %lt3A = arith.constant 0.000000e+00 : f32
      %lt3A_120 = vector.broadcast %lt3A : f32 to vector<16xf32>
      %lt3A_121 = arith.cmpf olt, %mul3A_84, %lt3A_120 : vector<16xf32>
      %neg3A_122 = arith.constant 0.000000e+00 : f32
      %neg3A_123 = vector.broadcast %neg3A_122 : f32 to vector<16xf32>
      %neg3A_124 = arith.subf %neg3A_123, %sub3A_119 : vector<16xf32>
      %select_n3A_125 = arith.select %lt3A_121, %neg3A_124, %sub3A_119 : vector<16xi1>, vector<16xf32>
      %add3A_126 = arith.constant 1.000000e+00 : f32
      %add3A_127 = vector.broadcast %add3A_126 : f32 to vector<16xf32>
      %add3A_128 = arith.addf %add3A_127, %select_n3A_125 : vector<16xf32>
      %mul3A_129 = arith.constant 5.000000e-01 : f32
      %mul3A_130 = vector.broadcast %mul3A_129 : f32 to vector<16xf32>
      %mul3A_131 = arith.mulf %mul3A_130, %add3A_128 : vector<16xf32>
      %jit3A_132 = arith.constant 0.000000e+00 : f32
      %jit3A_133 = arith.constant 1.000000e+00 : f32
      %max3A = vector.broadcast %jit3A_132 : f32 to vector<16xf32>
      %max3A_134 = arith.maximumf %max3A, %mul3A_131 : vector<16xf32>
      %min3A = vector.broadcast %jit3A_133 : f32 to vector<16xf32>
      %min3A_135 = arith.minimumf %min3A, %max3A_134 : vector<16xf32>
      %broadcast_in_dim3A_136 = arith.constant 0 : i32
      %broadcast_in_dim3A_137 = vector.broadcast %broadcast_in_dim3A_136 : i32 to vector<16xi32>
      %lt3A_138 = arith.constant 0 : i32
      %lt3A_139 = vector.broadcast %lt3A_138 : i32 to vector<16xi32>
      %lt3A_140 = arith.cmpi slt, %broadcast_in_dim3A_137, %lt3A_139 : vector<16xi32>
      %add3A_141 = arith.constant 16 : i32
      %add3A_142 = vector.broadcast %add3A_141 : i32 to vector<16xi32>
      %add3A_143 = arith.addi %broadcast_in_dim3A_137, %add3A_142 : vector<16xi32>
      %select_n3A_144 = arith.select %lt3A_140, %add3A_143, %broadcast_in_dim3A_137 : vector<16xi1>, vector<16xi32>
      %broadcast_in_dim3A_145 = vector.shape_cast %select_n3A_144 : vector<16xi32> to vector<16x1xi32>
      %gather3A = vector.shape_cast %broadcast_in_dim3A_145 : vector<16x1xi32> to vector<16xi32>
      %gather3A_146 = tpu.dynamic_gather %min3A_135[%gather3A] in [0] : vector<16xf32>, vector<16xi32> -> vector<16xf32>
      %mul3A_147 = arith.constant 16 : i32
      %mul3A_148 = arith.muli %scan3A_25, %mul3A_147 : i32
      %add3A_149 = arith.constant 0 : i32
      %add3A_150 = arith.addi %mul3A_148, %add3A_149 : i32
      %sub3A_151 = arith.subf %gather3A_146, %get3A_7 : vector<16xf32>
      %abs3A_152 = math.absf %sub3A_151 : vector<16xf32>
      %le3A = arith.cmpf ole, %abs3A_152, %get3A_4 : vector<16xf32>
      %select_n3A_153 = arith.select %le3A, %broadcast_in_dim3A_17, %broadcast_in_dim3A_19 : vector<16xi1>, vector<16xf32>
      %swap3A = arith.index_cast %add3A_150 : i32 to index
      %swap3A_154 = arith.constant 0 : index
      %swap3A_155 = tpu.vector_load %arg7[%swap3A, %swap3A_154] {strides = array<i32>} : memref<512x64xf32, #tpu.memory_space<vmem>>, vector<1x16xf32>,
      %swap3A_156 = vector.shape_cast %swap3A_155 : vector<1x16xf32> to vector<16xf32>
      %swap3A_157 = vector.shape_cast %select_n3A_153 : vector<16xf32> to vector<1x16xf32>
      tpu.vector_store %arg7[%swap3A, %swap3A_154], %swap3A_157 {strides = array<i32>} : memref<512x64xf32, #tpu.memory_space<vmem>>, vector<1x16xf32>,
      %sub3A_158 = arith.subf %gather3A_146, %get3A_10 : vector<16xf32>
      %abs3A_159 = math.absf %sub3A_158 : vector<16xf32>
      %le3A_160 = arith.cmpf ole, %abs3A_159, %get3A_4 : vector<16xf32>
      %select_n3A_161 = arith.select %le3A_160, %broadcast_in_dim3A_17, %broadcast_in_dim3A_19 : vector<16xi1>, vector<16xf32>
      %swap3A_162 = arith.index_cast %add3A_150 : i32 to index
      %swap3A_163 = arith.constant 16 : index
      %swap3A_164 = tpu.vector_load %arg7[%swap3A_162, %swap3A_163] {strides = array<i32>} : memref<512x64xf32, #tpu.memory_space<vmem>>, vector<1x16xf32>,
      %swap3A_165 = vector.shape_cast %swap3A_164 : vector<1x16xf32> to vector<16xf32>
      %swap3A_166 = vector.shape_cast %select_n3A_161 : vector<16xf32> to vector<1x16xf32>
      tpu.vector_store %arg7[%swap3A_162, %swap3A_163], %swap3A_166 {strides = array<i32>} : memref<512x64xf32, #tpu.memory_space<vmem>>, vector<1x16xf32>,
      %sub3A_167 = arith.subf %gather3A_146, %get3A_13 : vector<16xf32>
      %abs3A_168 = math.absf %sub3A_167 : vector<16xf32>
      %le3A_169 = arith.cmpf ole, %abs3A_168, %get3A_4 : vector<16xf32>
      %select_n3A_170 = arith.select %le3A_169, %broadcast_in_dim3A_17, %broadcast_in_dim3A_19 : vector<16xi1>, vector<16xf32>
      %swap3A_171 = arith.index_cast %add3A_150 : i32 to index
      %swap3A_172 = arith.constant 32 : index
      %swap3A_173 = tpu.vector_load %arg7[%swap3A_171, %swap3A_172] {strides = array<i32>} : memref<512x64xf32, #tpu.memory_space<vmem>>, vector<1x16xf32>,
      %swap3A_174 = vector.shape_cast %swap3A_173 : vector<1x16xf32> to vector<16xf32>
      %swap3A_175 = vector.shape_cast %select_n3A_170 : vector<16xf32> to vector<1x16xf32>
      tpu.vector_store %arg7[%swap3A_171, %swap3A_172], %swap3A_175 {strides = array<i32>} : memref<512x64xf32, #tpu.memory_space<vmem>>, vector<1x16xf32>,
      %sub3A_176 = arith.subf %gather3A_146, %get3A_16 : vector<16xf32>
      %abs3A_177 = math.absf %sub3A_176 : vector<16xf32>
      %le3A_178 = arith.cmpf ole, %abs3A_177, %get3A_4 : vector<16xf32>
      %select_n3A_179 = arith.select %le3A_178, %broadcast_in_dim3A_17, %broadcast_in_dim3A_19 : vector<16xi1>, vector<16xf32>
      %swap3A_180 = arith.index_cast %add3A_150 : i32 to index
      %swap3A_181 = arith.constant 48 : index
      %swap3A_182 = tpu.vector_load %arg7[%swap3A_180, %swap3A_181] {strides = array<i32>} : memref<512x64xf32, #tpu.memory_space<vmem>>, vector<1x16xf32>,
      %swap3A_183 = vector.shape_cast %swap3A_182 : vector<1x16xf32> to vector<16xf32>
      %swap3A_184 = vector.shape_cast %select_n3A_179 : vector<16xf32> to vector<1x16xf32>
      tpu.vector_store %arg7[%swap3A_180, %swap3A_181], %swap3A_184 {strides = array<i32>} : memref<512x64xf32, #tpu.memory_space<vmem>>, vector<1x16xf32>,
      %broadcast_in_dim3A_185 = arith.constant 1 : i32
      %broadcast_in_dim3A_186 = vector.broadcast %broadcast_in_dim3A_185 : i32 to vector<16xi32>
      %lt3A_187 = arith.constant 0 : i32
      %lt3A_188 = vector.broadcast %lt3A_187 : i32 to vector<16xi32>
      %lt3A_189 = arith.cmpi slt, %broadcast_in_dim3A_186, %lt3A_188 : vector<16xi32>
      %add3A_190 = arith.constant 16 : i32
      %add3A_191 = vector.broadcast %add3A_190 : i32 to vector<16xi32>
      %add3A_192 = arith.addi %broadcast_in_dim3A_186, %add3A_191 : vector<16xi32>
      %select_n3A_193 = arith.select %lt3A_189, %add3A_192, %broadcast_in_dim3A_186 : vector<16xi1>, vector<16xi32>
      %broadcast_in_dim3A_194 = vector.shape_cast %select_n3A_193 : vector<16xi32> to vector<16x1xi32>
      %gather3A_195 = vector.shape_cast %broadcast_in_dim3A_194 : vector<16x1xi32> to vector<16xi32>
      %gather3A_196 = tpu.dynamic_gather %min3A_135[%gather3A_195] in [0] : vector<16xf32>, vector<16xi32> -> vector<16xf32>
      %mul3A_197 = arith.constant 16 : i32
      %mul3A_198 = arith.muli %scan3A_25, %mul3A_197 : i32
      %add3A_199 = arith.constant 1 : i32
      %add3A_200 = arith.addi %mul3A_198, %add3A_199 : i32
      %sub3A_201 = arith.subf %gather3A_196, %get3A_7 : vector<16xf32>
      %abs3A_202 = math.absf %sub3A_201 : vector<16xf32>
      %le3A_203 = arith.cmpf ole, %abs3A_202, %get3A_4 : vector<16xf32>
      %select_n3A_204 = arith.select %le3A_203, %broadcast_in_dim3A_17, %broadcast_in_dim3A_19 : vector<16xi1>, vector<16xf32>
      %swap3A_205 = arith.index_cast %add3A_200 : i32 to index
      %swap3A_206 = arith.constant 0 : index
      %swap3A_207 = tpu.vector_load %arg7[%swap3A_205, %swap3A_206] {strides = array<i32>} : memref<512x64xf32, #tpu.memory_space<vmem>>, vector<1x16xf32>,
      %swap3A_208 = vector.shape_cast %swap3A_207 : vector<1x16xf32> to vector<16xf32>
      %swap3A_209 = vector.shape_cast %select_n3A_204 : vector<16xf32> to vector<1x16xf32>
      tpu.vector_store %arg7[%swap3A_205, %swap3A_206], %swap3A_209 {strides = array<i32>} : memref<512x64xf32, #tpu.memory_space<vmem>>, vector<1x16xf32>,
      %sub3A_210 = arith.subf %gather3A_196, %get3A_10 : vector<16xf32>
      %abs3A_211 = math.absf %sub3A_210 : vector<16xf32>
      %le3A_212 = arith.cmpf ole, %abs3A_211, %get3A_4 : vector<16xf32>
      %select_n3A_213 = arith.select %le3A_212, %broadcast_in_dim3A_17, %broadcast_in_dim3A_19 : vector<16xi1>, vector<16xf32>
      %swap3A_214 = arith.index_cast %add3A_200 : i32 to index
      %swap3A_215 = arith.constant 16 : index
      %swap3A_216 = tpu.vector_load %arg7[%swap3A_214, %swap3A_215] {strides = array<i32>} : memref<512x64xf32, #tpu.memory_space<vmem>>, vector<1x16xf32>,
      %swap3A_217 = vector.shape_cast %swap3A_216 : vector<1x16xf32> to vector<16xf32>
      %swap3A_218 = vector.shape_cast %select_n3A_213 : vector<16xf32> to vector<1x16xf32>
      tpu.vector_store %arg7[%swap3A_214, %swap3A_215], %swap3A_218 {strides = array<i32>} : memref<512x64xf32, #tpu.memory_space<vmem>>, vector<1x16xf32>,
      %sub3A_219 = arith.subf %gather3A_196, %get3A_13 : vector<16xf32>
      %abs3A_220 = math.absf %sub3A_219 : vector<16xf32>
      %le3A_221 = arith.cmpf ole, %abs3A_220, %get3A_4 : vector<16xf32>
      %select_n3A_222 = arith.select %le3A_221, %broadcast_in_dim3A_17, %broadcast_in_dim3A_19 : vector<16xi1>, vector<16xf32>
      %swap3A_223 = arith.index_cast %add3A_200 : i32 to index
      %swap3A_224 = arith.constant 32 : index
      %swap3A_225 = tpu.vector_load %arg7[%swap3A_223, %swap3A_224] {strides = array<i32>} : memref<512x64xf32, #tpu.memory_space<vmem>>, vector<1x16xf32>,
      %swap3A_226 = vector.shape_cast %swap3A_225 : vector<1x16xf32> to vector<16xf32>
      %swap3A_227 = vector.shape_cast %select_n3A_222 : vector<16xf32> to vector<1x16xf32>
      tpu.vector_store %arg7[%swap3A_223, %swap3A_224], %swap3A_227 {strides = array<i32>} : memref<512x64xf32, #tpu.memory_space<vmem>>, vector<1x16xf32>,
      %sub3A_228 = arith.subf %gather3A_196, %get3A_16 : vector<16xf32>
      %abs3A_229 = math.absf %sub3A_228 : vector<16xf32>
      %le3A_230 = arith.cmpf ole, %abs3A_229, %get3A_4 : vector<16xf32>
      %select_n3A_231 = arith.select %le3A_230, %broadcast_in_dim3A_17, %broadcast_in_dim3A_19 : vector<16xi1>, vector<16xf32>
      %swap3A_232 = arith.index_cast %add3A_200 : i32 to index
      %swap3A_233 = arith.constant 48 : index
      %swap3A_234 = tpu.vector_load %arg7[%swap3A_232, %swap3A_233] {strides = array<i32>} : memref<512x64xf32, #tpu.memory_space<vmem>>, vector<1x16xf32>,
      %swap3A_235 = vector.shape_cast %swap3A_234 : vector<1x16xf32> to vector<16xf32>
      %swap3A_236 = vector.shape_cast %select_n3A_231 : vector<16xf32> to vector<1x16xf32>
      tpu.vector_store %arg7[%swap3A_232, %swap3A_233], %swap3A_236 {strides = array<i32>} : memref<512x64xf32, #tpu.memory_space<vmem>>, vector<1x16xf32>,
      %broadcast_in_dim3A_237 = arith.constant 2 : i32
      %broadcast_in_dim3A_238 = vector.broadcast %broadcast_in_dim3A_237 : i32 to vector<16xi32>
      %lt3A_239 = arith.constant 0 : i32
      %lt3A_240 = vector.broadcast %lt3A_239 : i32 to vector<16xi32>
      %lt3A_241 = arith.cmpi slt, %broadcast_in_dim3A_238, %lt3A_240 : vector<16xi32>
      %add3A_242 = arith.constant 16 : i32
      %add3A_243 = vector.broadcast %add3A_242 : i32 to vector<16xi32>
      %add3A_244 = arith.addi %broadcast_in_dim3A_238, %add3A_243 : vector<16xi32>
      %select_n3A_245 = arith.select %lt3A_241, %add3A_244, %broadcast_in_dim3A_238 : vector<16xi1>, vector<16xi32>
      %broadcast_in_dim3A_246 = vector.shape_cast %select_n3A_245 : vector<16xi32> to vector<16x1xi32>
      %gather3A_247 = vector.shape_cast %broadcast_in_dim3A_246 : vector<16x1xi32> to vector<16xi32>
      %gather3A_248 = tpu.dynamic_gather %min3A_135[%gather3A_247] in [0] : vector<16xf32>, vector<16xi32> -> vector<16xf32>
      %mul3A_249 = arith.constant 16 : i32
      %mul3A_250 = arith.muli %scan3A_25, %mul3A_249 : i32
      %add3A_251 = arith.constant 2 : i32
      %add3A_252 = arith.addi %mul3A_250, %add3A_251 : i32
      %sub3A_253 = arith.subf %gather3A_248, %get3A_7 : vector<16xf32>
      %abs3A_254 = math.absf %sub3A_253 : vector<16xf32>
      %le3A_255 = arith.cmpf ole, %abs3A_254, %get3A_4 : vector<16xf32>
      %select_n3A_256 = arith.select %le3A_255, %broadcast_in_dim3A_17, %broadcast_in_dim3A_19 : vector<16xi1>, vector<16xf32>
      %swap3A_257 = arith.index_cast %add3A_252 : i32 to index
      %swap3A_258 = arith.constant 0 : index
      %swap3A_259 = tpu.vector_load %arg7[%swap3A_257, %swap3A_258] {strides = array<i32>} : memref<512x64xf32, #tpu.memory_space<vmem>>, vector<1x16xf32>,
      %swap3A_260 = vector.shape_cast %swap3A_259 : vector<1x16xf32> to vector<16xf32>
      %swap3A_261 = vector.shape_cast %select_n3A_256 : vector<16xf32> to vector<1x16xf32>
      tpu.vector_store %arg7[%swap3A_257, %swap3A_258], %swap3A_261 {strides = array<i32>} : memref<512x64xf32, #tpu.memory_space<vmem>>, vector<1x16xf32>,
      %sub3A_262 = arith.subf %gather3A_248, %get3A_10 : vector<16xf32>
      %abs3A_263 = math.absf %sub3A_262 : vector<16xf32>
      %le3A_264 = arith.cmpf ole, %abs3A_263, %get3A_4 : vector<16xf32>
      %select_n3A_265 = arith.select %le3A_264, %broadcast_in_dim3A_17, %broadcast_in_dim3A_19 : vector<16xi1>, vector<16xf32>
      %swap3A_266 = arith.index_cast %add3A_252 : i32 to index
      %swap3A_267 = arith.constant 16 : index
      %swap3A_268 = tpu.vector_load %arg7[%swap3A_266, %swap3A_267] {strides = array<i32>} : memref<512x64xf32, #tpu.memory_space<vmem>>, vector<1x16xf32>,
      %swap3A_269 = vector.shape_cast %swap3A_268 : vector<1x16xf32> to vector<16xf32>
      %swap3A_270 = vector.shape_cast %select_n3A_265 : vector<16xf32> to vector<1x16xf32>
      tpu.vector_store %arg7[%swap3A_266, %swap3A_267], %swap3A_270 {strides = array<i32>} : memref<512x64xf32, #tpu.memory_space<vmem>>, vector<1x16xf32>,
      %sub3A_271 = arith.subf %gather3A_248, %get3A_13 : vector<16xf32>
      %abs3A_272 = math.absf %sub3A_271 : vector<16xf32>
      %le3A_273 = arith.cmpf ole, %abs3A_272, %get3A_4 : vector<16xf32>
      %select_n3A_274 = arith.select %le3A_273, %broadcast_in_dim3A_17, %broadcast_in_dim3A_19 : vector<16xi1>, vector<16xf32>
      %swap3A_275 = arith.index_cast %add3A_252 : i32 to index
      %swap3A_276 = arith.constant 32 : index
      %swap3A_277 = tpu.vector_load %arg7[%swap3A_275, %swap3A_276] {strides = array<i32>} : memref<512x64xf32, #tpu.memory_space<vmem>>, vector<1x16xf32>,
      %swap3A_278 = vector.shape_cast %swap3A_277 : vector<1x16xf32> to vector<16xf32>
      %swap3A_279 = vector.shape_cast %select_n3A_274 : vector<16xf32> to vector<1x16xf32>
      tpu.vector_store %arg7[%swap3A_275, %swap3A_276], %swap3A_279 {strides = array<i32>} : memref<512x64xf32, #tpu.memory_space<vmem>>, vector<1x16xf32>,
      %sub3A_280 = arith.subf %gather3A_248, %get3A_16 : vector<16xf32>
      %abs3A_281 = math.absf %sub3A_280 : vector<16xf32>
      %le3A_282 = arith.cmpf ole, %abs3A_281, %get3A_4 : vector<16xf32>
      %select_n3A_283 = arith.select %le3A_282, %broadcast_in_dim3A_17, %broadcast_in_dim3A_19 : vector<16xi1>, vector<16xf32>
      %swap3A_284 = arith.index_cast %add3A_252 : i32 to index
      %swap3A_285 = arith.constant 48 : index
      %swap3A_286 = tpu.vector_load %arg7[%swap3A_284, %swap3A_285] {strides = array<i32>} : memref<512x64xf32, #tpu.memory_space<vmem>>, vector<1x16xf32>,
      %swap3A_287 = vector.shape_cast %swap3A_286 : vector<1x16xf32> to vector<16xf32>
      %swap3A_288 = vector.shape_cast %select_n3A_283 : vector<16xf32> to vector<1x16xf32>
      tpu.vector_store %arg7[%swap3A_284, %swap3A_285], %swap3A_288 {strides = array<i32>} : memref<512x64xf32, #tpu.memory_space<vmem>>, vector<1x16xf32>,
      %broadcast_in_dim3A_289 = arith.constant 3 : i32
      %broadcast_in_dim3A_290 = vector.broadcast %broadcast_in_dim3A_289 : i32 to vector<16xi32>
      %lt3A_291 = arith.constant 0 : i32
      %lt3A_292 = vector.broadcast %lt3A_291 : i32 to vector<16xi32>
      %lt3A_293 = arith.cmpi slt, %broadcast_in_dim3A_290, %lt3A_292 : vector<16xi32>
      %add3A_294 = arith.constant 16 : i32
      %add3A_295 = vector.broadcast %add3A_294 : i32 to vector<16xi32>
      %add3A_296 = arith.addi %broadcast_in_dim3A_290, %add3A_295 : vector<16xi32>
      %select_n3A_297 = arith.select %lt3A_293, %add3A_296, %broadcast_in_dim3A_290 : vector<16xi1>, vector<16xi32>
      %broadcast_in_dim3A_298 = vector.shape_cast %select_n3A_297 : vector<16xi32> to vector<16x1xi32>
      %gather3A_299 = vector.shape_cast %broadcast_in_dim3A_298 : vector<16x1xi32> to vector<16xi32>
      %gather3A_300 = tpu.dynamic_gather %min3A_135[%gather3A_299] in [0] : vector<16xf32>, vector<16xi32> -> vector<16xf32>
      %mul3A_301 = arith.constant 16 : i32
      %mul3A_302 = arith.muli %scan3A_25, %mul3A_301 : i32
      %add3A_303 = arith.constant 3 : i32
      %add3A_304 = arith.addi %mul3A_302, %add3A_303 : i32
      %sub3A_305 = arith.subf %gather3A_300, %get3A_7 : vector<16xf32>
      %abs3A_306 = math.absf %sub3A_305 : vector<16xf32>
      %le3A_307 = arith.cmpf ole, %abs3A_306, %get3A_4 : vector<16xf32>
      %select_n3A_308 = arith.select %le3A_307, %broadcast_in_dim3A_17, %broadcast_in_dim3A_19 : vector<16xi1>, vector<16xf32>
      %swap3A_309 = arith.index_cast %add3A_304 : i32 to index
      %swap3A_310 = arith.constant 0 : index
      %swap3A_311 = tpu.vector_load %arg7[%swap3A_309, %swap3A_310] {strides = array<i32>} : memref<512x64xf32, #tpu.memory_space<vmem>>, vector<1x16xf32>,
      %swap3A_312 = vector.shape_cast %swap3A_311 : vector<1x16xf32> to vector<16xf32>
      %swap3A_313 = vector.shape_cast %select_n3A_308 : vector<16xf32> to vector<1x16xf32>
      tpu.vector_store %arg7[%swap3A_309, %swap3A_310], %swap3A_313 {strides = array<i32>} : memref<512x64xf32, #tpu.memory_space<vmem>>, vector<1x16xf32>,
      %sub3A_314 = arith.subf %gather3A_300, %get3A_10 : vector<16xf32>
      %abs3A_315 = math.absf %sub3A_314 : vector<16xf32>
      %le3A_316 = arith.cmpf ole, %abs3A_315, %get3A_4 : vector<16xf32>
      %select_n3A_317 = arith.select %le3A_316, %broadcast_in_dim3A_17, %broadcast_in_dim3A_19 : vector<16xi1>, vector<16xf32>
      %swap3A_318 = arith.index_cast %add3A_304 : i32 to index
      %swap3A_319 = arith.constant 16 : index
      %swap3A_320 = tpu.vector_load %arg7[%swap3A_318, %swap3A_319] {strides = array<i32>} : memref<512x64xf32, #tpu.memory_space<vmem>>, vector<1x16xf32>,
      %swap3A_321 = vector.shape_cast %swap3A_320 : vector<1x16xf32> to vector<16xf32>
      %swap3A_322 = vector.shape_cast %select_n3A_317 : vector<16xf32> to vector<1x16xf32>
      tpu.vector_store %arg7[%swap3A_318, %swap3A_319], %swap3A_322 {strides = array<i32>} : memref<512x64xf32, #tpu.memory_space<vmem>>, vector<1x16xf32>,
      %sub3A_323 = arith.subf %gather3A_300, %get3A_13 : vector<16xf32>
      %abs3A_324 = math.absf %sub3A_323 : vector<16xf32>
      %le3A_325 = arith.cmpf ole, %abs3A_324, %get3A_4 : vector<16xf32>
      %select_n3A_326 = arith.select %le3A_325, %broadcast_in_dim3A_17, %broadcast_in_dim3A_19 : vector<16xi1>, vector<16xf32>
      %swap3A_327 = arith.index_cast %add3A_304 : i32 to index
      %swap3A_328 = arith.constant 32 : index
      %swap3A_329 = tpu.vector_load %arg7[%swap3A_327, %swap3A_328] {strides = array<i32>} : memref<512x64xf32, #tpu.memory_space<vmem>>, vector<1x16xf32>,
      %swap3A_330 = vector.shape_cast %swap3A_329 : vector<1x16xf32> to vector<16xf32>
      %swap3A_331 = vector.shape_cast %select_n3A_326 : vector<16xf32> to vector<1x16xf32>
      tpu.vector_store %arg7[%swap3A_327, %swap3A_328], %swap3A_331 {strides = array<i32>} : memref<512x64xf32, #tpu.memory_space<vmem>>, vector<1x16xf32>,
      %sub3A_332 = arith.subf %gather3A_300, %get3A_16 : vector<16xf32>
      %abs3A_333 = math.absf %sub3A_332 : vector<16xf32>
      %le3A_334 = arith.cmpf ole, %abs3A_333, %get3A_4 : vector<16xf32>
      %select_n3A_335 = arith.select %le3A_334, %broadcast_in_dim3A_17, %broadcast_in_dim3A_19 : vector<16xi1>, vector<16xf32>
      %swap3A_336 = arith.index_cast %add3A_304 : i32 to index
      %swap3A_337 = arith.constant 48 : index
      %swap3A_338 = tpu.vector_load %arg7[%swap3A_336, %swap3A_337] {strides = array<i32>} : memref<512x64xf32, #tpu.memory_space<vmem>>, vector<1x16xf32>,
      %swap3A_339 = vector.shape_cast %swap3A_338 : vector<1x16xf32> to vector<16xf32>
      %swap3A_340 = vector.shape_cast %select_n3A_335 : vector<16xf32> to vector<1x16xf32>
      tpu.vector_store %arg7[%swap3A_336, %swap3A_337], %swap3A_340 {strides = array<i32>} : memref<512x64xf32, #tpu.memory_space<vmem>>, vector<1x16xf32>,
      %broadcast_in_dim3A_341 = arith.constant 4 : i32
      %broadcast_in_dim3A_342 = vector.broadcast %broadcast_in_dim3A_341 : i32 to vector<16xi32>
      %lt3A_343 = arith.constant 0 : i32
      %lt3A_344 = vector.broadcast %lt3A_343 : i32 to vector<16xi32>
      %lt3A_345 = arith.cmpi slt, %broadcast_in_dim3A_342, %lt3A_344 : vector<16xi32>
      %add3A_346 = arith.constant 16 : i32
      %add3A_347 = vector.broadcast %add3A_346 : i32 to vector<16xi32>
      %add3A_348 = arith.addi %broadcast_in_dim3A_342, %add3A_347 : vector<16xi32>
      %select_n3A_349 = arith.select %lt3A_345, %add3A_348, %broadcast_in_dim3A_342 : vector<16xi1>, vector<16xi32>
      %broadcast_in_dim3A_350 = vector.shape_cast %select_n3A_349 : vector<16xi32> to vector<16x1xi32>
      %gather3A_351 = vector.shape_cast %broadcast_in_dim3A_350 : vector<16x1xi32> to vector<16xi32>
      %gather3A_352 = tpu.dynamic_gather %min3A_135[%gather3A_351] in [0] : vector<16xf32>, vector<16xi32> -> vector<16xf32>
      %mul3A_353 = arith.constant 16 : i32
      %mul3A_354 = arith.muli %scan3A_25, %mul3A_353 : i32
      %add3A_355 = arith.constant 4 : i32
      %add3A_356 = arith.addi %mul3A_354, %add3A_355 : i32
      %sub3A_357 = arith.subf %gather3A_352, %get3A_7 : vector<16xf32>
      %abs3A_358 = math.absf %sub3A_357 : vector<16xf32>
      %le3A_359 = arith.cmpf ole, %abs3A_358, %get3A_4 : vector<16xf32>
      %select_n3A_360 = arith.select %le3A_359, %broadcast_in_dim3A_17, %broadcast_in_dim3A_19 : vector<16xi1>, vector<16xf32>
      %swap3A_361 = arith.index_cast %add3A_356 : i32 to index
      %swap3A_362 = arith.constant 0 : index
      %swap3A_363 = tpu.vector_load %arg7[%swap3A_361, %swap3A_362] {strides = array<i32>} : memref<512x64xf32, #tpu.memory_space<vmem>>, vector<1x16xf32>,
      %swap3A_364 = vector.shape_cast %swap3A_363 : vector<1x16xf32> to vector<16xf32>
      %swap3A_365 = vector.shape_cast %select_n3A_360 : vector<16xf32> to vector<1x16xf32>
      tpu.vector_store %arg7[%swap3A_361, %swap3A_362], %swap3A_365 {strides = array<i32>} : memref<512x64xf32, #tpu.memory_space<vmem>>, vector<1x16xf32>,
      %sub3A_366 = arith.subf %gather3A_352, %get3A_10 : vector<16xf32>
      %abs3A_367 = math.absf %sub3A_366 : vector<16xf32>
      %le3A_368 = arith.cmpf ole, %abs3A_367, %get3A_4 : vector<16xf32>
      %select_n3A_369 = arith.select %le3A_368, %broadcast_in_dim3A_17, %broadcast_in_dim3A_19 : vector<16xi1>, vector<16xf32>
      %swap3A_370 = arith.index_cast %add3A_356 : i32 to index
      %swap3A_371 = arith.constant 16 : index
      %swap3A_372 = tpu.vector_load %arg7[%swap3A_370, %swap3A_371] {strides = array<i32>} : memref<512x64xf32, #tpu.memory_space<vmem>>, vector<1x16xf32>,
      %swap3A_373 = vector.shape_cast %swap3A_372 : vector<1x16xf32> to vector<16xf32>
      %swap3A_374 = vector.shape_cast %select_n3A_369 : vector<16xf32> to vector<1x16xf32>
      tpu.vector_store %arg7[%swap3A_370, %swap3A_371], %swap3A_374 {strides = array<i32>} : memref<512x64xf32, #tpu.memory_space<vmem>>, vector<1x16xf32>,
      %sub3A_375 = arith.subf %gather3A_352, %get3A_13 : vector<16xf32>
      %abs3A_376 = math.absf %sub3A_375 : vector<16xf32>
      %le3A_377 = arith.cmpf ole, %abs3A_376, %get3A_4 : vector<16xf32>
      %select_n3A_378 = arith.select %le3A_377, %broadcast_in_dim3A_17, %broadcast_in_dim3A_19 : vector<16xi1>, vector<16xf32>
      %swap3A_379 = arith.index_cast %add3A_356 : i32 to index
      %swap3A_380 = arith.constant 32 : index
      %swap3A_381 = tpu.vector_load %arg7[%swap3A_379, %swap3A_380] {strides = array<i32>} : memref<512x64xf32, #tpu.memory_space<vmem>>, vector<1x16xf32>,
      %swap3A_382 = vector.shape_cast %swap3A_381 : vector<1x16xf32> to vector<16xf32>
      %swap3A_383 = vector.shape_cast %select_n3A_378 : vector<16xf32> to vector<1x16xf32>
      tpu.vector_store %arg7[%swap3A_379, %swap3A_380], %swap3A_383 {strides = array<i32>} : memref<512x64xf32, #tpu.memory_space<vmem>>, vector<1x16xf32>,
      %sub3A_384 = arith.subf %gather3A_352, %get3A_16 : vector<16xf32>
      %abs3A_385 = math.absf %sub3A_384 : vector<16xf32>
      %le3A_386 = arith.cmpf ole, %abs3A_385, %get3A_4 : vector<16xf32>
      %select_n3A_387 = arith.select %le3A_386, %broadcast_in_dim3A_17, %broadcast_in_dim3A_19 : vector<16xi1>, vector<16xf32>
      %swap3A_388 = arith.index_cast %add3A_356 : i32 to index
      %swap3A_389 = arith.constant 48 : index
      %swap3A_390 = tpu.vector_load %arg7[%swap3A_388, %swap3A_389] {strides = array<i32>} : memref<512x64xf32, #tpu.memory_space<vmem>>, vector<1x16xf32>,
      %swap3A_391 = vector.shape_cast %swap3A_390 : vector<1x16xf32> to vector<16xf32>
      %swap3A_392 = vector.shape_cast %select_n3A_387 : vector<16xf32> to vector<1x16xf32>
      tpu.vector_store %arg7[%swap3A_388, %swap3A_389], %swap3A_392 {strides = array<i32>} : memref<512x64xf32, #tpu.memory_space<vmem>>, vector<1x16xf32>,
      %broadcast_in_dim3A_393 = arith.constant 5 : i32
      %broadcast_in_dim3A_394 = vector.broadcast %broadcast_in_dim3A_393 : i32 to vector<16xi32>
      %lt3A_395 = arith.constant 0 : i32
      %lt3A_396 = vector.broadcast %lt3A_395 : i32 to vector<16xi32>
      %lt3A_397 = arith.cmpi slt, %broadcast_in_dim3A_394, %lt3A_396 : vector<16xi32>
      %add3A_398 = arith.constant 16 : i32
      %add3A_399 = vector.broadcast %add3A_398 : i32 to vector<16xi32>
      %add3A_400 = arith.addi %broadcast_in_dim3A_394, %add3A_399 : vector<16xi32>
      %select_n3A_401 = arith.select %lt3A_397, %add3A_400, %broadcast_in_dim3A_394 : vector<16xi1>, vector<16xi32>
      %broadcast_in_dim3A_402 = vector.shape_cast %select_n3A_401 : vector<16xi32> to vector<16x1xi32>
      %gather3A_403 = vector.shape_cast %broadcast_in_dim3A_402 : vector<16x1xi32> to vector<16xi32>
      %gather3A_404 = tpu.dynamic_gather %min3A_135[%gather3A_403] in [0] : vector<16xf32>, vector<16xi32> -> vector<16xf32>
      %mul3A_405 = arith.constant 16 : i32
      %mul3A_406 = arith.muli %scan3A_25, %mul3A_405 : i32
      %add3A_407 = arith.constant 5 : i32
      %add3A_408 = arith.addi %mul3A_406, %add3A_407 : i32
      %sub3A_409 = arith.subf %gather3A_404, %get3A_7 : vector<16xf32>
      %abs3A_410 = math.absf %sub3A_409 : vector<16xf32>
      %le3A_411 = arith.cmpf ole, %abs3A_410, %get3A_4 : vector<16xf32>
      %select_n3A_412 = arith.select %le3A_411, %broadcast_in_dim3A_17, %broadcast_in_dim3A_19 : vector<16xi1>, vector<16xf32>
      %swap3A_413 = arith.index_cast %add3A_408 : i32 to index
      %swap3A_414 = arith.constant 0 : index
      %swap3A_415 = tpu.vector_load %arg7[%swap3A_413, %swap3A_414] {strides = array<i32>} : memref<512x64xf32, #tpu.memory_space<vmem>>, vector<1x16xf32>,
      %swap3A_416 = vector.shape_cast %swap3A_415 : vector<1x16xf32> to vector<16xf32>
      %swap3A_417 = vector.shape_cast %select_n3A_412 : vector<16xf32> to vector<1x16xf32>
      tpu.vector_store %arg7[%swap3A_413, %swap3A_414], %swap3A_417 {strides = array<i32>} : memref<512x64xf32, #tpu.memory_space<vmem>>, vector<1x16xf32>,
      %sub3A_418 = arith.subf %gather3A_404, %get3A_10 : vector<16xf32>
      %abs3A_419 = math.absf %sub3A_418 : vector<16xf32>
      %le3A_420 = arith.cmpf ole, %abs3A_419, %get3A_4 : vector<16xf32>
      %select_n3A_421 = arith.select %le3A_420, %broadcast_in_dim3A_17, %broadcast_in_dim3A_19 : vector<16xi1>, vector<16xf32>
      %swap3A_422 = arith.index_cast %add3A_408 : i32 to index
      %swap3A_423 = arith.constant 16 : index
      %swap3A_424 = tpu.vector_load %arg7[%swap3A_422, %swap3A_423] {strides = array<i32>} : memref<512x64xf32, #tpu.memory_space<vmem>>, vector<1x16xf32>,
      %swap3A_425 = vector.shape_cast %swap3A_424 : vector<1x16xf32> to vector<16xf32>
      %swap3A_426 = vector.shape_cast %select_n3A_421 : vector<16xf32> to vector<1x16xf32>
      tpu.vector_store %arg7[%swap3A_422, %swap3A_423], %swap3A_426 {strides = array<i32>} : memref<512x64xf32, #tpu.memory_space<vmem>>, vector<1x16xf32>,
      %sub3A_427 = arith.subf %gather3A_404, %get3A_13 : vector<16xf32>
      %abs3A_428 = math.absf %sub3A_427 : vector<16xf32>
      %le3A_429 = arith.cmpf ole, %abs3A_428, %get3A_4 : vector<16xf32>
      %select_n3A_430 = arith.select %le3A_429, %broadcast_in_dim3A_17, %broadcast_in_dim3A_19 : vector<16xi1>, vector<16xf32>
      %swap3A_431 = arith.index_cast %add3A_408 : i32 to index
      %swap3A_432 = arith.constant 32 : index
      %swap3A_433 = tpu.vector_load %arg7[%swap3A_431, %swap3A_432] {strides = array<i32>} : memref<512x64xf32, #tpu.memory_space<vmem>>, vector<1x16xf32>,
      %swap3A_434 = vector.shape_cast %swap3A_433 : vector<1x16xf32> to vector<16xf32>
      %swap3A_435 = vector.shape_cast %select_n3A_430 : vector<16xf32> to vector<1x16xf32>
      tpu.vector_store %arg7[%swap3A_431, %swap3A_432], %swap3A_435 {strides = array<i32>} : memref<512x64xf32, #tpu.memory_space<vmem>>, vector<1x16xf32>,
      %sub3A_436 = arith.subf %gather3A_404, %get3A_16 : vector<16xf32>
      %abs3A_437 = math.absf %sub3A_436 : vector<16xf32>
      %le3A_438 = arith.cmpf ole, %abs3A_437, %get3A_4 : vector<16xf32>
      %select_n3A_439 = arith.select %le3A_438, %broadcast_in_dim3A_17, %broadcast_in_dim3A_19 : vector<16xi1>, vector<16xf32>
      %swap3A_440 = arith.index_cast %add3A_408 : i32 to index
      %swap3A_441 = arith.constant 48 : index
      %swap3A_442 = tpu.vector_load %arg7[%swap3A_440, %swap3A_441] {strides = array<i32>} : memref<512x64xf32, #tpu.memory_space<vmem>>, vector<1x16xf32>,
      %swap3A_443 = vector.shape_cast %swap3A_442 : vector<1x16xf32> to vector<16xf32>
      %swap3A_444 = vector.shape_cast %select_n3A_439 : vector<16xf32> to vector<1x16xf32>
      tpu.vector_store %arg7[%swap3A_440, %swap3A_441], %swap3A_444 {strides = array<i32>} : memref<512x64xf32, #tpu.memory_space<vmem>>, vector<1x16xf32>,
      %broadcast_in_dim3A_445 = arith.constant 6 : i32
      %broadcast_in_dim3A_446 = vector.broadcast %broadcast_in_dim3A_445 : i32 to vector<16xi32>
      %lt3A_447 = arith.constant 0 : i32
      %lt3A_448 = vector.broadcast %lt3A_447 : i32 to vector<16xi32>
      %lt3A_449 = arith.cmpi slt, %broadcast_in_dim3A_446, %lt3A_448 : vector<16xi32>
      %add3A_450 = arith.constant 16 : i32
      %add3A_451 = vector.broadcast %add3A_450 : i32 to vector<16xi32>
      %add3A_452 = arith.addi %broadcast_in_dim3A_446, %add3A_451 : vector<16xi32>
      %select_n3A_453 = arith.select %lt3A_449, %add3A_452, %broadcast_in_dim3A_446 : vector<16xi1>, vector<16xi32>
      %broadcast_in_dim3A_454 = vector.shape_cast %select_n3A_453 : vector<16xi32> to vector<16x1xi32>
      %gather3A_455 = vector.shape_cast %broadcast_in_dim3A_454 : vector<16x1xi32> to vector<16xi32>
      %gather3A_456 = tpu.dynamic_gather %min3A_135[%gather3A_455] in [0] : vector<16xf32>, vector<16xi32> -> vector<16xf32>
      %mul3A_457 = arith.constant 16 : i32
      %mul3A_458 = arith.muli %scan3A_25, %mul3A_457 : i32
      %add3A_459 = arith.constant 6 : i32
      %add3A_460 = arith.addi %mul3A_458, %add3A_459 : i32
      %sub3A_461 = arith.subf %gather3A_456, %get3A_7 : vector<16xf32>
      %abs3A_462 = math.absf %sub3A_461 : vector<16xf32>
      %le3A_463 = arith.cmpf ole, %abs3A_462, %get3A_4 : vector<16xf32>
      %select_n3A_464 = arith.select %le3A_463, %broadcast_in_dim3A_17, %broadcast_in_dim3A_19 : vector<16xi1>, vector<16xf32>
      %swap3A_465 = arith.index_cast %add3A_460 : i32 to index
      %swap3A_466 = arith.constant 0 : index
      %swap3A_467 = tpu.vector_load %arg7[%swap3A_465, %swap3A_466] {strides = array<i32>} : memref<512x64xf32, #tpu.memory_space<vmem>>, vector<1x16xf32>,
      %swap3A_468 = vector.shape_cast %swap3A_467 : vector<1x16xf32> to vector<16xf32>
      %swap3A_469 = vector.shape_cast %select_n3A_464 : vector<16xf32> to vector<1x16xf32>
      tpu.vector_store %arg7[%swap3A_465, %swap3A_466], %swap3A_469 {strides = array<i32>} : memref<512x64xf32, #tpu.memory_space<vmem>>, vector<1x16xf32>,
      %sub3A_470 = arith.subf %gather3A_456, %get3A_10 : vector<16xf32>
      %abs3A_471 = math.absf %sub3A_470 : vector<16xf32>
      %le3A_472 = arith.cmpf ole, %abs3A_471, %get3A_4 : vector<16xf32>
      %select_n3A_473 = arith.select %le3A_472, %broadcast_in_dim3A_17, %broadcast_in_dim3A_19 : vector<16xi1>, vector<16xf32>
      %swap3A_474 = arith.index_cast %add3A_460 : i32 to index
      %swap3A_475 = arith.constant 16 : index
      %swap3A_476 = tpu.vector_load %arg7[%swap3A_474, %swap3A_475] {strides = array<i32>} : memref<512x64xf32, #tpu.memory_space<vmem>>, vector<1x16xf32>,
      %swap3A_477 = vector.shape_cast %swap3A_476 : vector<1x16xf32> to vector<16xf32>
      %swap3A_478 = vector.shape_cast %select_n3A_473 : vector<16xf32> to vector<1x16xf32>
      tpu.vector_store %arg7[%swap3A_474, %swap3A_475], %swap3A_478 {strides = array<i32>} : memref<512x64xf32, #tpu.memory_space<vmem>>, vector<1x16xf32>,
      %sub3A_479 = arith.subf %gather3A_456, %get3A_13 : vector<16xf32>
      %abs3A_480 = math.absf %sub3A_479 : vector<16xf32>
      %le3A_481 = arith.cmpf ole, %abs3A_480, %get3A_4 : vector<16xf32>
      %select_n3A_482 = arith.select %le3A_481, %broadcast_in_dim3A_17, %broadcast_in_dim3A_19 : vector<16xi1>, vector<16xf32>
      %swap3A_483 = arith.index_cast %add3A_460 : i32 to index
      %swap3A_484 = arith.constant 32 : index
      %swap3A_485 = tpu.vector_load %arg7[%swap3A_483, %swap3A_484] {strides = array<i32>} : memref<512x64xf32, #tpu.memory_space<vmem>>, vector<1x16xf32>,
      %swap3A_486 = vector.shape_cast %swap3A_485 : vector<1x16xf32> to vector<16xf32>
      %swap3A_487 = vector.shape_cast %select_n3A_482 : vector<16xf32> to vector<1x16xf32>
      tpu.vector_store %arg7[%swap3A_483, %swap3A_484], %swap3A_487 {strides = array<i32>} : memref<512x64xf32, #tpu.memory_space<vmem>>, vector<1x16xf32>,
      %sub3A_488 = arith.subf %gather3A_456, %get3A_16 : vector<16xf32>
      %abs3A_489 = math.absf %sub3A_488 : vector<16xf32>
      %le3A_490 = arith.cmpf ole, %abs3A_489, %get3A_4 : vector<16xf32>
      %select_n3A_491 = arith.select %le3A_490, %broadcast_in_dim3A_17, %broadcast_in_dim3A_19 : vector<16xi1>, vector<16xf32>
      %swap3A_492 = arith.index_cast %add3A_460 : i32 to index
      %swap3A_493 = arith.constant 48 : index
      %swap3A_494 = tpu.vector_load %arg7[%swap3A_492, %swap3A_493] {strides = array<i32>} : memref<512x64xf32, #tpu.memory_space<vmem>>, vector<1x16xf32>,
      %swap3A_495 = vector.shape_cast %swap3A_494 : vector<1x16xf32> to vector<16xf32>
      %swap3A_496 = vector.shape_cast %select_n3A_491 : vector<16xf32> to vector<1x16xf32>
      tpu.vector_store %arg7[%swap3A_492, %swap3A_493], %swap3A_496 {strides = array<i32>} : memref<512x64xf32, #tpu.memory_space<vmem>>, vector<1x16xf32>,
      %broadcast_in_dim3A_497 = arith.constant 7 : i32
      %broadcast_in_dim3A_498 = vector.broadcast %broadcast_in_dim3A_497 : i32 to vector<16xi32>
      %lt3A_499 = arith.constant 0 : i32
      %lt3A_500 = vector.broadcast %lt3A_499 : i32 to vector<16xi32>
      %lt3A_501 = arith.cmpi slt, %broadcast_in_dim3A_498, %lt3A_500 : vector<16xi32>
      %add3A_502 = arith.constant 16 : i32
      %add3A_503 = vector.broadcast %add3A_502 : i32 to vector<16xi32>
      %add3A_504 = arith.addi %broadcast_in_dim3A_498, %add3A_503 : vector<16xi32>
      %select_n3A_505 = arith.select %lt3A_501, %add3A_504, %broadcast_in_dim3A_498 : vector<16xi1>, vector<16xi32>
      %broadcast_in_dim3A_506 = vector.shape_cast %select_n3A_505 : vector<16xi32> to vector<16x1xi32>
      %gather3A_507 = vector.shape_cast %broadcast_in_dim3A_506 : vector<16x1xi32> to vector<16xi32>
      %gather3A_508 = tpu.dynamic_gather %min3A_135[%gather3A_507] in [0] : vector<16xf32>, vector<16xi32> -> vector<16xf32>
      %mul3A_509 = arith.constant 16 : i32
      %mul3A_510 = arith.muli %scan3A_25, %mul3A_509 : i32
      %add3A_511 = arith.constant 7 : i32
      %add3A_512 = arith.addi %mul3A_510, %add3A_511 : i32
      %sub3A_513 = arith.subf %gather3A_508, %get3A_7 : vector<16xf32>
      %abs3A_514 = math.absf %sub3A_513 : vector<16xf32>
      %le3A_515 = arith.cmpf ole, %abs3A_514, %get3A_4 : vector<16xf32>
      %select_n3A_516 = arith.select %le3A_515, %broadcast_in_dim3A_17, %broadcast_in_dim3A_19 : vector<16xi1>, vector<16xf32>
      %swap3A_517 = arith.index_cast %add3A_512 : i32 to index
      %swap3A_518 = arith.constant 0 : index
      %swap3A_519 = tpu.vector_load %arg7[%swap3A_517, %swap3A_518] {strides = array<i32>} : memref<512x64xf32, #tpu.memory_space<vmem>>, vector<1x16xf32>,
      %swap3A_520 = vector.shape_cast %swap3A_519 : vector<1x16xf32> to vector<16xf32>
      %swap3A_521 = vector.shape_cast %select_n3A_516 : vector<16xf32> to vector<1x16xf32>
      tpu.vector_store %arg7[%swap3A_517, %swap3A_518], %swap3A_521 {strides = array<i32>} : memref<512x64xf32, #tpu.memory_space<vmem>>, vector<1x16xf32>,
      %sub3A_522 = arith.subf %gather3A_508, %get3A_10 : vector<16xf32>
      %abs3A_523 = math.absf %sub3A_522 : vector<16xf32>
      %le3A_524 = arith.cmpf ole, %abs3A_523, %get3A_4 : vector<16xf32>
      %select_n3A_525 = arith.select %le3A_524, %broadcast_in_dim3A_17, %broadcast_in_dim3A_19 : vector<16xi1>, vector<16xf32>
      %swap3A_526 = arith.index_cast %add3A_512 : i32 to index
      %swap3A_527 = arith.constant 16 : index
      %swap3A_528 = tpu.vector_load %arg7[%swap3A_526, %swap3A_527] {strides = array<i32>} : memref<512x64xf32, #tpu.memory_space<vmem>>, vector<1x16xf32>,
      %swap3A_529 = vector.shape_cast %swap3A_528 : vector<1x16xf32> to vector<16xf32>
      %swap3A_530 = vector.shape_cast %select_n3A_525 : vector<16xf32> to vector<1x16xf32>
      tpu.vector_store %arg7[%swap3A_526, %swap3A_527], %swap3A_530 {strides = array<i32>} : memref<512x64xf32, #tpu.memory_space<vmem>>, vector<1x16xf32>,
      %sub3A_531 = arith.subf %gather3A_508, %get3A_13 : vector<16xf32>
      %abs3A_532 = math.absf %sub3A_531 : vector<16xf32>
      %le3A_533 = arith.cmpf ole, %abs3A_532, %get3A_4 : vector<16xf32>
      %select_n3A_534 = arith.select %le3A_533, %broadcast_in_dim3A_17, %broadcast_in_dim3A_19 : vector<16xi1>, vector<16xf32>
      %swap3A_535 = arith.index_cast %add3A_512 : i32 to index
      %swap3A_536 = arith.constant 32 : index
      %swap3A_537 = tpu.vector_load %arg7[%swap3A_535, %swap3A_536] {strides = array<i32>} : memref<512x64xf32, #tpu.memory_space<vmem>>, vector<1x16xf32>,
      %swap3A_538 = vector.shape_cast %swap3A_537 : vector<1x16xf32> to vector<16xf32>
      %swap3A_539 = vector.shape_cast %select_n3A_534 : vector<16xf32> to vector<1x16xf32>
      tpu.vector_store %arg7[%swap3A_535, %swap3A_536], %swap3A_539 {strides = array<i32>} : memref<512x64xf32, #tpu.memory_space<vmem>>, vector<1x16xf32>,
      %sub3A_540 = arith.subf %gather3A_508, %get3A_16 : vector<16xf32>
      %abs3A_541 = math.absf %sub3A_540 : vector<16xf32>
      %le3A_542 = arith.cmpf ole, %abs3A_541, %get3A_4 : vector<16xf32>
      %select_n3A_543 = arith.select %le3A_542, %broadcast_in_dim3A_17, %broadcast_in_dim3A_19 : vector<16xi1>, vector<16xf32>
      %swap3A_544 = arith.index_cast %add3A_512 : i32 to index
      %swap3A_545 = arith.constant 48 : index
      %swap3A_546 = tpu.vector_load %arg7[%swap3A_544, %swap3A_545] {strides = array<i32>} : memref<512x64xf32, #tpu.memory_space<vmem>>, vector<1x16xf32>,
      %swap3A_547 = vector.shape_cast %swap3A_546 : vector<1x16xf32> to vector<16xf32>
      %swap3A_548 = vector.shape_cast %select_n3A_543 : vector<16xf32> to vector<1x16xf32>
      tpu.vector_store %arg7[%swap3A_544, %swap3A_545], %swap3A_548 {strides = array<i32>} : memref<512x64xf32, #tpu.memory_space<vmem>>, vector<1x16xf32>,
      %broadcast_in_dim3A_549 = arith.constant 8 : i32
      %broadcast_in_dim3A_550 = vector.broadcast %broadcast_in_dim3A_549 : i32 to vector<16xi32>
      %lt3A_551 = arith.constant 0 : i32
      %lt3A_552 = vector.broadcast %lt3A_551 : i32 to vector<16xi32>
      %lt3A_553 = arith.cmpi slt, %broadcast_in_dim3A_550, %lt3A_552 : vector<16xi32>
      %add3A_554 = arith.constant 16 : i32
      %add3A_555 = vector.broadcast %add3A_554 : i32 to vector<16xi32>
      %add3A_556 = arith.addi %broadcast_in_dim3A_550, %add3A_555 : vector<16xi32>
      %select_n3A_557 = arith.select %lt3A_553, %add3A_556, %broadcast_in_dim3A_550 : vector<16xi1>, vector<16xi32>
      %broadcast_in_dim3A_558 = vector.shape_cast %select_n3A_557 : vector<16xi32> to vector<16x1xi32>
      %gather3A_559 = vector.shape_cast %broadcast_in_dim3A_558 : vector<16x1xi32> to vector<16xi32>
      %gather3A_560 = tpu.dynamic_gather %min3A_135[%gather3A_559] in [0] : vector<16xf32>, vector<16xi32> -> vector<16xf32>
      %mul3A_561 = arith.constant 16 : i32
      %mul3A_562 = arith.muli %scan3A_25, %mul3A_561 : i32
      %add3A_563 = arith.constant 8 : i32
      %add3A_564 = arith.addi %mul3A_562, %add3A_563 : i32
      %sub3A_565 = arith.subf %gather3A_560, %get3A_7 : vector<16xf32>
      %abs3A_566 = math.absf %sub3A_565 : vector<16xf32>
      %le3A_567 = arith.cmpf ole, %abs3A_566, %get3A_4 : vector<16xf32>
      %select_n3A_568 = arith.select %le3A_567, %broadcast_in_dim3A_17, %broadcast_in_dim3A_19 : vector<16xi1>, vector<16xf32>
      %swap3A_569 = arith.index_cast %add3A_564 : i32 to index
      %swap3A_570 = arith.constant 0 : index
      %swap3A_571 = tpu.vector_load %arg7[%swap3A_569, %swap3A_570] {strides = array<i32>} : memref<512x64xf32, #tpu.memory_space<vmem>>, vector<1x16xf32>,
      %swap3A_572 = vector.shape_cast %swap3A_571 : vector<1x16xf32> to vector<16xf32>
      %swap3A_573 = vector.shape_cast %select_n3A_568 : vector<16xf32> to vector<1x16xf32>
      tpu.vector_store %arg7[%swap3A_569, %swap3A_570], %swap3A_573 {strides = array<i32>} : memref<512x64xf32, #tpu.memory_space<vmem>>, vector<1x16xf32>,
      %sub3A_574 = arith.subf %gather3A_560, %get3A_10 : vector<16xf32>
      %abs3A_575 = math.absf %sub3A_574 : vector<16xf32>
      %le3A_576 = arith.cmpf ole, %abs3A_575, %get3A_4 : vector<16xf32>
      %select_n3A_577 = arith.select %le3A_576, %broadcast_in_dim3A_17, %broadcast_in_dim3A_19 : vector<16xi1>, vector<16xf32>
      %swap3A_578 = arith.index_cast %add3A_564 : i32 to index
      %swap3A_579 = arith.constant 16 : index
      %swap3A_580 = tpu.vector_load %arg7[%swap3A_578, %swap3A_579] {strides = array<i32>} : memref<512x64xf32, #tpu.memory_space<vmem>>, vector<1x16xf32>,
      %swap3A_581 = vector.shape_cast %swap3A_580 : vector<1x16xf32> to vector<16xf32>
      %swap3A_582 = vector.shape_cast %select_n3A_577 : vector<16xf32> to vector<1x16xf32>
      tpu.vector_store %arg7[%swap3A_578, %swap3A_579], %swap3A_582 {strides = array<i32>} : memref<512x64xf32, #tpu.memory_space<vmem>>, vector<1x16xf32>,
      %sub3A_583 = arith.subf %gather3A_560, %get3A_13 : vector<16xf32>
      %abs3A_584 = math.absf %sub3A_583 : vector<16xf32>
      %le3A_585 = arith.cmpf ole, %abs3A_584, %get3A_4 : vector<16xf32>
      %select_n3A_586 = arith.select %le3A_585, %broadcast_in_dim3A_17, %broadcast_in_dim3A_19 : vector<16xi1>, vector<16xf32>
      %swap3A_587 = arith.index_cast %add3A_564 : i32 to index
      %swap3A_588 = arith.constant 32 : index
      %swap3A_589 = tpu.vector_load %arg7[%swap3A_587, %swap3A_588] {strides = array<i32>} : memref<512x64xf32, #tpu.memory_space<vmem>>, vector<1x16xf32>,
      %swap3A_590 = vector.shape_cast %swap3A_589 : vector<1x16xf32> to vector<16xf32>
      %swap3A_591 = vector.shape_cast %select_n3A_586 : vector<16xf32> to vector<1x16xf32>
      tpu.vector_store %arg7[%swap3A_587, %swap3A_588], %swap3A_591 {strides = array<i32>} : memref<512x64xf32, #tpu.memory_space<vmem>>, vector<1x16xf32>,
      %sub3A_592 = arith.subf %gather3A_560, %get3A_16 : vector<16xf32>
      %abs3A_593 = math.absf %sub3A_592 : vector<16xf32>
      %le3A_594 = arith.cmpf ole, %abs3A_593, %get3A_4 : vector<16xf32>
      %select_n3A_595 = arith.select %le3A_594, %broadcast_in_dim3A_17, %broadcast_in_dim3A_19 : vector<16xi1>, vector<16xf32>
      %swap3A_596 = arith.index_cast %add3A_564 : i32 to index
      %swap3A_597 = arith.constant 48 : index
      %swap3A_598 = tpu.vector_load %arg7[%swap3A_596, %swap3A_597] {strides = array<i32>} : memref<512x64xf32, #tpu.memory_space<vmem>>, vector<1x16xf32>,
      %swap3A_599 = vector.shape_cast %swap3A_598 : vector<1x16xf32> to vector<16xf32>
      %swap3A_600 = vector.shape_cast %select_n3A_595 : vector<16xf32> to vector<1x16xf32>
      tpu.vector_store %arg7[%swap3A_596, %swap3A_597], %swap3A_600 {strides = array<i32>} : memref<512x64xf32, #tpu.memory_space<vmem>>, vector<1x16xf32>,
      %broadcast_in_dim3A_601 = arith.constant 9 : i32
      %broadcast_in_dim3A_602 = vector.broadcast %broadcast_in_dim3A_601 : i32 to vector<16xi32>
      %lt3A_603 = arith.constant 0 : i32
      %lt3A_604 = vector.broadcast %lt3A_603 : i32 to vector<16xi32>
      %lt3A_605 = arith.cmpi slt, %broadcast_in_dim3A_602, %lt3A_604 : vector<16xi32>
      %add3A_606 = arith.constant 16 : i32
      %add3A_607 = vector.broadcast %add3A_606 : i32 to vector<16xi32>
      %add3A_608 = arith.addi %broadcast_in_dim3A_602, %add3A_607 : vector<16xi32>
      %select_n3A_609 = arith.select %lt3A_605, %add3A_608, %broadcast_in_dim3A_602 : vector<16xi1>, vector<16xi32>
      %broadcast_in_dim3A_610 = vector.shape_cast %select_n3A_609 : vector<16xi32> to vector<16x1xi32>
      %gather3A_611 = vector.shape_cast %broadcast_in_dim3A_610 : vector<16x1xi32> to vector<16xi32>
      %gather3A_612 = tpu.dynamic_gather %min3A_135[%gather3A_611] in [0] : vector<16xf32>, vector<16xi32> -> vector<16xf32>
      %mul3A_613 = arith.constant 16 : i32
      %mul3A_614 = arith.muli %scan3A_25, %mul3A_613 : i32
      %add3A_615 = arith.constant 9 : i32
      %add3A_616 = arith.addi %mul3A_614, %add3A_615 : i32
      %sub3A_617 = arith.subf %gather3A_612, %get3A_7 : vector<16xf32>
      %abs3A_618 = math.absf %sub3A_617 : vector<16xf32>
      %le3A_619 = arith.cmpf ole, %abs3A_618, %get3A_4 : vector<16xf32>
      %select_n3A_620 = arith.select %le3A_619, %broadcast_in_dim3A_17, %broadcast_in_dim3A_19 : vector<16xi1>, vector<16xf32>
      %swap3A_621 = arith.index_cast %add3A_616 : i32 to index
      %swap3A_622 = arith.constant 0 : index
      %swap3A_623 = tpu.vector_load %arg7[%swap3A_621, %swap3A_622] {strides = array<i32>} : memref<512x64xf32, #tpu.memory_space<vmem>>, vector<1x16xf32>,
      %swap3A_624 = vector.shape_cast %swap3A_623 : vector<1x16xf32> to vector<16xf32>
      %swap3A_625 = vector.shape_cast %select_n3A_620 : vector<16xf32> to vector<1x16xf32>
      tpu.vector_store %arg7[%swap3A_621, %swap3A_622], %swap3A_625 {strides = array<i32>} : memref<512x64xf32, #tpu.memory_space<vmem>>, vector<1x16xf32>,
      %sub3A_626 = arith.subf %gather3A_612, %get3A_10 : vector<16xf32>
      %abs3A_627 = math.absf %sub3A_626 : vector<16xf32>
      %le3A_628 = arith.cmpf ole, %abs3A_627, %get3A_4 : vector<16xf32>
      %select_n3A_629 = arith.select %le3A_628, %broadcast_in_dim3A_17, %broadcast_in_dim3A_19 : vector<16xi1>, vector<16xf32>
      %swap3A_630 = arith.index_cast %add3A_616 : i32 to index
      %swap3A_631 = arith.constant 16 : index
      %swap3A_632 = tpu.vector_load %arg7[%swap3A_630, %swap3A_631] {strides = array<i32>} : memref<512x64xf32, #tpu.memory_space<vmem>>, vector<1x16xf32>,
      %swap3A_633 = vector.shape_cast %swap3A_632 : vector<1x16xf32> to vector<16xf32>
      %swap3A_634 = vector.shape_cast %select_n3A_629 : vector<16xf32> to vector<1x16xf32>
      tpu.vector_store %arg7[%swap3A_630, %swap3A_631], %swap3A_634 {strides = array<i32>} : memref<512x64xf32, #tpu.memory_space<vmem>>, vector<1x16xf32>,
      %sub3A_635 = arith.subf %gather3A_612, %get3A_13 : vector<16xf32>
      %abs3A_636 = math.absf %sub3A_635 : vector<16xf32>
      %le3A_637 = arith.cmpf ole, %abs3A_636, %get3A_4 : vector<16xf32>
      %select_n3A_638 = arith.select %le3A_637, %broadcast_in_dim3A_17, %broadcast_in_dim3A_19 : vector<16xi1>, vector<16xf32>
      %swap3A_639 = arith.index_cast %add3A_616 : i32 to index
      %swap3A_640 = arith.constant 32 : index
      %swap3A_641 = tpu.vector_load %arg7[%swap3A_639, %swap3A_640] {strides = array<i32>} : memref<512x64xf32, #tpu.memory_space<vmem>>, vector<1x16xf32>,
      %swap3A_642 = vector.shape_cast %swap3A_641 : vector<1x16xf32> to vector<16xf32>
      %swap3A_643 = vector.shape_cast %select_n3A_638 : vector<16xf32> to vector<1x16xf32>
      tpu.vector_store %arg7[%swap3A_639, %swap3A_640], %swap3A_643 {strides = array<i32>} : memref<512x64xf32, #tpu.memory_space<vmem>>, vector<1x16xf32>,
      %sub3A_644 = arith.subf %gather3A_612, %get3A_16 : vector<16xf32>
      %abs3A_645 = math.absf %sub3A_644 : vector<16xf32>
      %le3A_646 = arith.cmpf ole, %abs3A_645, %get3A_4 : vector<16xf32>
      %select_n3A_647 = arith.select %le3A_646, %broadcast_in_dim3A_17, %broadcast_in_dim3A_19 : vector<16xi1>, vector<16xf32>
      %swap3A_648 = arith.index_cast %add3A_616 : i32 to index
      %swap3A_649 = arith.constant 48 : index
      %swap3A_650 = tpu.vector_load %arg7[%swap3A_648, %swap3A_649] {strides = array<i32>} : memref<512x64xf32, #tpu.memory_space<vmem>>, vector<1x16xf32>,
      %swap3A_651 = vector.shape_cast %swap3A_650 : vector<1x16xf32> to vector<16xf32>
      %swap3A_652 = vector.shape_cast %select_n3A_647 : vector<16xf32> to vector<1x16xf32>
      tpu.vector_store %arg7[%swap3A_648, %swap3A_649], %swap3A_652 {strides = array<i32>} : memref<512x64xf32, #tpu.memory_space<vmem>>, vector<1x16xf32>,
      %broadcast_in_dim3A_653 = arith.constant 10 : i32
      %broadcast_in_dim3A_654 = vector.broadcast %broadcast_in_dim3A_653 : i32 to vector<16xi32>
      %lt3A_655 = arith.constant 0 : i32
      %lt3A_656 = vector.broadcast %lt3A_655 : i32 to vector<16xi32>
      %lt3A_657 = arith.cmpi slt, %broadcast_in_dim3A_654, %lt3A_656 : vector<16xi32>
      %add3A_658 = arith.constant 16 : i32
      %add3A_659 = vector.broadcast %add3A_658 : i32 to vector<16xi32>
      %add3A_660 = arith.addi %broadcast_in_dim3A_654, %add3A_659 : vector<16xi32>
      %select_n3A_661 = arith.select %lt3A_657, %add3A_660, %broadcast_in_dim3A_654 : vector<16xi1>, vector<16xi32>
      %broadcast_in_dim3A_662 = vector.shape_cast %select_n3A_661 : vector<16xi32> to vector<16x1xi32>
      %gather3A_663 = vector.shape_cast %broadcast_in_dim3A_662 : vector<16x1xi32> to vector<16xi32>
      %gather3A_664 = tpu.dynamic_gather %min3A_135[%gather3A_663] in [0] : vector<16xf32>, vector<16xi32> -> vector<16xf32>
      %mul3A_665 = arith.constant 16 : i32
      %mul3A_666 = arith.muli %scan3A_25, %mul3A_665 : i32
      %add3A_667 = arith.constant 10 : i32
      %add3A_668 = arith.addi %mul3A_666, %add3A_667 : i32
      %sub3A_669 = arith.subf %gather3A_664, %get3A_7 : vector<16xf32>
      %abs3A_670 = math.absf %sub3A_669 : vector<16xf32>
      %le3A_671 = arith.cmpf ole, %abs3A_670, %get3A_4 : vector<16xf32>
      %select_n3A_672 = arith.select %le3A_671, %broadcast_in_dim3A_17, %broadcast_in_dim3A_19 : vector<16xi1>, vector<16xf32>
      %swap3A_673 = arith.index_cast %add3A_668 : i32 to index
      %swap3A_674 = arith.constant 0 : index
      %swap3A_675 = tpu.vector_load %arg7[%swap3A_673, %swap3A_674] {strides = array<i32>} : memref<512x64xf32, #tpu.memory_space<vmem>>, vector<1x16xf32>,
      %swap3A_676 = vector.shape_cast %swap3A_675 : vector<1x16xf32> to vector<16xf32>
      %swap3A_677 = vector.shape_cast %select_n3A_672 : vector<16xf32> to vector<1x16xf32>
      tpu.vector_store %arg7[%swap3A_673, %swap3A_674], %swap3A_677 {strides = array<i32>} : memref<512x64xf32, #tpu.memory_space<vmem>>, vector<1x16xf32>,
      %sub3A_678 = arith.subf %gather3A_664, %get3A_10 : vector<16xf32>
      %abs3A_679 = math.absf %sub3A_678 : vector<16xf32>
      %le3A_680 = arith.cmpf ole, %abs3A_679, %get3A_4 : vector<16xf32>
      %select_n3A_681 = arith.select %le3A_680, %broadcast_in_dim3A_17, %broadcast_in_dim3A_19 : vector<16xi1>, vector<16xf32>
      %swap3A_682 = arith.index_cast %add3A_668 : i32 to index
      %swap3A_683 = arith.constant 16 : index
      %swap3A_684 = tpu.vector_load %arg7[%swap3A_682, %swap3A_683] {strides = array<i32>} : memref<512x64xf32, #tpu.memory_space<vmem>>, vector<1x16xf32>,
      %swap3A_685 = vector.shape_cast %swap3A_684 : vector<1x16xf32> to vector<16xf32>
      %swap3A_686 = vector.shape_cast %select_n3A_681 : vector<16xf32> to vector<1x16xf32>
      tpu.vector_store %arg7[%swap3A_682, %swap3A_683], %swap3A_686 {strides = array<i32>} : memref<512x64xf32, #tpu.memory_space<vmem>>, vector<1x16xf32>,
      %sub3A_687 = arith.subf %gather3A_664, %get3A_13 : vector<16xf32>
      %abs3A_688 = math.absf %sub3A_687 : vector<16xf32>
      %le3A_689 = arith.cmpf ole, %abs3A_688, %get3A_4 : vector<16xf32>
      %select_n3A_690 = arith.select %le3A_689, %broadcast_in_dim3A_17, %broadcast_in_dim3A_19 : vector<16xi1>, vector<16xf32>
      %swap3A_691 = arith.index_cast %add3A_668 : i32 to index
      %swap3A_692 = arith.constant 32 : index
      %swap3A_693 = tpu.vector_load %arg7[%swap3A_691, %swap3A_692] {strides = array<i32>} : memref<512x64xf32, #tpu.memory_space<vmem>>, vector<1x16xf32>,
      %swap3A_694 = vector.shape_cast %swap3A_693 : vector<1x16xf32> to vector<16xf32>
      %swap3A_695 = vector.shape_cast %select_n3A_690 : vector<16xf32> to vector<1x16xf32>
      tpu.vector_store %arg7[%swap3A_691, %swap3A_692], %swap3A_695 {strides = array<i32>} : memref<512x64xf32, #tpu.memory_space<vmem>>, vector<1x16xf32>,
      %sub3A_696 = arith.subf %gather3A_664, %get3A_16 : vector<16xf32>
      %abs3A_697 = math.absf %sub3A_696 : vector<16xf32>
      %le3A_698 = arith.cmpf ole, %abs3A_697, %get3A_4 : vector<16xf32>
      %select_n3A_699 = arith.select %le3A_698, %broadcast_in_dim3A_17, %broadcast_in_dim3A_19 : vector<16xi1>, vector<16xf32>
      %swap3A_700 = arith.index_cast %add3A_668 : i32 to index
      %swap3A_701 = arith.constant 48 : index
      %swap3A_702 = tpu.vector_load %arg7[%swap3A_700, %swap3A_701] {strides = array<i32>} : memref<512x64xf32, #tpu.memory_space<vmem>>, vector<1x16xf32>,
      %swap3A_703 = vector.shape_cast %swap3A_702 : vector<1x16xf32> to vector<16xf32>
      %swap3A_704 = vector.shape_cast %select_n3A_699 : vector<16xf32> to vector<1x16xf32>
      tpu.vector_store %arg7[%swap3A_700, %swap3A_701], %swap3A_704 {strides = array<i32>} : memref<512x64xf32, #tpu.memory_space<vmem>>, vector<1x16xf32>,
      %broadcast_in_dim3A_705 = arith.constant 11 : i32
      %broadcast_in_dim3A_706 = vector.broadcast %broadcast_in_dim3A_705 : i32 to vector<16xi32>
      %lt3A_707 = arith.constant 0 : i32
      %lt3A_708 = vector.broadcast %lt3A_707 : i32 to vector<16xi32>
      %lt3A_709 = arith.cmpi slt, %broadcast_in_dim3A_706, %lt3A_708 : vector<16xi32>
      %add3A_710 = arith.constant 16 : i32
      %add3A_711 = vector.broadcast %add3A_710 : i32 to vector<16xi32>
      %add3A_712 = arith.addi %broadcast_in_dim3A_706, %add3A_711 : vector<16xi32>
      %select_n3A_713 = arith.select %lt3A_709, %add3A_712, %broadcast_in_dim3A_706 : vector<16xi1>, vector<16xi32>
      %broadcast_in_dim3A_714 = vector.shape_cast %select_n3A_713 : vector<16xi32> to vector<16x1xi32>
      %gather3A_715 = vector.shape_cast %broadcast_in_dim3A_714 : vector<16x1xi32> to vector<16xi32>
      %gather3A_716 = tpu.dynamic_gather %min3A_135[%gather3A_715] in [0] : vector<16xf32>, vector<16xi32> -> vector<16xf32>
      %mul3A_717 = arith.constant 16 : i32
      %mul3A_718 = arith.muli %scan3A_25, %mul3A_717 : i32
      %add3A_719 = arith.constant 11 : i32
      %add3A_720 = arith.addi %mul3A_718, %add3A_719 : i32
      %sub3A_721 = arith.subf %gather3A_716, %get3A_7 : vector<16xf32>
      %abs3A_722 = math.absf %sub3A_721 : vector<16xf32>
      %le3A_723 = arith.cmpf ole, %abs3A_722, %get3A_4 : vector<16xf32>
      %select_n3A_724 = arith.select %le3A_723, %broadcast_in_dim3A_17, %broadcast_in_dim3A_19 : vector<16xi1>, vector<16xf32>
      %swap3A_725 = arith.index_cast %add3A_720 : i32 to index
      %swap3A_726 = arith.constant 0 : index
      %swap3A_727 = tpu.vector_load %arg7[%swap3A_725, %swap3A_726] {strides = array<i32>} : memref<512x64xf32, #tpu.memory_space<vmem>>, vector<1x16xf32>,
      %swap3A_728 = vector.shape_cast %swap3A_727 : vector<1x16xf32> to vector<16xf32>
      %swap3A_729 = vector.shape_cast %select_n3A_724 : vector<16xf32> to vector<1x16xf32>
      tpu.vector_store %arg7[%swap3A_725, %swap3A_726], %swap3A_729 {strides = array<i32>} : memref<512x64xf32, #tpu.memory_space<vmem>>, vector<1x16xf32>,
      %sub3A_730 = arith.subf %gather3A_716, %get3A_10 : vector<16xf32>
      %abs3A_731 = math.absf %sub3A_730 : vector<16xf32>
      %le3A_732 = arith.cmpf ole, %abs3A_731, %get3A_4 : vector<16xf32>
      %select_n3A_733 = arith.select %le3A_732, %broadcast_in_dim3A_17, %broadcast_in_dim3A_19 : vector<16xi1>, vector<16xf32>
      %swap3A_734 = arith.index_cast %add3A_720 : i32 to index
      %swap3A_735 = arith.constant 16 : index
      %swap3A_736 = tpu.vector_load %arg7[%swap3A_734, %swap3A_735] {strides = array<i32>} : memref<512x64xf32, #tpu.memory_space<vmem>>, vector<1x16xf32>,
      %swap3A_737 = vector.shape_cast %swap3A_736 : vector<1x16xf32> to vector<16xf32>
      %swap3A_738 = vector.shape_cast %select_n3A_733 : vector<16xf32> to vector<1x16xf32>
      tpu.vector_store %arg7[%swap3A_734, %swap3A_735], %swap3A_738 {strides = array<i32>} : memref<512x64xf32, #tpu.memory_space<vmem>>, vector<1x16xf32>,
      %sub3A_739 = arith.subf %gather3A_716, %get3A_13 : vector<16xf32>
      %abs3A_740 = math.absf %sub3A_739 : vector<16xf32>
      %le3A_741 = arith.cmpf ole, %abs3A_740, %get3A_4 : vector<16xf32>
      %select_n3A_742 = arith.select %le3A_741, %broadcast_in_dim3A_17, %broadcast_in_dim3A_19 : vector<16xi1>, vector<16xf32>
      %swap3A_743 = arith.index_cast %add3A_720 : i32 to index
      %swap3A_744 = arith.constant 32 : index
      %swap3A_745 = tpu.vector_load %arg7[%swap3A_743, %swap3A_744] {strides = array<i32>} : memref<512x64xf32, #tpu.memory_space<vmem>>, vector<1x16xf32>,
      %swap3A_746 = vector.shape_cast %swap3A_745 : vector<1x16xf32> to vector<16xf32>
      %swap3A_747 = vector.shape_cast %select_n3A_742 : vector<16xf32> to vector<1x16xf32>
      tpu.vector_store %arg7[%swap3A_743, %swap3A_744], %swap3A_747 {strides = array<i32>} : memref<512x64xf32, #tpu.memory_space<vmem>>, vector<1x16xf32>,
      %sub3A_748 = arith.subf %gather3A_716, %get3A_16 : vector<16xf32>
      %abs3A_749 = math.absf %sub3A_748 : vector<16xf32>
      %le3A_750 = arith.cmpf ole, %abs3A_749, %get3A_4 : vector<16xf32>
      %select_n3A_751 = arith.select %le3A_750, %broadcast_in_dim3A_17, %broadcast_in_dim3A_19 : vector<16xi1>, vector<16xf32>
      %swap3A_752 = arith.index_cast %add3A_720 : i32 to index
      %swap3A_753 = arith.constant 48 : index
      %swap3A_754 = tpu.vector_load %arg7[%swap3A_752, %swap3A_753] {strides = array<i32>} : memref<512x64xf32, #tpu.memory_space<vmem>>, vector<1x16xf32>,
      %swap3A_755 = vector.shape_cast %swap3A_754 : vector<1x16xf32> to vector<16xf32>
      %swap3A_756 = vector.shape_cast %select_n3A_751 : vector<16xf32> to vector<1x16xf32>
      tpu.vector_store %arg7[%swap3A_752, %swap3A_753], %swap3A_756 {strides = array<i32>} : memref<512x64xf32, #tpu.memory_space<vmem>>, vector<1x16xf32>,
      %broadcast_in_dim3A_757 = arith.constant 12 : i32
      %broadcast_in_dim3A_758 = vector.broadcast %broadcast_in_dim3A_757 : i32 to vector<16xi32>
      %lt3A_759 = arith.constant 0 : i32
      %lt3A_760 = vector.broadcast %lt3A_759 : i32 to vector<16xi32>
      %lt3A_761 = arith.cmpi slt, %broadcast_in_dim3A_758, %lt3A_760 : vector<16xi32>
      %add3A_762 = arith.constant 16 : i32
      %add3A_763 = vector.broadcast %add3A_762 : i32 to vector<16xi32>
      %add3A_764 = arith.addi %broadcast_in_dim3A_758, %add3A_763 : vector<16xi32>
      %select_n3A_765 = arith.select %lt3A_761, %add3A_764, %broadcast_in_dim3A_758 : vector<16xi1>, vector<16xi32>
      %broadcast_in_dim3A_766 = vector.shape_cast %select_n3A_765 : vector<16xi32> to vector<16x1xi32>
      %gather3A_767 = vector.shape_cast %broadcast_in_dim3A_766 : vector<16x1xi32> to vector<16xi32>
      %gather3A_768 = tpu.dynamic_gather %min3A_135[%gather3A_767] in [0] : vector<16xf32>, vector<16xi32> -> vector<16xf32>
      %mul3A_769 = arith.constant 16 : i32
      %mul3A_770 = arith.muli %scan3A_25, %mul3A_769 : i32
      %add3A_771 = arith.constant 12 : i32
      %add3A_772 = arith.addi %mul3A_770, %add3A_771 : i32
      %sub3A_773 = arith.subf %gather3A_768, %get3A_7 : vector<16xf32>
      %abs3A_774 = math.absf %sub3A_773 : vector<16xf32>
      %le3A_775 = arith.cmpf ole, %abs3A_774, %get3A_4 : vector<16xf32>
      %select_n3A_776 = arith.select %le3A_775, %broadcast_in_dim3A_17, %broadcast_in_dim3A_19 : vector<16xi1>, vector<16xf32>
      %swap3A_777 = arith.index_cast %add3A_772 : i32 to index
      %swap3A_778 = arith.constant 0 : index
      %swap3A_779 = tpu.vector_load %arg7[%swap3A_777, %swap3A_778] {strides = array<i32>} : memref<512x64xf32, #tpu.memory_space<vmem>>, vector<1x16xf32>,
      %swap3A_780 = vector.shape_cast %swap3A_779 : vector<1x16xf32> to vector<16xf32>
      %swap3A_781 = vector.shape_cast %select_n3A_776 : vector<16xf32> to vector<1x16xf32>
      tpu.vector_store %arg7[%swap3A_777, %swap3A_778], %swap3A_781 {strides = array<i32>} : memref<512x64xf32, #tpu.memory_space<vmem>>, vector<1x16xf32>,
      %sub3A_782 = arith.subf %gather3A_768, %get3A_10 : vector<16xf32>
      %abs3A_783 = math.absf %sub3A_782 : vector<16xf32>
      %le3A_784 = arith.cmpf ole, %abs3A_783, %get3A_4 : vector<16xf32>
      %select_n3A_785 = arith.select %le3A_784, %broadcast_in_dim3A_17, %broadcast_in_dim3A_19 : vector<16xi1>, vector<16xf32>
      %swap3A_786 = arith.index_cast %add3A_772 : i32 to index
      %swap3A_787 = arith.constant 16 : index
      %swap3A_788 = tpu.vector_load %arg7[%swap3A_786, %swap3A_787] {strides = array<i32>} : memref<512x64xf32, #tpu.memory_space<vmem>>, vector<1x16xf32>,
      %swap3A_789 = vector.shape_cast %swap3A_788 : vector<1x16xf32> to vector<16xf32>
      %swap3A_790 = vector.shape_cast %select_n3A_785 : vector<16xf32> to vector<1x16xf32>
      tpu.vector_store %arg7[%swap3A_786, %swap3A_787], %swap3A_790 {strides = array<i32>} : memref<512x64xf32, #tpu.memory_space<vmem>>, vector<1x16xf32>,
      %sub3A_791 = arith.subf %gather3A_768, %get3A_13 : vector<16xf32>
      %abs3A_792 = math.absf %sub3A_791 : vector<16xf32>
      %le3A_793 = arith.cmpf ole, %abs3A_792, %get3A_4 : vector<16xf32>
      %select_n3A_794 = arith.select %le3A_793, %broadcast_in_dim3A_17, %broadcast_in_dim3A_19 : vector<16xi1>, vector<16xf32>
      %swap3A_795 = arith.index_cast %add3A_772 : i32 to index
      %swap3A_796 = arith.constant 32 : index
      %swap3A_797 = tpu.vector_load %arg7[%swap3A_795, %swap3A_796] {strides = array<i32>} : memref<512x64xf32, #tpu.memory_space<vmem>>, vector<1x16xf32>,
      %swap3A_798 = vector.shape_cast %swap3A_797 : vector<1x16xf32> to vector<16xf32>
      %swap3A_799 = vector.shape_cast %select_n3A_794 : vector<16xf32> to vector<1x16xf32>
      tpu.vector_store %arg7[%swap3A_795, %swap3A_796], %swap3A_799 {strides = array<i32>} : memref<512x64xf32, #tpu.memory_space<vmem>>, vector<1x16xf32>,
      %sub3A_800 = arith.subf %gather3A_768, %get3A_16 : vector<16xf32>
      %abs3A_801 = math.absf %sub3A_800 : vector<16xf32>
      %le3A_802 = arith.cmpf ole, %abs3A_801, %get3A_4 : vector<16xf32>
      %select_n3A_803 = arith.select %le3A_802, %broadcast_in_dim3A_17, %broadcast_in_dim3A_19 : vector<16xi1>, vector<16xf32>
      %swap3A_804 = arith.index_cast %add3A_772 : i32 to index
      %swap3A_805 = arith.constant 48 : index
      %swap3A_806 = tpu.vector_load %arg7[%swap3A_804, %swap3A_805] {strides = array<i32>} : memref<512x64xf32, #tpu.memory_space<vmem>>, vector<1x16xf32>,
      %swap3A_807 = vector.shape_cast %swap3A_806 : vector<1x16xf32> to vector<16xf32>
      %swap3A_808 = vector.shape_cast %select_n3A_803 : vector<16xf32> to vector<1x16xf32>
      tpu.vector_store %arg7[%swap3A_804, %swap3A_805], %swap3A_808 {strides = array<i32>} : memref<512x64xf32, #tpu.memory_space<vmem>>, vector<1x16xf32>,
      %broadcast_in_dim3A_809 = arith.constant 13 : i32
      %broadcast_in_dim3A_810 = vector.broadcast %broadcast_in_dim3A_809 : i32 to vector<16xi32>
      %lt3A_811 = arith.constant 0 : i32
      %lt3A_812 = vector.broadcast %lt3A_811 : i32 to vector<16xi32>
      %lt3A_813 = arith.cmpi slt, %broadcast_in_dim3A_810, %lt3A_812 : vector<16xi32>
      %add3A_814 = arith.constant 16 : i32
      %add3A_815 = vector.broadcast %add3A_814 : i32 to vector<16xi32>
      %add3A_816 = arith.addi %broadcast_in_dim3A_810, %add3A_815 : vector<16xi32>
      %select_n3A_817 = arith.select %lt3A_813, %add3A_816, %broadcast_in_dim3A_810 : vector<16xi1>, vector<16xi32>
      %broadcast_in_dim3A_818 = vector.shape_cast %select_n3A_817 : vector<16xi32> to vector<16x1xi32>
      %gather3A_819 = vector.shape_cast %broadcast_in_dim3A_818 : vector<16x1xi32> to vector<16xi32>
      %gather3A_820 = tpu.dynamic_gather %min3A_135[%gather3A_819] in [0] : vector<16xf32>, vector<16xi32> -> vector<16xf32>
      %mul3A_821 = arith.constant 16 : i32
      %mul3A_822 = arith.muli %scan3A_25, %mul3A_821 : i32
      %add3A_823 = arith.constant 13 : i32
      %add3A_824 = arith.addi %mul3A_822, %add3A_823 : i32
      %sub3A_825 = arith.subf %gather3A_820, %get3A_7 : vector<16xf32>
      %abs3A_826 = math.absf %sub3A_825 : vector<16xf32>
      %le3A_827 = arith.cmpf ole, %abs3A_826, %get3A_4 : vector<16xf32>
      %select_n3A_828 = arith.select %le3A_827, %broadcast_in_dim3A_17, %broadcast_in_dim3A_19 : vector<16xi1>, vector<16xf32>
      %swap3A_829 = arith.index_cast %add3A_824 : i32 to index
      %swap3A_830 = arith.constant 0 : index
      %swap3A_831 = tpu.vector_load %arg7[%swap3A_829, %swap3A_830] {strides = array<i32>} : memref<512x64xf32, #tpu.memory_space<vmem>>, vector<1x16xf32>,
      %swap3A_832 = vector.shape_cast %swap3A_831 : vector<1x16xf32> to vector<16xf32>
      %swap3A_833 = vector.shape_cast %select_n3A_828 : vector<16xf32> to vector<1x16xf32>
      tpu.vector_store %arg7[%swap3A_829, %swap3A_830], %swap3A_833 {strides = array<i32>} : memref<512x64xf32, #tpu.memory_space<vmem>>, vector<1x16xf32>,
      %sub3A_834 = arith.subf %gather3A_820, %get3A_10 : vector<16xf32>
      %abs3A_835 = math.absf %sub3A_834 : vector<16xf32>
      %le3A_836 = arith.cmpf ole, %abs3A_835, %get3A_4 : vector<16xf32>
      %select_n3A_837 = arith.select %le3A_836, %broadcast_in_dim3A_17, %broadcast_in_dim3A_19 : vector<16xi1>, vector<16xf32>
      %swap3A_838 = arith.index_cast %add3A_824 : i32 to index
      %swap3A_839 = arith.constant 16 : index
      %swap3A_840 = tpu.vector_load %arg7[%swap3A_838, %swap3A_839] {strides = array<i32>} : memref<512x64xf32, #tpu.memory_space<vmem>>, vector<1x16xf32>,
      %swap3A_841 = vector.shape_cast %swap3A_840 : vector<1x16xf32> to vector<16xf32>
      %swap3A_842 = vector.shape_cast %select_n3A_837 : vector<16xf32> to vector<1x16xf32>
      tpu.vector_store %arg7[%swap3A_838, %swap3A_839], %swap3A_842 {strides = array<i32>} : memref<512x64xf32, #tpu.memory_space<vmem>>, vector<1x16xf32>,
      %sub3A_843 = arith.subf %gather3A_820, %get3A_13 : vector<16xf32>
      %abs3A_844 = math.absf %sub3A_843 : vector<16xf32>
      %le3A_845 = arith.cmpf ole, %abs3A_844, %get3A_4 : vector<16xf32>
      %select_n3A_846 = arith.select %le3A_845, %broadcast_in_dim3A_17, %broadcast_in_dim3A_19 : vector<16xi1>, vector<16xf32>
      %swap3A_847 = arith.index_cast %add3A_824 : i32 to index
      %swap3A_848 = arith.constant 32 : index
      %swap3A_849 = tpu.vector_load %arg7[%swap3A_847, %swap3A_848] {strides = array<i32>} : memref<512x64xf32, #tpu.memory_space<vmem>>, vector<1x16xf32>,
      %swap3A_850 = vector.shape_cast %swap3A_849 : vector<1x16xf32> to vector<16xf32>
      %swap3A_851 = vector.shape_cast %select_n3A_846 : vector<16xf32> to vector<1x16xf32>
      tpu.vector_store %arg7[%swap3A_847, %swap3A_848], %swap3A_851 {strides = array<i32>} : memref<512x64xf32, #tpu.memory_space<vmem>>, vector<1x16xf32>,
      %sub3A_852 = arith.subf %gather3A_820, %get3A_16 : vector<16xf32>
      %abs3A_853 = math.absf %sub3A_852 : vector<16xf32>
      %le3A_854 = arith.cmpf ole, %abs3A_853, %get3A_4 : vector<16xf32>
      %select_n3A_855 = arith.select %le3A_854, %broadcast_in_dim3A_17, %broadcast_in_dim3A_19 : vector<16xi1>, vector<16xf32>
      %swap3A_856 = arith.index_cast %add3A_824 : i32 to index
      %swap3A_857 = arith.constant 48 : index
      %swap3A_858 = tpu.vector_load %arg7[%swap3A_856, %swap3A_857] {strides = array<i32>} : memref<512x64xf32, #tpu.memory_space<vmem>>, vector<1x16xf32>,
      %swap3A_859 = vector.shape_cast %swap3A_858 : vector<1x16xf32> to vector<16xf32>
      %swap3A_860 = vector.shape_cast %select_n3A_855 : vector<16xf32> to vector<1x16xf32>
      tpu.vector_store %arg7[%swap3A_856, %swap3A_857], %swap3A_860 {strides = array<i32>} : memref<512x64xf32, #tpu.memory_space<vmem>>, vector<1x16xf32>,
      %broadcast_in_dim3A_861 = arith.constant 14 : i32
      %broadcast_in_dim3A_862 = vector.broadcast %broadcast_in_dim3A_861 : i32 to vector<16xi32>
      %lt3A_863 = arith.constant 0 : i32
      %lt3A_864 = vector.broadcast %lt3A_863 : i32 to vector<16xi32>
      %lt3A_865 = arith.cmpi slt, %broadcast_in_dim3A_862, %lt3A_864 : vector<16xi32>
      %add3A_866 = arith.constant 16 : i32
      %add3A_867 = vector.broadcast %add3A_866 : i32 to vector<16xi32>
      %add3A_868 = arith.addi %broadcast_in_dim3A_862, %add3A_867 : vector<16xi32>
      %select_n3A_869 = arith.select %lt3A_865, %add3A_868, %broadcast_in_dim3A_862 : vector<16xi1>, vector<16xi32>
      %broadcast_in_dim3A_870 = vector.shape_cast %select_n3A_869 : vector<16xi32> to vector<16x1xi32>
      %gather3A_871 = vector.shape_cast %broadcast_in_dim3A_870 : vector<16x1xi32> to vector<16xi32>
      %gather3A_872 = tpu.dynamic_gather %min3A_135[%gather3A_871] in [0] : vector<16xf32>, vector<16xi32> -> vector<16xf32>
      %mul3A_873 = arith.constant 16 : i32
      %mul3A_874 = arith.muli %scan3A_25, %mul3A_873 : i32
      %add3A_875 = arith.constant 14 : i32
      %add3A_876 = arith.addi %mul3A_874, %add3A_875 : i32
      %sub3A_877 = arith.subf %gather3A_872, %get3A_7 : vector<16xf32>
      %abs3A_878 = math.absf %sub3A_877 : vector<16xf32>
      %le3A_879 = arith.cmpf ole, %abs3A_878, %get3A_4 : vector<16xf32>
      %select_n3A_880 = arith.select %le3A_879, %broadcast_in_dim3A_17, %broadcast_in_dim3A_19 : vector<16xi1>, vector<16xf32>
      %swap3A_881 = arith.index_cast %add3A_876 : i32 to index
      %swap3A_882 = arith.constant 0 : index
      %swap3A_883 = tpu.vector_load %arg7[%swap3A_881, %swap3A_882] {strides = array<i32>} : memref<512x64xf32, #tpu.memory_space<vmem>>, vector<1x16xf32>,
      %swap3A_884 = vector.shape_cast %swap3A_883 : vector<1x16xf32> to vector<16xf32>
      %swap3A_885 = vector.shape_cast %select_n3A_880 : vector<16xf32> to vector<1x16xf32>
      tpu.vector_store %arg7[%swap3A_881, %swap3A_882], %swap3A_885 {strides = array<i32>} : memref<512x64xf32, #tpu.memory_space<vmem>>, vector<1x16xf32>,
      %sub3A_886 = arith.subf %gather3A_872, %get3A_10 : vector<16xf32>
      %abs3A_887 = math.absf %sub3A_886 : vector<16xf32>
      %le3A_888 = arith.cmpf ole, %abs3A_887, %get3A_4 : vector<16xf32>
      %select_n3A_889 = arith.select %le3A_888, %broadcast_in_dim3A_17, %broadcast_in_dim3A_19 : vector<16xi1>, vector<16xf32>
      %swap3A_890 = arith.index_cast %add3A_876 : i32 to index
      %swap3A_891 = arith.constant 16 : index
      %swap3A_892 = tpu.vector_load %arg7[%swap3A_890, %swap3A_891] {strides = array<i32>} : memref<512x64xf32, #tpu.memory_space<vmem>>, vector<1x16xf32>,
      %swap3A_893 = vector.shape_cast %swap3A_892 : vector<1x16xf32> to vector<16xf32>
      %swap3A_894 = vector.shape_cast %select_n3A_889 : vector<16xf32> to vector<1x16xf32>
      tpu.vector_store %arg7[%swap3A_890, %swap3A_891], %swap3A_894 {strides = array<i32>} : memref<512x64xf32, #tpu.memory_space<vmem>>, vector<1x16xf32>,
      %sub3A_895 = arith.subf %gather3A_872, %get3A_13 : vector<16xf32>
      %abs3A_896 = math.absf %sub3A_895 : vector<16xf32>
      %le3A_897 = arith.cmpf ole, %abs3A_896, %get3A_4 : vector<16xf32>
      %select_n3A_898 = arith.select %le3A_897, %broadcast_in_dim3A_17, %broadcast_in_dim3A_19 : vector<16xi1>, vector<16xf32>
      %swap3A_899 = arith.index_cast %add3A_876 : i32 to index
      %swap3A_900 = arith.constant 32 : index
      %swap3A_901 = tpu.vector_load %arg7[%swap3A_899, %swap3A_900] {strides = array<i32>} : memref<512x64xf32, #tpu.memory_space<vmem>>, vector<1x16xf32>,
      %swap3A_902 = vector.shape_cast %swap3A_901 : vector<1x16xf32> to vector<16xf32>
      %swap3A_903 = vector.shape_cast %select_n3A_898 : vector<16xf32> to vector<1x16xf32>
      tpu.vector_store %arg7[%swap3A_899, %swap3A_900], %swap3A_903 {strides = array<i32>} : memref<512x64xf32, #tpu.memory_space<vmem>>, vector<1x16xf32>,
      %sub3A_904 = arith.subf %gather3A_872, %get3A_16 : vector<16xf32>
      %abs3A_905 = math.absf %sub3A_904 : vector<16xf32>
      %le3A_906 = arith.cmpf ole, %abs3A_905, %get3A_4 : vector<16xf32>
      %select_n3A_907 = arith.select %le3A_906, %broadcast_in_dim3A_17, %broadcast_in_dim3A_19 : vector<16xi1>, vector<16xf32>
      %swap3A_908 = arith.index_cast %add3A_876 : i32 to index
      %swap3A_909 = arith.constant 48 : index
      %swap3A_910 = tpu.vector_load %arg7[%swap3A_908, %swap3A_909] {strides = array<i32>} : memref<512x64xf32, #tpu.memory_space<vmem>>, vector<1x16xf32>,
      %swap3A_911 = vector.shape_cast %swap3A_910 : vector<1x16xf32> to vector<16xf32>
      %swap3A_912 = vector.shape_cast %select_n3A_907 : vector<16xf32> to vector<1x16xf32>
      tpu.vector_store %arg7[%swap3A_908, %swap3A_909], %swap3A_912 {strides = array<i32>} : memref<512x64xf32, #tpu.memory_space<vmem>>, vector<1x16xf32>,
      %broadcast_in_dim3A_913 = arith.constant 15 : i32
      %broadcast_in_dim3A_914 = vector.broadcast %broadcast_in_dim3A_913 : i32 to vector<16xi32>
      %lt3A_915 = arith.constant 0 : i32
      %lt3A_916 = vector.broadcast %lt3A_915 : i32 to vector<16xi32>
      %lt3A_917 = arith.cmpi slt, %broadcast_in_dim3A_914, %lt3A_916 : vector<16xi32>
      %add3A_918 = arith.constant 16 : i32
      %add3A_919 = vector.broadcast %add3A_918 : i32 to vector<16xi32>
      %add3A_920 = arith.addi %broadcast_in_dim3A_914, %add3A_919 : vector<16xi32>
      %select_n3A_921 = arith.select %lt3A_917, %add3A_920, %broadcast_in_dim3A_914 : vector<16xi1>, vector<16xi32>
      %broadcast_in_dim3A_922 = vector.shape_cast %select_n3A_921 : vector<16xi32> to vector<16x1xi32>
      %gather3A_923 = vector.shape_cast %broadcast_in_dim3A_922 : vector<16x1xi32> to vector<16xi32>
      %gather3A_924 = tpu.dynamic_gather %min3A_135[%gather3A_923] in [0] : vector<16xf32>, vector<16xi32> -> vector<16xf32>
      %mul3A_925 = arith.constant 16 : i32
      %mul3A_926 = arith.muli %scan3A_25, %mul3A_925 : i32
      %add3A_927 = arith.constant 15 : i32
      %add3A_928 = arith.addi %mul3A_926, %add3A_927 : i32
      %sub3A_929 = arith.subf %gather3A_924, %get3A_7 : vector<16xf32>
      %abs3A_930 = math.absf %sub3A_929 : vector<16xf32>
      %le3A_931 = arith.cmpf ole, %abs3A_930, %get3A_4 : vector<16xf32>
      %select_n3A_932 = arith.select %le3A_931, %broadcast_in_dim3A_17, %broadcast_in_dim3A_19 : vector<16xi1>, vector<16xf32>
      %swap3A_933 = arith.index_cast %add3A_928 : i32 to index
      %swap3A_934 = arith.constant 0 : index
      %swap3A_935 = tpu.vector_load %arg7[%swap3A_933, %swap3A_934] {strides = array<i32>} : memref<512x64xf32, #tpu.memory_space<vmem>>, vector<1x16xf32>,
      %swap3A_936 = vector.shape_cast %swap3A_935 : vector<1x16xf32> to vector<16xf32>
      %swap3A_937 = vector.shape_cast %select_n3A_932 : vector<16xf32> to vector<1x16xf32>
      tpu.vector_store %arg7[%swap3A_933, %swap3A_934], %swap3A_937 {strides = array<i32>} : memref<512x64xf32, #tpu.memory_space<vmem>>, vector<1x16xf32>,
      %sub3A_938 = arith.subf %gather3A_924, %get3A_10 : vector<16xf32>
      %abs3A_939 = math.absf %sub3A_938 : vector<16xf32>
      %le3A_940 = arith.cmpf ole, %abs3A_939, %get3A_4 : vector<16xf32>
      %select_n3A_941 = arith.select %le3A_940, %broadcast_in_dim3A_17, %broadcast_in_dim3A_19 : vector<16xi1>, vector<16xf32>
      %swap3A_942 = arith.index_cast %add3A_928 : i32 to index
      %swap3A_943 = arith.constant 16 : index
      %swap3A_944 = tpu.vector_load %arg7[%swap3A_942, %swap3A_943] {strides = array<i32>} : memref<512x64xf32, #tpu.memory_space<vmem>>, vector<1x16xf32>,
      %swap3A_945 = vector.shape_cast %swap3A_944 : vector<1x16xf32> to vector<16xf32>
      %swap3A_946 = vector.shape_cast %select_n3A_941 : vector<16xf32> to vector<1x16xf32>
      tpu.vector_store %arg7[%swap3A_942, %swap3A_943], %swap3A_946 {strides = array<i32>} : memref<512x64xf32, #tpu.memory_space<vmem>>, vector<1x16xf32>,
      %sub3A_947 = arith.subf %gather3A_924, %get3A_13 : vector<16xf32>
      %abs3A_948 = math.absf %sub3A_947 : vector<16xf32>
      %le3A_949 = arith.cmpf ole, %abs3A_948, %get3A_4 : vector<16xf32>
      %select_n3A_950 = arith.select %le3A_949, %broadcast_in_dim3A_17, %broadcast_in_dim3A_19 : vector<16xi1>, vector<16xf32>
      %swap3A_951 = arith.index_cast %add3A_928 : i32 to index
      %swap3A_952 = arith.constant 32 : index
      %swap3A_953 = tpu.vector_load %arg7[%swap3A_951, %swap3A_952] {strides = array<i32>} : memref<512x64xf32, #tpu.memory_space<vmem>>, vector<1x16xf32>,
      %swap3A_954 = vector.shape_cast %swap3A_953 : vector<1x16xf32> to vector<16xf32>
      %swap3A_955 = vector.shape_cast %select_n3A_950 : vector<16xf32> to vector<1x16xf32>
      tpu.vector_store %arg7[%swap3A_951, %swap3A_952], %swap3A_955 {strides = array<i32>} : memref<512x64xf32, #tpu.memory_space<vmem>>, vector<1x16xf32>,
      %sub3A_956 = arith.subf %gather3A_924, %get3A_16 : vector<16xf32>
      %abs3A_957 = math.absf %sub3A_956 : vector<16xf32>
      %le3A_958 = arith.cmpf ole, %abs3A_957, %get3A_4 : vector<16xf32>
      %select_n3A_959 = arith.select %le3A_958, %broadcast_in_dim3A_17, %broadcast_in_dim3A_19 : vector<16xi1>, vector<16xf32>
      %swap3A_960 = arith.index_cast %add3A_928 : i32 to index
      %swap3A_961 = arith.constant 48 : index
      %swap3A_962 = tpu.vector_load %arg7[%swap3A_960, %swap3A_961] {strides = array<i32>} : memref<512x64xf32, #tpu.memory_space<vmem>>, vector<1x16xf32>,
      %swap3A_963 = vector.shape_cast %swap3A_962 : vector<1x16xf32> to vector<16xf32>
      %swap3A_964 = vector.shape_cast %select_n3A_959 : vector<16xf32> to vector<1x16xf32>
      tpu.vector_store %arg7[%swap3A_960, %swap3A_961], %swap3A_964 {strides = array<i32>} : memref<512x64xf32, #tpu.memory_space<vmem>>, vector<1x16xf32>,
      %scan3A_965 = arith.constant 1 : i32
      %scan3A_966 = arith.addi %scan3A_25, %scan3A_965 : i32
      %mul3A_967 = arith.constant 16 : i32
      %mul3A_968 = arith.muli %scan3A_966, %mul3A_967 : i32
      %get3A_969 = arith.index_cast %mul3A_968 : i32 to index
      %get3A_970 = tpu.vector_load %arg6[%get3A_969] {strides = array<i32>} : memref<512xf32, #tpu.memory_space<vmem>>, vector<16xf32>,
      %get3A_971 = vector.shape_cast %get3A_970 : vector<16xf32> to vector<16xf32>
      %bitcast_convert_type3A_972 = tpu.bitcast %get3A_971 : vector<16xf32> -> vector<16xi32>
      %shift_right_arithmetic3A_973 = arith.constant 23 : i32
      %shift_right_arithmetic3A_974 = vector.broadcast %shift_right_arithmetic3A_973 : i32 to vector<16xi32>
      %shift_right_arithmetic3A_975 = arith.shrsi %bitcast_convert_type3A_972, %shift_right_arithmetic3A_974 : vector<16xi32>
      %sub3A_976 = arith.constant 127 : i32
      %sub3A_977 = vector.broadcast %sub3A_976 : i32 to vector<16xi32>
      %sub3A_978 = arith.subi %shift_right_arithmetic3A_975, %sub3A_977 : vector<16xi32>
      %and3A_979 = arith.constant 8388607 : i32
      %and3A_980 = vector.broadcast %and3A_979 : i32 to vector<16xi32>
      %and3A_981 = arith.andi %bitcast_convert_type3A_972, %and3A_980 : vector<16xi32>
      %or3A_982 = arith.constant 1065353216 : i32
      %or3A_983 = vector.broadcast %or3A_982 : i32 to vector<16xi32>
      %or3A_984 = arith.ori %and3A_981, %or3A_983 : vector<16xi32>
      %bitcast_convert_type3A_985 = tpu.bitcast %or3A_984 : vector<16xi32> -> vector<16xf32>
      %ge3A_986 = arith.constant 1.41421354 : f32
      %ge3A_987 = vector.broadcast %ge3A_986 : f32 to vector<16xf32>
      %ge3A_988 = arith.cmpf oge, %bitcast_convert_type3A_985, %ge3A_987 : vector<16xf32>
      %mul3A_989 = arith.constant 5.000000e-01 : f32
      %mul3A_990 = vector.broadcast %mul3A_989 : f32 to vector<16xf32>
      %mul3A_991 = arith.mulf %bitcast_convert_type3A_985, %mul3A_990 : vector<16xf32>
      %select_n3A_992 = arith.select %ge3A_988, %mul3A_991, %bitcast_convert_type3A_985 : vector<16xi1>, vector<16xf32>
      %jit3A_993 = arith.constant 1 : i32
      %jit3A_994 = arith.constant 0 : i32
      %broadcast_in_dim3A_995 = vector.broadcast %jit3A_993 : i32 to vector<16xi32>
      %broadcast_in_dim3A_996 = vector.broadcast %jit3A_994 : i32 to vector<16xi32>
      %select_n3A_997 = arith.select %ge3A_988, %broadcast_in_dim3A_995, %broadcast_in_dim3A_996 : vector<16xi1>, vector<16xi32>
      %add3A_998 = arith.addi %sub3A_978, %select_n3A_997 : vector<16xi32>
      %sub3A_999 = arith.constant 1.000000e+00 : f32
      %sub3A_1000 = vector.broadcast %sub3A_999 : f32 to vector<16xf32>
      %sub3A_1001 = arith.subf %select_n3A_992, %sub3A_1000 : vector<16xf32>
      %add3A_1002 = arith.constant 1.000000e+00 : f32
      %add3A_1003 = vector.broadcast %add3A_1002 : f32 to vector<16xf32>
      %add3A_1004 = arith.addf %select_n3A_992, %add3A_1003 : vector<16xf32>
      %div3A_1005 = arith.divf %sub3A_1001, %add3A_1004 : vector<16xf32>
      %mul3A_1006 = arith.mulf %div3A_1005, %div3A_1005 : vector<16xf32>
      %mul3A_1007 = arith.constant 2.000000e+00 : f32
      %mul3A_1008 = vector.broadcast %mul3A_1007 : f32 to vector<16xf32>
      %mul3A_1009 = arith.mulf %mul3A_1008, %div3A_1005 : vector<16xf32>
      %mul3A_1010 = arith.constant 0.142857149 : f32
      %mul3A_1011 = vector.broadcast %mul3A_1010 : f32 to vector<16xf32>
      %mul3A_1012 = arith.mulf %mul3A_1006, %mul3A_1011 : vector<16xf32>
      %add3A_1013 = arith.constant 2.000000e-01 : f32
      %add3A_1014 = vector.broadcast %add3A_1013 : f32 to vector<16xf32>
      %add3A_1015 = arith.addf %add3A_1014, %mul3A_1012 : vector<16xf32>
      %mul3A_1016 = arith.mulf %mul3A_1006, %add3A_1015 : vector<16xf32>
      %add3A_1017 = arith.constant 0.333333343 : f32
      %add3A_1018 = vector.broadcast %add3A_1017 : f32 to vector<16xf32>
      %add3A_1019 = arith.addf %add3A_1018, %mul3A_1016 : vector<16xf32>
      %mul3A_1020 = arith.mulf %mul3A_1006, %add3A_1019 : vector<16xf32>
      %add3A_1021 = arith.constant 1.000000e+00 : f32
      %add3A_1022 = vector.broadcast %add3A_1021 : f32 to vector<16xf32>
      %add3A_1023 = arith.addf %add3A_1022, %mul3A_1020 : vector<16xf32>
      %mul3A_1024 = arith.mulf %mul3A_1009, %add3A_1023 : vector<16xf32>
      %convert_element_type3A_1025 = arith.sitofp %add3A_998 : vector<16xi32> to vector<16xf32>
      %mul3A_1026 = arith.constant 0.693147182 : f32
      %mul3A_1027 = vector.broadcast %mul3A_1026 : f32 to vector<16xf32>
      %mul3A_1028 = arith.mulf %convert_element_type3A_1025, %mul3A_1027 : vector<16xf32>
      %add3A_1029 = arith.addf %mul3A_1028, %mul3A_1024 : vector<16xf32>
      %sub3A_1030 = arith.constant -4.000000e-01 : f32
      %sub3A_1031 = vector.broadcast %sub3A_1030 : f32 to vector<16xf32>
      %sub3A_1032 = arith.subf %add3A_1029, %sub3A_1031 : vector<16xf32>
      %mul3A_1033 = arith.constant 0.707106769 : f32
      %mul3A_1034 = vector.broadcast %mul3A_1033 : f32 to vector<16xf32>
      %mul3A_1035 = arith.mulf %sub3A_1032, %mul3A_1034 : vector<16xf32>
      %abs3A_1036 = math.absf %mul3A_1035 : vector<16xf32>
      %mul3A_1037 = arith.constant 0.327591091 : f32
      %mul3A_1038 = vector.broadcast %mul3A_1037 : f32 to vector<16xf32>
      %mul3A_1039 = arith.mulf %mul3A_1038, %abs3A_1036 : vector<16xf32>
      %add3A_1040 = arith.constant 1.000000e+00 : f32
      %add3A_1041 = vector.broadcast %add3A_1040 : f32 to vector<16xf32>
      %add3A_1042 = arith.addf %add3A_1041, %mul3A_1039 : vector<16xf32>
      %div3A_1043 = arith.constant 1.000000e+00 : f32
      %div3A_1044 = vector.broadcast %div3A_1043 : f32 to vector<16xf32>
      %div3A_1045 = arith.divf %div3A_1044, %add3A_1042 : vector<16xf32>
      %mul3A_1046 = arith.constant 1.06140542 : f32
      %mul3A_1047 = vector.broadcast %mul3A_1046 : f32 to vector<16xf32>
      %mul3A_1048 = arith.mulf %div3A_1045, %mul3A_1047 : vector<16xf32>
      %add3A_1049 = arith.constant -1.45315206 : f32
      %add3A_1050 = vector.broadcast %add3A_1049 : f32 to vector<16xf32>
      %add3A_1051 = arith.addf %add3A_1050, %mul3A_1048 : vector<16xf32>
      %mul3A_1052 = arith.mulf %div3A_1045, %add3A_1051 : vector<16xf32>
      %add3A_1053 = arith.constant 1.42141378 : f32
      %add3A_1054 = vector.broadcast %add3A_1053 : f32 to vector<16xf32>
      %add3A_1055 = arith.addf %add3A_1054, %mul3A_1052 : vector<16xf32>
      %mul3A_1056 = arith.mulf %div3A_1045, %add3A_1055 : vector<16xf32>
      %add3A_1057 = arith.constant -0.284496725 : f32
      %add3A_1058 = vector.broadcast %add3A_1057 : f32 to vector<16xf32>
      %add3A_1059 = arith.addf %add3A_1058, %mul3A_1056 : vector<16xf32>
      %mul3A_1060 = arith.mulf %div3A_1045, %add3A_1059 : vector<16xf32>
      %add3A_1061 = arith.constant 0.254829586 : f32
      %add3A_1062 = vector.broadcast %add3A_1061 : f32 to vector<16xf32>
      %add3A_1063 = arith.addf %add3A_1062, %mul3A_1060 : vector<16xf32>
      %mul3A_1064 = arith.mulf %div3A_1045, %add3A_1063 : vector<16xf32>
      %neg3A_1065 = arith.constant 0.000000e+00 : f32
      %neg3A_1066 = vector.broadcast %neg3A_1065 : f32 to vector<16xf32>
      %neg3A_1067 = arith.subf %neg3A_1066, %abs3A_1036 : vector<16xf32>
      %mul3A_1068 = arith.mulf %neg3A_1067, %abs3A_1036 : vector<16xf32>
      %exp3A_1069 = math.exp %mul3A_1068 : vector<16xf32>
      %mul3A_1070 = arith.mulf %mul3A_1064, %exp3A_1069 : vector<16xf32>
      %sub3A_1071 = arith.constant 1.000000e+00 : f32
      %sub3A_1072 = vector.broadcast %sub3A_1071 : f32 to vector<16xf32>
      %sub3A_1073 = arith.subf %sub3A_1072, %mul3A_1070 : vector<16xf32>
      %lt3A_1074 = arith.constant 0.000000e+00 : f32
      %lt3A_1075 = vector.broadcast %lt3A_1074 : f32 to vector<16xf32>
      %lt3A_1076 = arith.cmpf olt, %mul3A_1035, %lt3A_1075 : vector<16xf32>
      %neg3A_1077 = arith.constant 0.000000e+00 : f32
      %neg3A_1078 = vector.broadcast %neg3A_1077 : f32 to vector<16xf32>
      %neg3A_1079 = arith.subf %neg3A_1078, %sub3A_1073 : vector<16xf32>
      %select_n3A_1080 = arith.select %lt3A_1076, %neg3A_1079, %sub3A_1073 : vector<16xi1>, vector<16xf32>
      %add3A_1081 = arith.constant 1.000000e+00 : f32
      %add3A_1082 = vector.broadcast %add3A_1081 : f32 to vector<16xf32>
      %add3A_1083 = arith.addf %add3A_1082, %select_n3A_1080 : vector<16xf32>
      %mul3A_1084 = arith.constant 5.000000e-01 : f32
      %mul3A_1085 = vector.broadcast %mul3A_1084 : f32 to vector<16xf32>
      %mul3A_1086 = arith.mulf %mul3A_1085, %add3A_1083 : vector<16xf32>
      %jit3A_1087 = arith.constant 0.000000e+00 : f32
      %jit3A_1088 = arith.constant 1.000000e+00 : f32
      %max3A_1089 = vector.broadcast %jit3A_1087 : f32 to vector<16xf32>
      %max3A_1090 = arith.maximumf %max3A_1089, %mul3A_1086 : vector<16xf32>
      %min3A_1091 = vector.broadcast %jit3A_1088 : f32 to vector<16xf32>
      %min3A_1092 = arith.minimumf %min3A_1091, %max3A_1090 : vector<16xf32>
      %broadcast_in_dim3A_1093 = arith.constant 0 : i32
      %broadcast_in_dim3A_1094 = vector.broadcast %broadcast_in_dim3A_1093 : i32 to vector<16xi32>
      %lt3A_1095 = arith.constant 0 : i32
      %lt3A_1096 = vector.broadcast %lt3A_1095 : i32 to vector<16xi32>
      %lt3A_1097 = arith.cmpi slt, %broadcast_in_dim3A_1094, %lt3A_1096 : vector<16xi32>
      %add3A_1098 = arith.constant 16 : i32
      %add3A_1099 = vector.broadcast %add3A_1098 : i32 to vector<16xi32>
      %add3A_1100 = arith.addi %broadcast_in_dim3A_1094, %add3A_1099 : vector<16xi32>
      %select_n3A_1101 = arith.select %lt3A_1097, %add3A_1100, %broadcast_in_dim3A_1094 : vector<16xi1>, vector<16xi32>
      %broadcast_in_dim3A_1102 = vector.shape_cast %select_n3A_1101 : vector<16xi32> to vector<16x1xi32>
      %gather3A_1103 = vector.shape_cast %broadcast_in_dim3A_1102 : vector<16x1xi32> to vector<16xi32>
      %gather3A_1104 = tpu.dynamic_gather %min3A_1092[%gather3A_1103] in [0] : vector<16xf32>, vector<16xi32> -> vector<16xf32>
      %mul3A_1105 = arith.constant 16 : i32
      %mul3A_1106 = arith.muli %scan3A_966, %mul3A_1105 : i32
      %add3A_1107 = arith.constant 0 : i32
      %add3A_1108 = arith.addi %mul3A_1106, %add3A_1107 : i32
      %sub3A_1109 = arith.subf %gather3A_1104, %get3A_7 : vector<16xf32>
      %abs3A_1110 = math.absf %sub3A_1109 : vector<16xf32>
      %le3A_1111 = arith.cmpf ole, %abs3A_1110, %get3A_4 : vector<16xf32>
      %select_n3A_1112 = arith.select %le3A_1111, %broadcast_in_dim3A_17, %broadcast_in_dim3A_19 : vector<16xi1>, vector<16xf32>
      %swap3A_1113 = arith.index_cast %add3A_1108 : i32 to index
      %swap3A_1114 = arith.constant 0 : index
      %swap3A_1115 = tpu.vector_load %arg7[%swap3A_1113, %swap3A_1114] {strides = array<i32>} : memref<512x64xf32, #tpu.memory_space<vmem>>, vector<1x16xf32>,
      %swap3A_1116 = vector.shape_cast %swap3A_1115 : vector<1x16xf32> to vector<16xf32>
      %swap3A_1117 = vector.shape_cast %select_n3A_1112 : vector<16xf32> to vector<1x16xf32>
      tpu.vector_store %arg7[%swap3A_1113, %swap3A_1114], %swap3A_1117 {strides = array<i32>} : memref<512x64xf32, #tpu.memory_space<vmem>>, vector<1x16xf32>,
      %sub3A_1118 = arith.subf %gather3A_1104, %get3A_10 : vector<16xf32>
      %abs3A_1119 = math.absf %sub3A_1118 : vector<16xf32>
      %le3A_1120 = arith.cmpf ole, %abs3A_1119, %get3A_4 : vector<16xf32>
      %select_n3A_1121 = arith.select %le3A_1120, %broadcast_in_dim3A_17, %broadcast_in_dim3A_19 : vector<16xi1>, vector<16xf32>
      %swap3A_1122 = arith.index_cast %add3A_1108 : i32 to index
      %swap3A_1123 = arith.constant 16 : index
      %swap3A_1124 = tpu.vector_load %arg7[%swap3A_1122, %swap3A_1123] {strides = array<i32>} : memref<512x64xf32, #tpu.memory_space<vmem>>, vector<1x16xf32>,
      %swap3A_1125 = vector.shape_cast %swap3A_1124 : vector<1x16xf32> to vector<16xf32>
      %swap3A_1126 = vector.shape_cast %select_n3A_1121 : vector<16xf32> to vector<1x16xf32>
      tpu.vector_store %arg7[%swap3A_1122, %swap3A_1123], %swap3A_1126 {strides = array<i32>} : memref<512x64xf32, #tpu.memory_space<vmem>>, vector<1x16xf32>,
      %sub3A_1127 = arith.subf %gather3A_1104, %get3A_13 : vector<16xf32>
      %abs3A_1128 = math.absf %sub3A_1127 : vector<16xf32>
      %le3A_1129 = arith.cmpf ole, %abs3A_1128, %get3A_4 : vector<16xf32>
      %select_n3A_1130 = arith.select %le3A_1129, %broadcast_in_dim3A_17, %broadcast_in_dim3A_19 : vector<16xi1>, vector<16xf32>
      %swap3A_1131 = arith.index_cast %add3A_1108 : i32 to index
      %swap3A_1132 = arith.constant 32 : index
      %swap3A_1133 = tpu.vector_load %arg7[%swap3A_1131, %swap3A_1132] {strides = array<i32>} : memref<512x64xf32, #tpu.memory_space<vmem>>, vector<1x16xf32>,
      %swap3A_1134 = vector.shape_cast %swap3A_1133 : vector<1x16xf32> to vector<16xf32>
      %swap3A_1135 = vector.shape_cast %select_n3A_1130 : vector<16xf32> to vector<1x16xf32>
      tpu.vector_store %arg7[%swap3A_1131, %swap3A_1132], %swap3A_1135 {strides = array<i32>} : memref<512x64xf32, #tpu.memory_space<vmem>>, vector<1x16xf32>,
      %sub3A_1136 = arith.subf %gather3A_1104, %get3A_16 : vector<16xf32>
      %abs3A_1137 = math.absf %sub3A_1136 : vector<16xf32>
      %le3A_1138 = arith.cmpf ole, %abs3A_1137, %get3A_4 : vector<16xf32>
      %select_n3A_1139 = arith.select %le3A_1138, %broadcast_in_dim3A_17, %broadcast_in_dim3A_19 : vector<16xi1>, vector<16xf32>
      %swap3A_1140 = arith.index_cast %add3A_1108 : i32 to index
      %swap3A_1141 = arith.constant 48 : index
      %swap3A_1142 = tpu.vector_load %arg7[%swap3A_1140, %swap3A_1141] {strides = array<i32>} : memref<512x64xf32, #tpu.memory_space<vmem>>, vector<1x16xf32>,
      %swap3A_1143 = vector.shape_cast %swap3A_1142 : vector<1x16xf32> to vector<16xf32>
      %swap3A_1144 = vector.shape_cast %select_n3A_1139 : vector<16xf32> to vector<1x16xf32>
      tpu.vector_store %arg7[%swap3A_1140, %swap3A_1141], %swap3A_1144 {strides = array<i32>} : memref<512x64xf32, #tpu.memory_space<vmem>>, vector<1x16xf32>,
      %broadcast_in_dim3A_1145 = arith.constant 1 : i32
      %broadcast_in_dim3A_1146 = vector.broadcast %broadcast_in_dim3A_1145 : i32 to vector<16xi32>
      %lt3A_1147 = arith.constant 0 : i32
      %lt3A_1148 = vector.broadcast %lt3A_1147 : i32 to vector<16xi32>
      %lt3A_1149 = arith.cmpi slt, %broadcast_in_dim3A_1146, %lt3A_1148 : vector<16xi32>
      %add3A_1150 = arith.constant 16 : i32
      %add3A_1151 = vector.broadcast %add3A_1150 : i32 to vector<16xi32>
      %add3A_1152 = arith.addi %broadcast_in_dim3A_1146, %add3A_1151 : vector<16xi32>
      %select_n3A_1153 = arith.select %lt3A_1149, %add3A_1152, %broadcast_in_dim3A_1146 : vector<16xi1>, vector<16xi32>
      %broadcast_in_dim3A_1154 = vector.shape_cast %select_n3A_1153 : vector<16xi32> to vector<16x1xi32>
      %gather3A_1155 = vector.shape_cast %broadcast_in_dim3A_1154 : vector<16x1xi32> to vector<16xi32>
      %gather3A_1156 = tpu.dynamic_gather %min3A_1092[%gather3A_1155] in [0] : vector<16xf32>, vector<16xi32> -> vector<16xf32>
      %mul3A_1157 = arith.constant 16 : i32
      %mul3A_1158 = arith.muli %scan3A_966, %mul3A_1157 : i32
      %add3A_1159 = arith.constant 1 : i32
      %add3A_1160 = arith.addi %mul3A_1158, %add3A_1159 : i32
      %sub3A_1161 = arith.subf %gather3A_1156, %get3A_7 : vector<16xf32>
      %abs3A_1162 = math.absf %sub3A_1161 : vector<16xf32>
      %le3A_1163 = arith.cmpf ole, %abs3A_1162, %get3A_4 : vector<16xf32>
      %select_n3A_1164 = arith.select %le3A_1163, %broadcast_in_dim3A_17, %broadcast_in_dim3A_19 : vector<16xi1>, vector<16xf32>
      %swap3A_1165 = arith.index_cast %add3A_1160 : i32 to index
      %swap3A_1166 = arith.constant 0 : index
      %swap3A_1167 = tpu.vector_load %arg7[%swap3A_1165, %swap3A_1166] {strides = array<i32>} : memref<512x64xf32, #tpu.memory_space<vmem>>, vector<1x16xf32>,
      %swap3A_1168 = vector.shape_cast %swap3A_1167 : vector<1x16xf32> to vector<16xf32>
      %swap3A_1169 = vector.shape_cast %select_n3A_1164 : vector<16xf32> to vector<1x16xf32>
      tpu.vector_store %arg7[%swap3A_1165, %swap3A_1166], %swap3A_1169 {strides = array<i32>} : memref<512x64xf32, #tpu.memory_space<vmem>>, vector<1x16xf32>,
      %sub3A_1170 = arith.subf %gather3A_1156, %get3A_10 : vector<16xf32>
      %abs3A_1171 = math.absf %sub3A_1170 : vector<16xf32>
      %le3A_1172 = arith.cmpf ole, %abs3A_1171, %get3A_4 : vector<16xf32>
      %select_n3A_1173 = arith.select %le3A_1172, %broadcast_in_dim3A_17, %broadcast_in_dim3A_19 : vector<16xi1>, vector<16xf32>
      %swap3A_1174 = arith.index_cast %add3A_1160 : i32 to index
      %swap3A_1175 = arith.constant 16 : index
      %swap3A_1176 = tpu.vector_load %arg7[%swap3A_1174, %swap3A_1175] {strides = array<i32>} : memref<512x64xf32, #tpu.memory_space<vmem>>, vector<1x16xf32>,
      %swap3A_1177 = vector.shape_cast %swap3A_1176 : vector<1x16xf32> to vector<16xf32>
      %swap3A_1178 = vector.shape_cast %select_n3A_1173 : vector<16xf32> to vector<1x16xf32>
      tpu.vector_store %arg7[%swap3A_1174, %swap3A_1175], %swap3A_1178 {strides = array<i32>} : memref<512x64xf32, #tpu.memory_space<vmem>>, vector<1x16xf32>,
      %sub3A_1179 = arith.subf %gather3A_1156, %get3A_13 : vector<16xf32>
      %abs3A_1180 = math.absf %sub3A_1179 : vector<16xf32>
      %le3A_1181 = arith.cmpf ole, %abs3A_1180, %get3A_4 : vector<16xf32>
      %select_n3A_1182 = arith.select %le3A_1181, %broadcast_in_dim3A_17, %broadcast_in_dim3A_19 : vector<16xi1>, vector<16xf32>
      %swap3A_1183 = arith.index_cast %add3A_1160 : i32 to index
      %swap3A_1184 = arith.constant 32 : index
      %swap3A_1185 = tpu.vector_load %arg7[%swap3A_1183, %swap3A_1184] {strides = array<i32>} : memref<512x64xf32, #tpu.memory_space<vmem>>, vector<1x16xf32>,
      %swap3A_1186 = vector.shape_cast %swap3A_1185 : vector<1x16xf32> to vector<16xf32>
      %swap3A_1187 = vector.shape_cast %select_n3A_1182 : vector<16xf32> to vector<1x16xf32>
      tpu.vector_store %arg7[%swap3A_1183, %swap3A_1184], %swap3A_1187 {strides = array<i32>} : memref<512x64xf32, #tpu.memory_space<vmem>>, vector<1x16xf32>,
      %sub3A_1188 = arith.subf %gather3A_1156, %get3A_16 : vector<16xf32>
      %abs3A_1189 = math.absf %sub3A_1188 : vector<16xf32>
      %le3A_1190 = arith.cmpf ole, %abs3A_1189, %get3A_4 : vector<16xf32>
      %select_n3A_1191 = arith.select %le3A_1190, %broadcast_in_dim3A_17, %broadcast_in_dim3A_19 : vector<16xi1>, vector<16xf32>
      %swap3A_1192 = arith.index_cast %add3A_1160 : i32 to index
      %swap3A_1193 = arith.constant 48 : index
      %swap3A_1194 = tpu.vector_load %arg7[%swap3A_1192, %swap3A_1193] {strides = array<i32>} : memref<512x64xf32, #tpu.memory_space<vmem>>, vector<1x16xf32>,
      %swap3A_1195 = vector.shape_cast %swap3A_1194 : vector<1x16xf32> to vector<16xf32>
      %swap3A_1196 = vector.shape_cast %select_n3A_1191 : vector<16xf32> to vector<1x16xf32>
      tpu.vector_store %arg7[%swap3A_1192, %swap3A_1193], %swap3A_1196 {strides = array<i32>} : memref<512x64xf32, #tpu.memory_space<vmem>>, vector<1x16xf32>,
      %broadcast_in_dim3A_1197 = arith.constant 2 : i32
      %broadcast_in_dim3A_1198 = vector.broadcast %broadcast_in_dim3A_1197 : i32 to vector<16xi32>
      %lt3A_1199 = arith.constant 0 : i32
      %lt3A_1200 = vector.broadcast %lt3A_1199 : i32 to vector<16xi32>
      %lt3A_1201 = arith.cmpi slt, %broadcast_in_dim3A_1198, %lt3A_1200 : vector<16xi32>
      %add3A_1202 = arith.constant 16 : i32
      %add3A_1203 = vector.broadcast %add3A_1202 : i32 to vector<16xi32>
      %add3A_1204 = arith.addi %broadcast_in_dim3A_1198, %add3A_1203 : vector<16xi32>
      %select_n3A_1205 = arith.select %lt3A_1201, %add3A_1204, %broadcast_in_dim3A_1198 : vector<16xi1>, vector<16xi32>
      %broadcast_in_dim3A_1206 = vector.shape_cast %select_n3A_1205 : vector<16xi32> to vector<16x1xi32>
      %gather3A_1207 = vector.shape_cast %broadcast_in_dim3A_1206 : vector<16x1xi32> to vector<16xi32>
      %gather3A_1208 = tpu.dynamic_gather %min3A_1092[%gather3A_1207] in [0] : vector<16xf32>, vector<16xi32> -> vector<16xf32>
      %mul3A_1209 = arith.constant 16 : i32
      %mul3A_1210 = arith.muli %scan3A_966, %mul3A_1209 : i32
      %add3A_1211 = arith.constant 2 : i32
      %add3A_1212 = arith.addi %mul3A_1210, %add3A_1211 : i32
      %sub3A_1213 = arith.subf %gather3A_1208, %get3A_7 : vector<16xf32>
      %abs3A_1214 = math.absf %sub3A_1213 : vector<16xf32>
      %le3A_1215 = arith.cmpf ole, %abs3A_1214, %get3A_4 : vector<16xf32>
      %select_n3A_1216 = arith.select %le3A_1215, %broadcast_in_dim3A_17, %broadcast_in_dim3A_19 : vector<16xi1>, vector<16xf32>
      %swap3A_1217 = arith.index_cast %add3A_1212 : i32 to index
      %swap3A_1218 = arith.constant 0 : index
      %swap3A_1219 = tpu.vector_load %arg7[%swap3A_1217, %swap3A_1218] {strides = array<i32>} : memref<512x64xf32, #tpu.memory_space<vmem>>, vector<1x16xf32>,
      %swap3A_1220 = vector.shape_cast %swap3A_1219 : vector<1x16xf32> to vector<16xf32>
      %swap3A_1221 = vector.shape_cast %select_n3A_1216 : vector<16xf32> to vector<1x16xf32>
      tpu.vector_store %arg7[%swap3A_1217, %swap3A_1218], %swap3A_1221 {strides = array<i32>} : memref<512x64xf32, #tpu.memory_space<vmem>>, vector<1x16xf32>,
      %sub3A_1222 = arith.subf %gather3A_1208, %get3A_10 : vector<16xf32>
      %abs3A_1223 = math.absf %sub3A_1222 : vector<16xf32>
      %le3A_1224 = arith.cmpf ole, %abs3A_1223, %get3A_4 : vector<16xf32>
      %select_n3A_1225 = arith.select %le3A_1224, %broadcast_in_dim3A_17, %broadcast_in_dim3A_19 : vector<16xi1>, vector<16xf32>
      %swap3A_1226 = arith.index_cast %add3A_1212 : i32 to index
      %swap3A_1227 = arith.constant 16 : index
      %swap3A_1228 = tpu.vector_load %arg7[%swap3A_1226, %swap3A_1227] {strides = array<i32>} : memref<512x64xf32, #tpu.memory_space<vmem>>, vector<1x16xf32>,
      %swap3A_1229 = vector.shape_cast %swap3A_1228 : vector<1x16xf32> to vector<16xf32>
      %swap3A_1230 = vector.shape_cast %select_n3A_1225 : vector<16xf32> to vector<1x16xf32>
      tpu.vector_store %arg7[%swap3A_1226, %swap3A_1227], %swap3A_1230 {strides = array<i32>} : memref<512x64xf32, #tpu.memory_space<vmem>>, vector<1x16xf32>,
      %sub3A_1231 = arith.subf %gather3A_1208, %get3A_13 : vector<16xf32>
      %abs3A_1232 = math.absf %sub3A_1231 : vector<16xf32>
      %le3A_1233 = arith.cmpf ole, %abs3A_1232, %get3A_4 : vector<16xf32>
      %select_n3A_1234 = arith.select %le3A_1233, %broadcast_in_dim3A_17, %broadcast_in_dim3A_19 : vector<16xi1>, vector<16xf32>
      %swap3A_1235 = arith.index_cast %add3A_1212 : i32 to index
      %swap3A_1236 = arith.constant 32 : index
      %swap3A_1237 = tpu.vector_load %arg7[%swap3A_1235, %swap3A_1236] {strides = array<i32>} : memref<512x64xf32, #tpu.memory_space<vmem>>, vector<1x16xf32>,
      %swap3A_1238 = vector.shape_cast %swap3A_1237 : vector<1x16xf32> to vector<16xf32>
      %swap3A_1239 = vector.shape_cast %select_n3A_1234 : vector<16xf32> to vector<1x16xf32>
      tpu.vector_store %arg7[%swap3A_1235, %swap3A_1236], %swap3A_1239 {strides = array<i32>} : memref<512x64xf32, #tpu.memory_space<vmem>>, vector<1x16xf32>,
      %sub3A_1240 = arith.subf %gather3A_1208, %get3A_16 : vector<16xf32>
      %abs3A_1241 = math.absf %sub3A_1240 : vector<16xf32>
      %le3A_1242 = arith.cmpf ole, %abs3A_1241, %get3A_4 : vector<16xf32>
      %select_n3A_1243 = arith.select %le3A_1242, %broadcast_in_dim3A_17, %broadcast_in_dim3A_19 : vector<16xi1>, vector<16xf32>
      %swap3A_1244 = arith.index_cast %add3A_1212 : i32 to index
      %swap3A_1245 = arith.constant 48 : index
      %swap3A_1246 = tpu.vector_load %arg7[%swap3A_1244, %swap3A_1245] {strides = array<i32>} : memref<512x64xf32, #tpu.memory_space<vmem>>, vector<1x16xf32>,
      %swap3A_1247 = vector.shape_cast %swap3A_1246 : vector<1x16xf32> to vector<16xf32>
      %swap3A_1248 = vector.shape_cast %select_n3A_1243 : vector<16xf32> to vector<1x16xf32>
      tpu.vector_store %arg7[%swap3A_1244, %swap3A_1245], %swap3A_1248 {strides = array<i32>} : memref<512x64xf32, #tpu.memory_space<vmem>>, vector<1x16xf32>,
      %broadcast_in_dim3A_1249 = arith.constant 3 : i32
      %broadcast_in_dim3A_1250 = vector.broadcast %broadcast_in_dim3A_1249 : i32 to vector<16xi32>
      %lt3A_1251 = arith.constant 0 : i32
      %lt3A_1252 = vector.broadcast %lt3A_1251 : i32 to vector<16xi32>
      %lt3A_1253 = arith.cmpi slt, %broadcast_in_dim3A_1250, %lt3A_1252 : vector<16xi32>
      %add3A_1254 = arith.constant 16 : i32
      %add3A_1255 = vector.broadcast %add3A_1254 : i32 to vector<16xi32>
      %add3A_1256 = arith.addi %broadcast_in_dim3A_1250, %add3A_1255 : vector<16xi32>
      %select_n3A_1257 = arith.select %lt3A_1253, %add3A_1256, %broadcast_in_dim3A_1250 : vector<16xi1>, vector<16xi32>
      %broadcast_in_dim3A_1258 = vector.shape_cast %select_n3A_1257 : vector<16xi32> to vector<16x1xi32>
      %gather3A_1259 = vector.shape_cast %broadcast_in_dim3A_1258 : vector<16x1xi32> to vector<16xi32>
      %gather3A_1260 = tpu.dynamic_gather %min3A_1092[%gather3A_1259] in [0] : vector<16xf32>, vector<16xi32> -> vector<16xf32>
      %mul3A_1261 = arith.constant 16 : i32
      %mul3A_1262 = arith.muli %scan3A_966, %mul3A_1261 : i32
      %add3A_1263 = arith.constant 3 : i32
      %add3A_1264 = arith.addi %mul3A_1262, %add3A_1263 : i32
      %sub3A_1265 = arith.subf %gather3A_1260, %get3A_7 : vector<16xf32>
      %abs3A_1266 = math.absf %sub3A_1265 : vector<16xf32>
      %le3A_1267 = arith.cmpf ole, %abs3A_1266, %get3A_4 : vector<16xf32>
      %select_n3A_1268 = arith.select %le3A_1267, %broadcast_in_dim3A_17, %broadcast_in_dim3A_19 : vector<16xi1>, vector<16xf32>
      %swap3A_1269 = arith.index_cast %add3A_1264 : i32 to index
      %swap3A_1270 = arith.constant 0 : index
      %swap3A_1271 = tpu.vector_load %arg7[%swap3A_1269, %swap3A_1270] {strides = array<i32>} : memref<512x64xf32, #tpu.memory_space<vmem>>, vector<1x16xf32>,
      %swap3A_1272 = vector.shape_cast %swap3A_1271 : vector<1x16xf32> to vector<16xf32>
      %swap3A_1273 = vector.shape_cast %select_n3A_1268 : vector<16xf32> to vector<1x16xf32>
      tpu.vector_store %arg7[%swap3A_1269, %swap3A_1270], %swap3A_1273 {strides = array<i32>} : memref<512x64xf32, #tpu.memory_space<vmem>>, vector<1x16xf32>,
      %sub3A_1274 = arith.subf %gather3A_1260, %get3A_10 : vector<16xf32>
      %abs3A_1275 = math.absf %sub3A_1274 : vector<16xf32>
      %le3A_1276 = arith.cmpf ole, %abs3A_1275, %get3A_4 : vector<16xf32>
      %select_n3A_1277 = arith.select %le3A_1276, %broadcast_in_dim3A_17, %broadcast_in_dim3A_19 : vector<16xi1>, vector<16xf32>
      %swap3A_1278 = arith.index_cast %add3A_1264 : i32 to index
      %swap3A_1279 = arith.constant 16 : index
      %swap3A_1280 = tpu.vector_load %arg7[%swap3A_1278, %swap3A_1279] {strides = array<i32>} : memref<512x64xf32, #tpu.memory_space<vmem>>, vector<1x16xf32>,
      %swap3A_1281 = vector.shape_cast %swap3A_1280 : vector<1x16xf32> to vector<16xf32>
      %swap3A_1282 = vector.shape_cast %select_n3A_1277 : vector<16xf32> to vector<1x16xf32>
      tpu.vector_store %arg7[%swap3A_1278, %swap3A_1279], %swap3A_1282 {strides = array<i32>} : memref<512x64xf32, #tpu.memory_space<vmem>>, vector<1x16xf32>,
      %sub3A_1283 = arith.subf %gather3A_1260, %get3A_13 : vector<16xf32>
      %abs3A_1284 = math.absf %sub3A_1283 : vector<16xf32>
      %le3A_1285 = arith.cmpf ole, %abs3A_1284, %get3A_4 : vector<16xf32>
      %select_n3A_1286 = arith.select %le3A_1285, %broadcast_in_dim3A_17, %broadcast_in_dim3A_19 : vector<16xi1>, vector<16xf32>
      %swap3A_1287 = arith.index_cast %add3A_1264 : i32 to index
      %swap3A_1288 = arith.constant 32 : index
      %swap3A_1289 = tpu.vector_load %arg7[%swap3A_1287, %swap3A_1288] {strides = array<i32>} : memref<512x64xf32, #tpu.memory_space<vmem>>, vector<1x16xf32>,
      %swap3A_1290 = vector.shape_cast %swap3A_1289 : vector<1x16xf32> to vector<16xf32>
      %swap3A_1291 = vector.shape_cast %select_n3A_1286 : vector<16xf32> to vector<1x16xf32>
      tpu.vector_store %arg7[%swap3A_1287, %swap3A_1288], %swap3A_1291 {strides = array<i32>} : memref<512x64xf32, #tpu.memory_space<vmem>>, vector<1x16xf32>,
      %sub3A_1292 = arith.subf %gather3A_1260, %get3A_16 : vector<16xf32>
      %abs3A_1293 = math.absf %sub3A_1292 : vector<16xf32>
      %le3A_1294 = arith.cmpf ole, %abs3A_1293, %get3A_4 : vector<16xf32>
      %select_n3A_1295 = arith.select %le3A_1294, %broadcast_in_dim3A_17, %broadcast_in_dim3A_19 : vector<16xi1>, vector<16xf32>
      %swap3A_1296 = arith.index_cast %add3A_1264 : i32 to index
      %swap3A_1297 = arith.constant 48 : index
      %swap3A_1298 = tpu.vector_load %arg7[%swap3A_1296, %swap3A_1297] {strides = array<i32>} : memref<512x64xf32, #tpu.memory_space<vmem>>, vector<1x16xf32>,
      %swap3A_1299 = vector.shape_cast %swap3A_1298 : vector<1x16xf32> to vector<16xf32>
      %swap3A_1300 = vector.shape_cast %select_n3A_1295 : vector<16xf32> to vector<1x16xf32>
      tpu.vector_store %arg7[%swap3A_1296, %swap3A_1297], %swap3A_1300 {strides = array<i32>} : memref<512x64xf32, #tpu.memory_space<vmem>>, vector<1x16xf32>,
      %broadcast_in_dim3A_1301 = arith.constant 4 : i32
      %broadcast_in_dim3A_1302 = vector.broadcast %broadcast_in_dim3A_1301 : i32 to vector<16xi32>
      %lt3A_1303 = arith.constant 0 : i32
      %lt3A_1304 = vector.broadcast %lt3A_1303 : i32 to vector<16xi32>
      %lt3A_1305 = arith.cmpi slt, %broadcast_in_dim3A_1302, %lt3A_1304 : vector<16xi32>
      %add3A_1306 = arith.constant 16 : i32
      %add3A_1307 = vector.broadcast %add3A_1306 : i32 to vector<16xi32>
      %add3A_1308 = arith.addi %broadcast_in_dim3A_1302, %add3A_1307 : vector<16xi32>
      %select_n3A_1309 = arith.select %lt3A_1305, %add3A_1308, %broadcast_in_dim3A_1302 : vector<16xi1>, vector<16xi32>
      %broadcast_in_dim3A_1310 = vector.shape_cast %select_n3A_1309 : vector<16xi32> to vector<16x1xi32>
      %gather3A_1311 = vector.shape_cast %broadcast_in_dim3A_1310 : vector<16x1xi32> to vector<16xi32>
      %gather3A_1312 = tpu.dynamic_gather %min3A_1092[%gather3A_1311] in [0] : vector<16xf32>, vector<16xi32> -> vector<16xf32>
      %mul3A_1313 = arith.constant 16 : i32
      %mul3A_1314 = arith.muli %scan3A_966, %mul3A_1313 : i32
      %add3A_1315 = arith.constant 4 : i32
      %add3A_1316 = arith.addi %mul3A_1314, %add3A_1315 : i32
      %sub3A_1317 = arith.subf %gather3A_1312, %get3A_7 : vector<16xf32>
      %abs3A_1318 = math.absf %sub3A_1317 : vector<16xf32>
      %le3A_1319 = arith.cmpf ole, %abs3A_1318, %get3A_4 : vector<16xf32>
      %select_n3A_1320 = arith.select %le3A_1319, %broadcast_in_dim3A_17, %broadcast_in_dim3A_19 : vector<16xi1>, vector<16xf32>
      %swap3A_1321 = arith.index_cast %add3A_1316 : i32 to index
      %swap3A_1322 = arith.constant 0 : index
      %swap3A_1323 = tpu.vector_load %arg7[%swap3A_1321, %swap3A_1322] {strides = array<i32>} : memref<512x64xf32, #tpu.memory_space<vmem>>, vector<1x16xf32>,
      %swap3A_1324 = vector.shape_cast %swap3A_1323 : vector<1x16xf32> to vector<16xf32>
      %swap3A_1325 = vector.shape_cast %select_n3A_1320 : vector<16xf32> to vector<1x16xf32>
      tpu.vector_store %arg7[%swap3A_1321, %swap3A_1322], %swap3A_1325 {strides = array<i32>} : memref<512x64xf32, #tpu.memory_space<vmem>>, vector<1x16xf32>,
      %sub3A_1326 = arith.subf %gather3A_1312, %get3A_10 : vector<16xf32>
      %abs3A_1327 = math.absf %sub3A_1326 : vector<16xf32>
      %le3A_1328 = arith.cmpf ole, %abs3A_1327, %get3A_4 : vector<16xf32>
      %select_n3A_1329 = arith.select %le3A_1328, %broadcast_in_dim3A_17, %broadcast_in_dim3A_19 : vector<16xi1>, vector<16xf32>
      %swap3A_1330 = arith.index_cast %add3A_1316 : i32 to index
      %swap3A_1331 = arith.constant 16 : index
      %swap3A_1332 = tpu.vector_load %arg7[%swap3A_1330, %swap3A_1331] {strides = array<i32>} : memref<512x64xf32, #tpu.memory_space<vmem>>, vector<1x16xf32>,
      %swap3A_1333 = vector.shape_cast %swap3A_1332 : vector<1x16xf32> to vector<16xf32>
      %swap3A_1334 = vector.shape_cast %select_n3A_1329 : vector<16xf32> to vector<1x16xf32>
      tpu.vector_store %arg7[%swap3A_1330, %swap3A_1331], %swap3A_1334 {strides = array<i32>} : memref<512x64xf32, #tpu.memory_space<vmem>>, vector<1x16xf32>,
      %sub3A_1335 = arith.subf %gather3A_1312, %get3A_13 : vector<16xf32>
      %abs3A_1336 = math.absf %sub3A_1335 : vector<16xf32>
      %le3A_1337 = arith.cmpf ole, %abs3A_1336, %get3A_4 : vector<16xf32>
      %select_n3A_1338 = arith.select %le3A_1337, %broadcast_in_dim3A_17, %broadcast_in_dim3A_19 : vector<16xi1>, vector<16xf32>
      %swap3A_1339 = arith.index_cast %add3A_1316 : i32 to index
      %swap3A_1340 = arith.constant 32 : index
      %swap3A_1341 = tpu.vector_load %arg7[%swap3A_1339, %swap3A_1340] {strides = array<i32>} : memref<512x64xf32, #tpu.memory_space<vmem>>, vector<1x16xf32>,
      %swap3A_1342 = vector.shape_cast %swap3A_1341 : vector<1x16xf32> to vector<16xf32>
      %swap3A_1343 = vector.shape_cast %select_n3A_1338 : vector<16xf32> to vector<1x16xf32>
      tpu.vector_store %arg7[%swap3A_1339, %swap3A_1340], %swap3A_1343 {strides = array<i32>} : memref<512x64xf32, #tpu.memory_space<vmem>>, vector<1x16xf32>,
      %sub3A_1344 = arith.subf %gather3A_1312, %get3A_16 : vector<16xf32>
      %abs3A_1345 = math.absf %sub3A_1344 : vector<16xf32>
      %le3A_1346 = arith.cmpf ole, %abs3A_1345, %get3A_4 : vector<16xf32>
      %select_n3A_1347 = arith.select %le3A_1346, %broadcast_in_dim3A_17, %broadcast_in_dim3A_19 : vector<16xi1>, vector<16xf32>
      %swap3A_1348 = arith.index_cast %add3A_1316 : i32 to index
      %swap3A_1349 = arith.constant 48 : index
      %swap3A_1350 = tpu.vector_load %arg7[%swap3A_1348, %swap3A_1349] {strides = array<i32>} : memref<512x64xf32, #tpu.memory_space<vmem>>, vector<1x16xf32>,
      %swap3A_1351 = vector.shape_cast %swap3A_1350 : vector<1x16xf32> to vector<16xf32>
      %swap3A_1352 = vector.shape_cast %select_n3A_1347 : vector<16xf32> to vector<1x16xf32>
      tpu.vector_store %arg7[%swap3A_1348, %swap3A_1349], %swap3A_1352 {strides = array<i32>} : memref<512x64xf32, #tpu.memory_space<vmem>>, vector<1x16xf32>,
      %broadcast_in_dim3A_1353 = arith.constant 5 : i32
      %broadcast_in_dim3A_1354 = vector.broadcast %broadcast_in_dim3A_1353 : i32 to vector<16xi32>
      %lt3A_1355 = arith.constant 0 : i32
      %lt3A_1356 = vector.broadcast %lt3A_1355 : i32 to vector<16xi32>
      %lt3A_1357 = arith.cmpi slt, %broadcast_in_dim3A_1354, %lt3A_1356 : vector<16xi32>
      %add3A_1358 = arith.constant 16 : i32
      %add3A_1359 = vector.broadcast %add3A_1358 : i32 to vector<16xi32>
      %add3A_1360 = arith.addi %broadcast_in_dim3A_1354, %add3A_1359 : vector<16xi32>
      %select_n3A_1361 = arith.select %lt3A_1357, %add3A_1360, %broadcast_in_dim3A_1354 : vector<16xi1>, vector<16xi32>
      %broadcast_in_dim3A_1362 = vector.shape_cast %select_n3A_1361 : vector<16xi32> to vector<16x1xi32>
      %gather3A_1363 = vector.shape_cast %broadcast_in_dim3A_1362 : vector<16x1xi32> to vector<16xi32>
      %gather3A_1364 = tpu.dynamic_gather %min3A_1092[%gather3A_1363] in [0] : vector<16xf32>, vector<16xi32> -> vector<16xf32>
      %mul3A_1365 = arith.constant 16 : i32
      %mul3A_1366 = arith.muli %scan3A_966, %mul3A_1365 : i32
      %add3A_1367 = arith.constant 5 : i32
      %add3A_1368 = arith.addi %mul3A_1366, %add3A_1367 : i32
      %sub3A_1369 = arith.subf %gather3A_1364, %get3A_7 : vector<16xf32>
      %abs3A_1370 = math.absf %sub3A_1369 : vector<16xf32>
      %le3A_1371 = arith.cmpf ole, %abs3A_1370, %get3A_4 : vector<16xf32>
      %select_n3A_1372 = arith.select %le3A_1371, %broadcast_in_dim3A_17, %broadcast_in_dim3A_19 : vector<16xi1>, vector<16xf32>
      %swap3A_1373 = arith.index_cast %add3A_1368 : i32 to index
      %swap3A_1374 = arith.constant 0 : index
      %swap3A_1375 = tpu.vector_load %arg7[%swap3A_1373, %swap3A_1374] {strides = array<i32>} : memref<512x64xf32, #tpu.memory_space<vmem>>, vector<1x16xf32>,
      %swap3A_1376 = vector.shape_cast %swap3A_1375 : vector<1x16xf32> to vector<16xf32>
      %swap3A_1377 = vector.shape_cast %select_n3A_1372 : vector<16xf32> to vector<1x16xf32>
      tpu.vector_store %arg7[%swap3A_1373, %swap3A_1374], %swap3A_1377 {strides = array<i32>} : memref<512x64xf32, #tpu.memory_space<vmem>>, vector<1x16xf32>,
      %sub3A_1378 = arith.subf %gather3A_1364, %get3A_10 : vector<16xf32>
      %abs3A_1379 = math.absf %sub3A_1378 : vector<16xf32>
      %le3A_1380 = arith.cmpf ole, %abs3A_1379, %get3A_4 : vector<16xf32>
      %select_n3A_1381 = arith.select %le3A_1380, %broadcast_in_dim3A_17, %broadcast_in_dim3A_19 : vector<16xi1>, vector<16xf32>
      %swap3A_1382 = arith.index_cast %add3A_1368 : i32 to index
      %swap3A_1383 = arith.constant 16 : index
      %swap3A_1384 = tpu.vector_load %arg7[%swap3A_1382, %swap3A_1383] {strides = array<i32>} : memref<512x64xf32, #tpu.memory_space<vmem>>, vector<1x16xf32>,
      %swap3A_1385 = vector.shape_cast %swap3A_1384 : vector<1x16xf32> to vector<16xf32>
      %swap3A_1386 = vector.shape_cast %select_n3A_1381 : vector<16xf32> to vector<1x16xf32>
      tpu.vector_store %arg7[%swap3A_1382, %swap3A_1383], %swap3A_1386 {strides = array<i32>} : memref<512x64xf32, #tpu.memory_space<vmem>>, vector<1x16xf32>,
      %sub3A_1387 = arith.subf %gather3A_1364, %get3A_13 : vector<16xf32>
      %abs3A_1388 = math.absf %sub3A_1387 : vector<16xf32>
      %le3A_1389 = arith.cmpf ole, %abs3A_1388, %get3A_4 : vector<16xf32>
      %select_n3A_1390 = arith.select %le3A_1389, %broadcast_in_dim3A_17, %broadcast_in_dim3A_19 : vector<16xi1>, vector<16xf32>
      %swap3A_1391 = arith.index_cast %add3A_1368 : i32 to index
      %swap3A_1392 = arith.constant 32 : index
      %swap3A_1393 = tpu.vector_load %arg7[%swap3A_1391, %swap3A_1392] {strides = array<i32>} : memref<512x64xf32, #tpu.memory_space<vmem>>, vector<1x16xf32>,
      %swap3A_1394 = vector.shape_cast %swap3A_1393 : vector<1x16xf32> to vector<16xf32>
      %swap3A_1395 = vector.shape_cast %select_n3A_1390 : vector<16xf32> to vector<1x16xf32>
      tpu.vector_store %arg7[%swap3A_1391, %swap3A_1392], %swap3A_1395 {strides = array<i32>} : memref<512x64xf32, #tpu.memory_space<vmem>>, vector<1x16xf32>,
      %sub3A_1396 = arith.subf %gather3A_1364, %get3A_16 : vector<16xf32>
      %abs3A_1397 = math.absf %sub3A_1396 : vector<16xf32>
      %le3A_1398 = arith.cmpf ole, %abs3A_1397, %get3A_4 : vector<16xf32>
      %select_n3A_1399 = arith.select %le3A_1398, %broadcast_in_dim3A_17, %broadcast_in_dim3A_19 : vector<16xi1>, vector<16xf32>
      %swap3A_1400 = arith.index_cast %add3A_1368 : i32 to index
      %swap3A_1401 = arith.constant 48 : index
      %swap3A_1402 = tpu.vector_load %arg7[%swap3A_1400, %swap3A_1401] {strides = array<i32>} : memref<512x64xf32, #tpu.memory_space<vmem>>, vector<1x16xf32>,
      %swap3A_1403 = vector.shape_cast %swap3A_1402 : vector<1x16xf32> to vector<16xf32>
      %swap3A_1404 = vector.shape_cast %select_n3A_1399 : vector<16xf32> to vector<1x16xf32>
      tpu.vector_store %arg7[%swap3A_1400, %swap3A_1401], %swap3A_1404 {strides = array<i32>} : memref<512x64xf32, #tpu.memory_space<vmem>>, vector<1x16xf32>,
      %broadcast_in_dim3A_1405 = arith.constant 6 : i32
      %broadcast_in_dim3A_1406 = vector.broadcast %broadcast_in_dim3A_1405 : i32 to vector<16xi32>
      %lt3A_1407 = arith.constant 0 : i32
      %lt3A_1408 = vector.broadcast %lt3A_1407 : i32 to vector<16xi32>
      %lt3A_1409 = arith.cmpi slt, %broadcast_in_dim3A_1406, %lt3A_1408 : vector<16xi32>
      %add3A_1410 = arith.constant 16 : i32
      %add3A_1411 = vector.broadcast %add3A_1410 : i32 to vector<16xi32>
      %add3A_1412 = arith.addi %broadcast_in_dim3A_1406, %add3A_1411 : vector<16xi32>
      %select_n3A_1413 = arith.select %lt3A_1409, %add3A_1412, %broadcast_in_dim3A_1406 : vector<16xi1>, vector<16xi32>
      %broadcast_in_dim3A_1414 = vector.shape_cast %select_n3A_1413 : vector<16xi32> to vector<16x1xi32>
      %gather3A_1415 = vector.shape_cast %broadcast_in_dim3A_1414 : vector<16x1xi32> to vector<16xi32>
      %gather3A_1416 = tpu.dynamic_gather %min3A_1092[%gather3A_1415] in [0] : vector<16xf32>, vector<16xi32> -> vector<16xf32>
      %mul3A_1417 = arith.constant 16 : i32
      %mul3A_1418 = arith.muli %scan3A_966, %mul3A_1417 : i32
      %add3A_1419 = arith.constant 6 : i32
      %add3A_1420 = arith.addi %mul3A_1418, %add3A_1419 : i32
      %sub3A_1421 = arith.subf %gather3A_1416, %get3A_7 : vector<16xf32>
      %abs3A_1422 = math.absf %sub3A_1421 : vector<16xf32>
      %le3A_1423 = arith.cmpf ole, %abs3A_1422, %get3A_4 : vector<16xf32>
      %select_n3A_1424 = arith.select %le3A_1423, %broadcast_in_dim3A_17, %broadcast_in_dim3A_19 : vector<16xi1>, vector<16xf32>
      %swap3A_1425 = arith.index_cast %add3A_1420 : i32 to index
      %swap3A_1426 = arith.constant 0 : index
      %swap3A_1427 = tpu.vector_load %arg7[%swap3A_1425, %swap3A_1426] {strides = array<i32>} : memref<512x64xf32, #tpu.memory_space<vmem>>, vector<1x16xf32>,
      %swap3A_1428 = vector.shape_cast %swap3A_1427 : vector<1x16xf32> to vector<16xf32>
      %swap3A_1429 = vector.shape_cast %select_n3A_1424 : vector<16xf32> to vector<1x16xf32>
      tpu.vector_store %arg7[%swap3A_1425, %swap3A_1426], %swap3A_1429 {strides = array<i32>} : memref<512x64xf32, #tpu.memory_space<vmem>>, vector<1x16xf32>,
      %sub3A_1430 = arith.subf %gather3A_1416, %get3A_10 : vector<16xf32>
      %abs3A_1431 = math.absf %sub3A_1430 : vector<16xf32>
      %le3A_1432 = arith.cmpf ole, %abs3A_1431, %get3A_4 : vector<16xf32>
      %select_n3A_1433 = arith.select %le3A_1432, %broadcast_in_dim3A_17, %broadcast_in_dim3A_19 : vector<16xi1>, vector<16xf32>
      %swap3A_1434 = arith.index_cast %add3A_1420 : i32 to index
      %swap3A_1435 = arith.constant 16 : index
      %swap3A_1436 = tpu.vector_load %arg7[%swap3A_1434, %swap3A_1435] {strides = array<i32>} : memref<512x64xf32, #tpu.memory_space<vmem>>, vector<1x16xf32>,
      %swap3A_1437 = vector.shape_cast %swap3A_1436 : vector<1x16xf32> to vector<16xf32>
      %swap3A_1438 = vector.shape_cast %select_n3A_1433 : vector<16xf32> to vector<1x16xf32>
      tpu.vector_store %arg7[%swap3A_1434, %swap3A_1435], %swap3A_1438 {strides = array<i32>} : memref<512x64xf32, #tpu.memory_space<vmem>>, vector<1x16xf32>,
      %sub3A_1439 = arith.subf %gather3A_1416, %get3A_13 : vector<16xf32>
      %abs3A_1440 = math.absf %sub3A_1439 : vector<16xf32>
      %le3A_1441 = arith.cmpf ole, %abs3A_1440, %get3A_4 : vector<16xf32>
      %select_n3A_1442 = arith.select %le3A_1441, %broadcast_in_dim3A_17, %broadcast_in_dim3A_19 : vector<16xi1>, vector<16xf32>
      %swap3A_1443 = arith.index_cast %add3A_1420 : i32 to index
      %swap3A_1444 = arith.constant 32 : index
      %swap3A_1445 = tpu.vector_load %arg7[%swap3A_1443, %swap3A_1444] {strides = array<i32>} : memref<512x64xf32, #tpu.memory_space<vmem>>, vector<1x16xf32>,
      %swap3A_1446 = vector.shape_cast %swap3A_1445 : vector<1x16xf32> to vector<16xf32>
      %swap3A_1447 = vector.shape_cast %select_n3A_1442 : vector<16xf32> to vector<1x16xf32>
      tpu.vector_store %arg7[%swap3A_1443, %swap3A_1444], %swap3A_1447 {strides = array<i32>} : memref<512x64xf32, #tpu.memory_space<vmem>>, vector<1x16xf32>,
      %sub3A_1448 = arith.subf %gather3A_1416, %get3A_16 : vector<16xf32>
      %abs3A_1449 = math.absf %sub3A_1448 : vector<16xf32>
      %le3A_1450 = arith.cmpf ole, %abs3A_1449, %get3A_4 : vector<16xf32>
      %select_n3A_1451 = arith.select %le3A_1450, %broadcast_in_dim3A_17, %broadcast_in_dim3A_19 : vector<16xi1>, vector<16xf32>
      %swap3A_1452 = arith.index_cast %add3A_1420 : i32 to index
      %swap3A_1453 = arith.constant 48 : index
      %swap3A_1454 = tpu.vector_load %arg7[%swap3A_1452, %swap3A_1453] {strides = array<i32>} : memref<512x64xf32, #tpu.memory_space<vmem>>, vector<1x16xf32>,
      %swap3A_1455 = vector.shape_cast %swap3A_1454 : vector<1x16xf32> to vector<16xf32>
      %swap3A_1456 = vector.shape_cast %select_n3A_1451 : vector<16xf32> to vector<1x16xf32>
      tpu.vector_store %arg7[%swap3A_1452, %swap3A_1453], %swap3A_1456 {strides = array<i32>} : memref<512x64xf32, #tpu.memory_space<vmem>>, vector<1x16xf32>,
      %broadcast_in_dim3A_1457 = arith.constant 7 : i32
      %broadcast_in_dim3A_1458 = vector.broadcast %broadcast_in_dim3A_1457 : i32 to vector<16xi32>
      %lt3A_1459 = arith.constant 0 : i32
      %lt3A_1460 = vector.broadcast %lt3A_1459 : i32 to vector<16xi32>
      %lt3A_1461 = arith.cmpi slt, %broadcast_in_dim3A_1458, %lt3A_1460 : vector<16xi32>
      %add3A_1462 = arith.constant 16 : i32
      %add3A_1463 = vector.broadcast %add3A_1462 : i32 to vector<16xi32>
      %add3A_1464 = arith.addi %broadcast_in_dim3A_1458, %add3A_1463 : vector<16xi32>
      %select_n3A_1465 = arith.select %lt3A_1461, %add3A_1464, %broadcast_in_dim3A_1458 : vector<16xi1>, vector<16xi32>
      %broadcast_in_dim3A_1466 = vector.shape_cast %select_n3A_1465 : vector<16xi32> to vector<16x1xi32>
      %gather3A_1467 = vector.shape_cast %broadcast_in_dim3A_1466 : vector<16x1xi32> to vector<16xi32>
      %gather3A_1468 = tpu.dynamic_gather %min3A_1092[%gather3A_1467] in [0] : vector<16xf32>, vector<16xi32> -> vector<16xf32>
      %mul3A_1469 = arith.constant 16 : i32
      %mul3A_1470 = arith.muli %scan3A_966, %mul3A_1469 : i32
      %add3A_1471 = arith.constant 7 : i32
      %add3A_1472 = arith.addi %mul3A_1470, %add3A_1471 : i32
      %sub3A_1473 = arith.subf %gather3A_1468, %get3A_7 : vector<16xf32>
      %abs3A_1474 = math.absf %sub3A_1473 : vector<16xf32>
      %le3A_1475 = arith.cmpf ole, %abs3A_1474, %get3A_4 : vector<16xf32>
      %select_n3A_1476 = arith.select %le3A_1475, %broadcast_in_dim3A_17, %broadcast_in_dim3A_19 : vector<16xi1>, vector<16xf32>
      %swap3A_1477 = arith.index_cast %add3A_1472 : i32 to index
      %swap3A_1478 = arith.constant 0 : index
      %swap3A_1479 = tpu.vector_load %arg7[%swap3A_1477, %swap3A_1478] {strides = array<i32>} : memref<512x64xf32, #tpu.memory_space<vmem>>, vector<1x16xf32>,
      %swap3A_1480 = vector.shape_cast %swap3A_1479 : vector<1x16xf32> to vector<16xf32>
      %swap3A_1481 = vector.shape_cast %select_n3A_1476 : vector<16xf32> to vector<1x16xf32>
      tpu.vector_store %arg7[%swap3A_1477, %swap3A_1478], %swap3A_1481 {strides = array<i32>} : memref<512x64xf32, #tpu.memory_space<vmem>>, vector<1x16xf32>,
      %sub3A_1482 = arith.subf %gather3A_1468, %get3A_10 : vector<16xf32>
      %abs3A_1483 = math.absf %sub3A_1482 : vector<16xf32>
      %le3A_1484 = arith.cmpf ole, %abs3A_1483, %get3A_4 : vector<16xf32>
      %select_n3A_1485 = arith.select %le3A_1484, %broadcast_in_dim3A_17, %broadcast_in_dim3A_19 : vector<16xi1>, vector<16xf32>
      %swap3A_1486 = arith.index_cast %add3A_1472 : i32 to index
      %swap3A_1487 = arith.constant 16 : index
      %swap3A_1488 = tpu.vector_load %arg7[%swap3A_1486, %swap3A_1487] {strides = array<i32>} : memref<512x64xf32, #tpu.memory_space<vmem>>, vector<1x16xf32>,
      %swap3A_1489 = vector.shape_cast %swap3A_1488 : vector<1x16xf32> to vector<16xf32>
      %swap3A_1490 = vector.shape_cast %select_n3A_1485 : vector<16xf32> to vector<1x16xf32>
      tpu.vector_store %arg7[%swap3A_1486, %swap3A_1487], %swap3A_1490 {strides = array<i32>} : memref<512x64xf32, #tpu.memory_space<vmem>>, vector<1x16xf32>,
      %sub3A_1491 = arith.subf %gather3A_1468, %get3A_13 : vector<16xf32>
      %abs3A_1492 = math.absf %sub3A_1491 : vector<16xf32>
      %le3A_1493 = arith.cmpf ole, %abs3A_1492, %get3A_4 : vector<16xf32>
      %select_n3A_1494 = arith.select %le3A_1493, %broadcast_in_dim3A_17, %broadcast_in_dim3A_19 : vector<16xi1>, vector<16xf32>
      %swap3A_1495 = arith.index_cast %add3A_1472 : i32 to index
      %swap3A_1496 = arith.constant 32 : index
      %swap3A_1497 = tpu.vector_load %arg7[%swap3A_1495, %swap3A_1496] {strides = array<i32>} : memref<512x64xf32, #tpu.memory_space<vmem>>, vector<1x16xf32>,
      %swap3A_1498 = vector.shape_cast %swap3A_1497 : vector<1x16xf32> to vector<16xf32>
      %swap3A_1499 = vector.shape_cast %select_n3A_1494 : vector<16xf32> to vector<1x16xf32>
      tpu.vector_store %arg7[%swap3A_1495, %swap3A_1496], %swap3A_1499 {strides = array<i32>} : memref<512x64xf32, #tpu.memory_space<vmem>>, vector<1x16xf32>,
      %sub3A_1500 = arith.subf %gather3A_1468, %get3A_16 : vector<16xf32>
      %abs3A_1501 = math.absf %sub3A_1500 : vector<16xf32>
      %le3A_1502 = arith.cmpf ole, %abs3A_1501, %get3A_4 : vector<16xf32>
      %select_n3A_1503 = arith.select %le3A_1502, %broadcast_in_dim3A_17, %broadcast_in_dim3A_19 : vector<16xi1>, vector<16xf32>
      %swap3A_1504 = arith.index_cast %add3A_1472 : i32 to index
      %swap3A_1505 = arith.constant 48 : index
      %swap3A_1506 = tpu.vector_load %arg7[%swap3A_1504, %swap3A_1505] {strides = array<i32>} : memref<512x64xf32, #tpu.memory_space<vmem>>, vector<1x16xf32>,
      %swap3A_1507 = vector.shape_cast %swap3A_1506 : vector<1x16xf32> to vector<16xf32>
      %swap3A_1508 = vector.shape_cast %select_n3A_1503 : vector<16xf32> to vector<1x16xf32>
      tpu.vector_store %arg7[%swap3A_1504, %swap3A_1505], %swap3A_1508 {strides = array<i32>} : memref<512x64xf32, #tpu.memory_space<vmem>>, vector<1x16xf32>,
      %broadcast_in_dim3A_1509 = arith.constant 8 : i32
      %broadcast_in_dim3A_1510 = vector.broadcast %broadcast_in_dim3A_1509 : i32 to vector<16xi32>
      %lt3A_1511 = arith.constant 0 : i32
      %lt3A_1512 = vector.broadcast %lt3A_1511 : i32 to vector<16xi32>
      %lt3A_1513 = arith.cmpi slt, %broadcast_in_dim3A_1510, %lt3A_1512 : vector<16xi32>
      %add3A_1514 = arith.constant 16 : i32
      %add3A_1515 = vector.broadcast %add3A_1514 : i32 to vector<16xi32>
      %add3A_1516 = arith.addi %broadcast_in_dim3A_1510, %add3A_1515 : vector<16xi32>
      %select_n3A_1517 = arith.select %lt3A_1513, %add3A_1516, %broadcast_in_dim3A_1510 : vector<16xi1>, vector<16xi32>
      %broadcast_in_dim3A_1518 = vector.shape_cast %select_n3A_1517 : vector<16xi32> to vector<16x1xi32>
      %gather3A_1519 = vector.shape_cast %broadcast_in_dim3A_1518 : vector<16x1xi32> to vector<16xi32>
      %gather3A_1520 = tpu.dynamic_gather %min3A_1092[%gather3A_1519] in [0] : vector<16xf32>, vector<16xi32> -> vector<16xf32>
      %mul3A_1521 = arith.constant 16 : i32
      %mul3A_1522 = arith.muli %scan3A_966, %mul3A_1521 : i32
      %add3A_1523 = arith.constant 8 : i32
      %add3A_1524 = arith.addi %mul3A_1522, %add3A_1523 : i32
      %sub3A_1525 = arith.subf %gather3A_1520, %get3A_7 : vector<16xf32>
      %abs3A_1526 = math.absf %sub3A_1525 : vector<16xf32>
      %le3A_1527 = arith.cmpf ole, %abs3A_1526, %get3A_4 : vector<16xf32>
      %select_n3A_1528 = arith.select %le3A_1527, %broadcast_in_dim3A_17, %broadcast_in_dim3A_19 : vector<16xi1>, vector<16xf32>
      %swap3A_1529 = arith.index_cast %add3A_1524 : i32 to index
      %swap3A_1530 = arith.constant 0 : index
      %swap3A_1531 = tpu.vector_load %arg7[%swap3A_1529, %swap3A_1530] {strides = array<i32>} : memref<512x64xf32, #tpu.memory_space<vmem>>, vector<1x16xf32>,
      %swap3A_1532 = vector.shape_cast %swap3A_1531 : vector<1x16xf32> to vector<16xf32>
      %swap3A_1533 = vector.shape_cast %select_n3A_1528 : vector<16xf32> to vector<1x16xf32>
      tpu.vector_store %arg7[%swap3A_1529, %swap3A_1530], %swap3A_1533 {strides = array<i32>} : memref<512x64xf32, #tpu.memory_space<vmem>>, vector<1x16xf32>,
      %sub3A_1534 = arith.subf %gather3A_1520, %get3A_10 : vector<16xf32>
      %abs3A_1535 = math.absf %sub3A_1534 : vector<16xf32>
      %le3A_1536 = arith.cmpf ole, %abs3A_1535, %get3A_4 : vector<16xf32>
      %select_n3A_1537 = arith.select %le3A_1536, %broadcast_in_dim3A_17, %broadcast_in_dim3A_19 : vector<16xi1>, vector<16xf32>
      %swap3A_1538 = arith.index_cast %add3A_1524 : i32 to index
      %swap3A_1539 = arith.constant 16 : index
      %swap3A_1540 = tpu.vector_load %arg7[%swap3A_1538, %swap3A_1539] {strides = array<i32>} : memref<512x64xf32, #tpu.memory_space<vmem>>, vector<1x16xf32>,
      %swap3A_1541 = vector.shape_cast %swap3A_1540 : vector<1x16xf32> to vector<16xf32>
      %swap3A_1542 = vector.shape_cast %select_n3A_1537 : vector<16xf32> to vector<1x16xf32>
      tpu.vector_store %arg7[%swap3A_1538, %swap3A_1539], %swap3A_1542 {strides = array<i32>} : memref<512x64xf32, #tpu.memory_space<vmem>>, vector<1x16xf32>,
      %sub3A_1543 = arith.subf %gather3A_1520, %get3A_13 : vector<16xf32>
      %abs3A_1544 = math.absf %sub3A_1543 : vector<16xf32>
      %le3A_1545 = arith.cmpf ole, %abs3A_1544, %get3A_4 : vector<16xf32>
      %select_n3A_1546 = arith.select %le3A_1545, %broadcast_in_dim3A_17, %broadcast_in_dim3A_19 : vector<16xi1>, vector<16xf32>
      %swap3A_1547 = arith.index_cast %add3A_1524 : i32 to index
      %swap3A_1548 = arith.constant 32 : index
      %swap3A_1549 = tpu.vector_load %arg7[%swap3A_1547, %swap3A_1548] {strides = array<i32>} : memref<512x64xf32, #tpu.memory_space<vmem>>, vector<1x16xf32>,
      %swap3A_1550 = vector.shape_cast %swap3A_1549 : vector<1x16xf32> to vector<16xf32>
      %swap3A_1551 = vector.shape_cast %select_n3A_1546 : vector<16xf32> to vector<1x16xf32>
      tpu.vector_store %arg7[%swap3A_1547, %swap3A_1548], %swap3A_1551 {strides = array<i32>} : memref<512x64xf32, #tpu.memory_space<vmem>>, vector<1x16xf32>,
      %sub3A_1552 = arith.subf %gather3A_1520, %get3A_16 : vector<16xf32>
      %abs3A_1553 = math.absf %sub3A_1552 : vector<16xf32>
      %le3A_1554 = arith.cmpf ole, %abs3A_1553, %get3A_4 : vector<16xf32>
      %select_n3A_1555 = arith.select %le3A_1554, %broadcast_in_dim3A_17, %broadcast_in_dim3A_19 : vector<16xi1>, vector<16xf32>
      %swap3A_1556 = arith.index_cast %add3A_1524 : i32 to index
      %swap3A_1557 = arith.constant 48 : index
      %swap3A_1558 = tpu.vector_load %arg7[%swap3A_1556, %swap3A_1557] {strides = array<i32>} : memref<512x64xf32, #tpu.memory_space<vmem>>, vector<1x16xf32>,
      %swap3A_1559 = vector.shape_cast %swap3A_1558 : vector<1x16xf32> to vector<16xf32>
      %swap3A_1560 = vector.shape_cast %select_n3A_1555 : vector<16xf32> to vector<1x16xf32>
      tpu.vector_store %arg7[%swap3A_1556, %swap3A_1557], %swap3A_1560 {strides = array<i32>} : memref<512x64xf32, #tpu.memory_space<vmem>>, vector<1x16xf32>,
      %broadcast_in_dim3A_1561 = arith.constant 9 : i32
      %broadcast_in_dim3A_1562 = vector.broadcast %broadcast_in_dim3A_1561 : i32 to vector<16xi32>
      %lt3A_1563 = arith.constant 0 : i32
      %lt3A_1564 = vector.broadcast %lt3A_1563 : i32 to vector<16xi32>
      %lt3A_1565 = arith.cmpi slt, %broadcast_in_dim3A_1562, %lt3A_1564 : vector<16xi32>
      %add3A_1566 = arith.constant 16 : i32
      %add3A_1567 = vector.broadcast %add3A_1566 : i32 to vector<16xi32>
      %add3A_1568 = arith.addi %broadcast_in_dim3A_1562, %add3A_1567 : vector<16xi32>
      %select_n3A_1569 = arith.select %lt3A_1565, %add3A_1568, %broadcast_in_dim3A_1562 : vector<16xi1>, vector<16xi32>
      %broadcast_in_dim3A_1570 = vector.shape_cast %select_n3A_1569 : vector<16xi32> to vector<16x1xi32>
      %gather3A_1571 = vector.shape_cast %broadcast_in_dim3A_1570 : vector<16x1xi32> to vector<16xi32>
      %gather3A_1572 = tpu.dynamic_gather %min3A_1092[%gather3A_1571] in [0] : vector<16xf32>, vector<16xi32> -> vector<16xf32>
      %mul3A_1573 = arith.constant 16 : i32
      %mul3A_1574 = arith.muli %scan3A_966, %mul3A_1573 : i32
      %add3A_1575 = arith.constant 9 : i32
      %add3A_1576 = arith.addi %mul3A_1574, %add3A_1575 : i32
      %sub3A_1577 = arith.subf %gather3A_1572, %get3A_7 : vector<16xf32>
      %abs3A_1578 = math.absf %sub3A_1577 : vector<16xf32>
      %le3A_1579 = arith.cmpf ole, %abs3A_1578, %get3A_4 : vector<16xf32>
      %select_n3A_1580 = arith.select %le3A_1579, %broadcast_in_dim3A_17, %broadcast_in_dim3A_19 : vector<16xi1>, vector<16xf32>
      %swap3A_1581 = arith.index_cast %add3A_1576 : i32 to index
      %swap3A_1582 = arith.constant 0 : index
      %swap3A_1583 = tpu.vector_load %arg7[%swap3A_1581, %swap3A_1582] {strides = array<i32>} : memref<512x64xf32, #tpu.memory_space<vmem>>, vector<1x16xf32>,
      %swap3A_1584 = vector.shape_cast %swap3A_1583 : vector<1x16xf32> to vector<16xf32>
      %swap3A_1585 = vector.shape_cast %select_n3A_1580 : vector<16xf32> to vector<1x16xf32>
      tpu.vector_store %arg7[%swap3A_1581, %swap3A_1582], %swap3A_1585 {strides = array<i32>} : memref<512x64xf32, #tpu.memory_space<vmem>>, vector<1x16xf32>,
      %sub3A_1586 = arith.subf %gather3A_1572, %get3A_10 : vector<16xf32>
      %abs3A_1587 = math.absf %sub3A_1586 : vector<16xf32>
      %le3A_1588 = arith.cmpf ole, %abs3A_1587, %get3A_4 : vector<16xf32>
      %select_n3A_1589 = arith.select %le3A_1588, %broadcast_in_dim3A_17, %broadcast_in_dim3A_19 : vector<16xi1>, vector<16xf32>
      %swap3A_1590 = arith.index_cast %add3A_1576 : i32 to index
      %swap3A_1591 = arith.constant 16 : index
      %swap3A_1592 = tpu.vector_load %arg7[%swap3A_1590, %swap3A_1591] {strides = array<i32>} : memref<512x64xf32, #tpu.memory_space<vmem>>, vector<1x16xf32>,
      %swap3A_1593 = vector.shape_cast %swap3A_1592 : vector<1x16xf32> to vector<16xf32>
      %swap3A_1594 = vector.shape_cast %select_n3A_1589 : vector<16xf32> to vector<1x16xf32>
      tpu.vector_store %arg7[%swap3A_1590, %swap3A_1591], %swap3A_1594 {strides = array<i32>} : memref<512x64xf32, #tpu.memory_space<vmem>>, vector<1x16xf32>,
      %sub3A_1595 = arith.subf %gather3A_1572, %get3A_13 : vector<16xf32>
      %abs3A_1596 = math.absf %sub3A_1595 : vector<16xf32>
      %le3A_1597 = arith.cmpf ole, %abs3A_1596, %get3A_4 : vector<16xf32>
      %select_n3A_1598 = arith.select %le3A_1597, %broadcast_in_dim3A_17, %broadcast_in_dim3A_19 : vector<16xi1>, vector<16xf32>
      %swap3A_1599 = arith.index_cast %add3A_1576 : i32 to index
      %swap3A_1600 = arith.constant 32 : index
      %swap3A_1601 = tpu.vector_load %arg7[%swap3A_1599, %swap3A_1600] {strides = array<i32>} : memref<512x64xf32, #tpu.memory_space<vmem>>, vector<1x16xf32>,
      %swap3A_1602 = vector.shape_cast %swap3A_1601 : vector<1x16xf32> to vector<16xf32>
      %swap3A_1603 = vector.shape_cast %select_n3A_1598 : vector<16xf32> to vector<1x16xf32>
      tpu.vector_store %arg7[%swap3A_1599, %swap3A_1600], %swap3A_1603 {strides = array<i32>} : memref<512x64xf32, #tpu.memory_space<vmem>>, vector<1x16xf32>,
      %sub3A_1604 = arith.subf %gather3A_1572, %get3A_16 : vector<16xf32>
      %abs3A_1605 = math.absf %sub3A_1604 : vector<16xf32>
      %le3A_1606 = arith.cmpf ole, %abs3A_1605, %get3A_4 : vector<16xf32>
      %select_n3A_1607 = arith.select %le3A_1606, %broadcast_in_dim3A_17, %broadcast_in_dim3A_19 : vector<16xi1>, vector<16xf32>
      %swap3A_1608 = arith.index_cast %add3A_1576 : i32 to index
      %swap3A_1609 = arith.constant 48 : index
      %swap3A_1610 = tpu.vector_load %arg7[%swap3A_1608, %swap3A_1609] {strides = array<i32>} : memref<512x64xf32, #tpu.memory_space<vmem>>, vector<1x16xf32>,
      %swap3A_1611 = vector.shape_cast %swap3A_1610 : vector<1x16xf32> to vector<16xf32>
      %swap3A_1612 = vector.shape_cast %select_n3A_1607 : vector<16xf32> to vector<1x16xf32>
      tpu.vector_store %arg7[%swap3A_1608, %swap3A_1609], %swap3A_1612 {strides = array<i32>} : memref<512x64xf32, #tpu.memory_space<vmem>>, vector<1x16xf32>,
      %broadcast_in_dim3A_1613 = arith.constant 10 : i32
      %broadcast_in_dim3A_1614 = vector.broadcast %broadcast_in_dim3A_1613 : i32 to vector<16xi32>
      %lt3A_1615 = arith.constant 0 : i32
      %lt3A_1616 = vector.broadcast %lt3A_1615 : i32 to vector<16xi32>
      %lt3A_1617 = arith.cmpi slt, %broadcast_in_dim3A_1614, %lt3A_1616 : vector<16xi32>
      %add3A_1618 = arith.constant 16 : i32
      %add3A_1619 = vector.broadcast %add3A_1618 : i32 to vector<16xi32>
      %add3A_1620 = arith.addi %broadcast_in_dim3A_1614, %add3A_1619 : vector<16xi32>
      %select_n3A_1621 = arith.select %lt3A_1617, %add3A_1620, %broadcast_in_dim3A_1614 : vector<16xi1>, vector<16xi32>
      %broadcast_in_dim3A_1622 = vector.shape_cast %select_n3A_1621 : vector<16xi32> to vector<16x1xi32>
      %gather3A_1623 = vector.shape_cast %broadcast_in_dim3A_1622 : vector<16x1xi32> to vector<16xi32>
      %gather3A_1624 = tpu.dynamic_gather %min3A_1092[%gather3A_1623] in [0] : vector<16xf32>, vector<16xi32> -> vector<16xf32>
      %mul3A_1625 = arith.constant 16 : i32
      %mul3A_1626 = arith.muli %scan3A_966, %mul3A_1625 : i32
      %add3A_1627 = arith.constant 10 : i32
      %add3A_1628 = arith.addi %mul3A_1626, %add3A_1627 : i32
      %sub3A_1629 = arith.subf %gather3A_1624, %get3A_7 : vector<16xf32>
      %abs3A_1630 = math.absf %sub3A_1629 : vector<16xf32>
      %le3A_1631 = arith.cmpf ole, %abs3A_1630, %get3A_4 : vector<16xf32>
      %select_n3A_1632 = arith.select %le3A_1631, %broadcast_in_dim3A_17, %broadcast_in_dim3A_19 : vector<16xi1>, vector<16xf32>
      %swap3A_1633 = arith.index_cast %add3A_1628 : i32 to index
      %swap3A_1634 = arith.constant 0 : index
      %swap3A_1635 = tpu.vector_load %arg7[%swap3A_1633, %swap3A_1634] {strides = array<i32>} : memref<512x64xf32, #tpu.memory_space<vmem>>, vector<1x16xf32>,
      %swap3A_1636 = vector.shape_cast %swap3A_1635 : vector<1x16xf32> to vector<16xf32>
      %swap3A_1637 = vector.shape_cast %select_n3A_1632 : vector<16xf32> to vector<1x16xf32>
      tpu.vector_store %arg7[%swap3A_1633, %swap3A_1634], %swap3A_1637 {strides = array<i32>} : memref<512x64xf32, #tpu.memory_space<vmem>>, vector<1x16xf32>,
      %sub3A_1638 = arith.subf %gather3A_1624, %get3A_10 : vector<16xf32>
      %abs3A_1639 = math.absf %sub3A_1638 : vector<16xf32>
      %le3A_1640 = arith.cmpf ole, %abs3A_1639, %get3A_4 : vector<16xf32>
      %select_n3A_1641 = arith.select %le3A_1640, %broadcast_in_dim3A_17, %broadcast_in_dim3A_19 : vector<16xi1>, vector<16xf32>
      %swap3A_1642 = arith.index_cast %add3A_1628 : i32 to index
      %swap3A_1643 = arith.constant 16 : index
      %swap3A_1644 = tpu.vector_load %arg7[%swap3A_1642, %swap3A_1643] {strides = array<i32>} : memref<512x64xf32, #tpu.memory_space<vmem>>, vector<1x16xf32>,
      %swap3A_1645 = vector.shape_cast %swap3A_1644 : vector<1x16xf32> to vector<16xf32>
      %swap3A_1646 = vector.shape_cast %select_n3A_1641 : vector<16xf32> to vector<1x16xf32>
      tpu.vector_store %arg7[%swap3A_1642, %swap3A_1643], %swap3A_1646 {strides = array<i32>} : memref<512x64xf32, #tpu.memory_space<vmem>>, vector<1x16xf32>,
      %sub3A_1647 = arith.subf %gather3A_1624, %get3A_13 : vector<16xf32>
      %abs3A_1648 = math.absf %sub3A_1647 : vector<16xf32>
      %le3A_1649 = arith.cmpf ole, %abs3A_1648, %get3A_4 : vector<16xf32>
      %select_n3A_1650 = arith.select %le3A_1649, %broadcast_in_dim3A_17, %broadcast_in_dim3A_19 : vector<16xi1>, vector<16xf32>
      %swap3A_1651 = arith.index_cast %add3A_1628 : i32 to index
      %swap3A_1652 = arith.constant 32 : index
      %swap3A_1653 = tpu.vector_load %arg7[%swap3A_1651, %swap3A_1652] {strides = array<i32>} : memref<512x64xf32, #tpu.memory_space<vmem>>, vector<1x16xf32>,
      %swap3A_1654 = vector.shape_cast %swap3A_1653 : vector<1x16xf32> to vector<16xf32>
      %swap3A_1655 = vector.shape_cast %select_n3A_1650 : vector<16xf32> to vector<1x16xf32>
      tpu.vector_store %arg7[%swap3A_1651, %swap3A_1652], %swap3A_1655 {strides = array<i32>} : memref<512x64xf32, #tpu.memory_space<vmem>>, vector<1x16xf32>,
      %sub3A_1656 = arith.subf %gather3A_1624, %get3A_16 : vector<16xf32>
      %abs3A_1657 = math.absf %sub3A_1656 : vector<16xf32>
      %le3A_1658 = arith.cmpf ole, %abs3A_1657, %get3A_4 : vector<16xf32>
      %select_n3A_1659 = arith.select %le3A_1658, %broadcast_in_dim3A_17, %broadcast_in_dim3A_19 : vector<16xi1>, vector<16xf32>
      %swap3A_1660 = arith.index_cast %add3A_1628 : i32 to index
      %swap3A_1661 = arith.constant 48 : index
      %swap3A_1662 = tpu.vector_load %arg7[%swap3A_1660, %swap3A_1661] {strides = array<i32>} : memref<512x64xf32, #tpu.memory_space<vmem>>, vector<1x16xf32>,
      %swap3A_1663 = vector.shape_cast %swap3A_1662 : vector<1x16xf32> to vector<16xf32>
      %swap3A_1664 = vector.shape_cast %select_n3A_1659 : vector<16xf32> to vector<1x16xf32>
      tpu.vector_store %arg7[%swap3A_1660, %swap3A_1661], %swap3A_1664 {strides = array<i32>} : memref<512x64xf32, #tpu.memory_space<vmem>>, vector<1x16xf32>,
      %broadcast_in_dim3A_1665 = arith.constant 11 : i32
      %broadcast_in_dim3A_1666 = vector.broadcast %broadcast_in_dim3A_1665 : i32 to vector<16xi32>
      %lt3A_1667 = arith.constant 0 : i32
      %lt3A_1668 = vector.broadcast %lt3A_1667 : i32 to vector<16xi32>
      %lt3A_1669 = arith.cmpi slt, %broadcast_in_dim3A_1666, %lt3A_1668 : vector<16xi32>
      %add3A_1670 = arith.constant 16 : i32
      %add3A_1671 = vector.broadcast %add3A_1670 : i32 to vector<16xi32>
      %add3A_1672 = arith.addi %broadcast_in_dim3A_1666, %add3A_1671 : vector<16xi32>
      %select_n3A_1673 = arith.select %lt3A_1669, %add3A_1672, %broadcast_in_dim3A_1666 : vector<16xi1>, vector<16xi32>
      %broadcast_in_dim3A_1674 = vector.shape_cast %select_n3A_1673 : vector<16xi32> to vector<16x1xi32>
      %gather3A_1675 = vector.shape_cast %broadcast_in_dim3A_1674 : vector<16x1xi32> to vector<16xi32>
      %gather3A_1676 = tpu.dynamic_gather %min3A_1092[%gather3A_1675] in [0] : vector<16xf32>, vector<16xi32> -> vector<16xf32>
      %mul3A_1677 = arith.constant 16 : i32
      %mul3A_1678 = arith.muli %scan3A_966, %mul3A_1677 : i32
      %add3A_1679 = arith.constant 11 : i32
      %add3A_1680 = arith.addi %mul3A_1678, %add3A_1679 : i32
      %sub3A_1681 = arith.subf %gather3A_1676, %get3A_7 : vector<16xf32>
      %abs3A_1682 = math.absf %sub3A_1681 : vector<16xf32>
      %le3A_1683 = arith.cmpf ole, %abs3A_1682, %get3A_4 : vector<16xf32>
      %select_n3A_1684 = arith.select %le3A_1683, %broadcast_in_dim3A_17, %broadcast_in_dim3A_19 : vector<16xi1>, vector<16xf32>
      %swap3A_1685 = arith.index_cast %add3A_1680 : i32 to index
      %swap3A_1686 = arith.constant 0 : index
      %swap3A_1687 = tpu.vector_load %arg7[%swap3A_1685, %swap3A_1686] {strides = array<i32>} : memref<512x64xf32, #tpu.memory_space<vmem>>, vector<1x16xf32>,
      %swap3A_1688 = vector.shape_cast %swap3A_1687 : vector<1x16xf32> to vector<16xf32>
      %swap3A_1689 = vector.shape_cast %select_n3A_1684 : vector<16xf32> to vector<1x16xf32>
      tpu.vector_store %arg7[%swap3A_1685, %swap3A_1686], %swap3A_1689 {strides = array<i32>} : memref<512x64xf32, #tpu.memory_space<vmem>>, vector<1x16xf32>,
      %sub3A_1690 = arith.subf %gather3A_1676, %get3A_10 : vector<16xf32>
      %abs3A_1691 = math.absf %sub3A_1690 : vector<16xf32>
      %le3A_1692 = arith.cmpf ole, %abs3A_1691, %get3A_4 : vector<16xf32>
      %select_n3A_1693 = arith.select %le3A_1692, %broadcast_in_dim3A_17, %broadcast_in_dim3A_19 : vector<16xi1>, vector<16xf32>
      %swap3A_1694 = arith.index_cast %add3A_1680 : i32 to index
      %swap3A_1695 = arith.constant 16 : index
      %swap3A_1696 = tpu.vector_load %arg7[%swap3A_1694, %swap3A_1695] {strides = array<i32>} : memref<512x64xf32, #tpu.memory_space<vmem>>, vector<1x16xf32>,
      %swap3A_1697 = vector.shape_cast %swap3A_1696 : vector<1x16xf32> to vector<16xf32>
      %swap3A_1698 = vector.shape_cast %select_n3A_1693 : vector<16xf32> to vector<1x16xf32>
      tpu.vector_store %arg7[%swap3A_1694, %swap3A_1695], %swap3A_1698 {strides = array<i32>} : memref<512x64xf32, #tpu.memory_space<vmem>>, vector<1x16xf32>,
      %sub3A_1699 = arith.subf %gather3A_1676, %get3A_13 : vector<16xf32>
      %abs3A_1700 = math.absf %sub3A_1699 : vector<16xf32>
      %le3A_1701 = arith.cmpf ole, %abs3A_1700, %get3A_4 : vector<16xf32>
      %select_n3A_1702 = arith.select %le3A_1701, %broadcast_in_dim3A_17, %broadcast_in_dim3A_19 : vector<16xi1>, vector<16xf32>
      %swap3A_1703 = arith.index_cast %add3A_1680 : i32 to index
      %swap3A_1704 = arith.constant 32 : index
      %swap3A_1705 = tpu.vector_load %arg7[%swap3A_1703, %swap3A_1704] {strides = array<i32>} : memref<512x64xf32, #tpu.memory_space<vmem>>, vector<1x16xf32>,
      %swap3A_1706 = vector.shape_cast %swap3A_1705 : vector<1x16xf32> to vector<16xf32>
      %swap3A_1707 = vector.shape_cast %select_n3A_1702 : vector<16xf32> to vector<1x16xf32>
      tpu.vector_store %arg7[%swap3A_1703, %swap3A_1704], %swap3A_1707 {strides = array<i32>} : memref<512x64xf32, #tpu.memory_space<vmem>>, vector<1x16xf32>,
      %sub3A_1708 = arith.subf %gather3A_1676, %get3A_16 : vector<16xf32>
      %abs3A_1709 = math.absf %sub3A_1708 : vector<16xf32>
      %le3A_1710 = arith.cmpf ole, %abs3A_1709, %get3A_4 : vector<16xf32>
      %select_n3A_1711 = arith.select %le3A_1710, %broadcast_in_dim3A_17, %broadcast_in_dim3A_19 : vector<16xi1>, vector<16xf32>
      %swap3A_1712 = arith.index_cast %add3A_1680 : i32 to index
      %swap3A_1713 = arith.constant 48 : index
      %swap3A_1714 = tpu.vector_load %arg7[%swap3A_1712, %swap3A_1713] {strides = array<i32>} : memref<512x64xf32, #tpu.memory_space<vmem>>, vector<1x16xf32>,
      %swap3A_1715 = vector.shape_cast %swap3A_1714 : vector<1x16xf32> to vector<16xf32>
      %swap3A_1716 = vector.shape_cast %select_n3A_1711 : vector<16xf32> to vector<1x16xf32>
      tpu.vector_store %arg7[%swap3A_1712, %swap3A_1713], %swap3A_1716 {strides = array<i32>} : memref<512x64xf32, #tpu.memory_space<vmem>>, vector<1x16xf32>,
      %broadcast_in_dim3A_1717 = arith.constant 12 : i32
      %broadcast_in_dim3A_1718 = vector.broadcast %broadcast_in_dim3A_1717 : i32 to vector<16xi32>
      %lt3A_1719 = arith.constant 0 : i32
      %lt3A_1720 = vector.broadcast %lt3A_1719 : i32 to vector<16xi32>
      %lt3A_1721 = arith.cmpi slt, %broadcast_in_dim3A_1718, %lt3A_1720 : vector<16xi32>
      %add3A_1722 = arith.constant 16 : i32
      %add3A_1723 = vector.broadcast %add3A_1722 : i32 to vector<16xi32>
      %add3A_1724 = arith.addi %broadcast_in_dim3A_1718, %add3A_1723 : vector<16xi32>
      %select_n3A_1725 = arith.select %lt3A_1721, %add3A_1724, %broadcast_in_dim3A_1718 : vector<16xi1>, vector<16xi32>
      %broadcast_in_dim3A_1726 = vector.shape_cast %select_n3A_1725 : vector<16xi32> to vector<16x1xi32>
      %gather3A_1727 = vector.shape_cast %broadcast_in_dim3A_1726 : vector<16x1xi32> to vector<16xi32>
      %gather3A_1728 = tpu.dynamic_gather %min3A_1092[%gather3A_1727] in [0] : vector<16xf32>, vector<16xi32> -> vector<16xf32>
      %mul3A_1729 = arith.constant 16 : i32
      %mul3A_1730 = arith.muli %scan3A_966, %mul3A_1729 : i32
      %add3A_1731 = arith.constant 12 : i32
      %add3A_1732 = arith.addi %mul3A_1730, %add3A_1731 : i32
      %sub3A_1733 = arith.subf %gather3A_1728, %get3A_7 : vector<16xf32>
      %abs3A_1734 = math.absf %sub3A_1733 : vector<16xf32>
      %le3A_1735 = arith.cmpf ole, %abs3A_1734, %get3A_4 : vector<16xf32>
      %select_n3A_1736 = arith.select %le3A_1735, %broadcast_in_dim3A_17, %broadcast_in_dim3A_19 : vector<16xi1>, vector<16xf32>
      %swap3A_1737 = arith.index_cast %add3A_1732 : i32 to index
      %swap3A_1738 = arith.constant 0 : index
      %swap3A_1739 = tpu.vector_load %arg7[%swap3A_1737, %swap3A_1738] {strides = array<i32>} : memref<512x64xf32, #tpu.memory_space<vmem>>, vector<1x16xf32>,
      %swap3A_1740 = vector.shape_cast %swap3A_1739 : vector<1x16xf32> to vector<16xf32>
      %swap3A_1741 = vector.shape_cast %select_n3A_1736 : vector<16xf32> to vector<1x16xf32>
      tpu.vector_store %arg7[%swap3A_1737, %swap3A_1738], %swap3A_1741 {strides = array<i32>} : memref<512x64xf32, #tpu.memory_space<vmem>>, vector<1x16xf32>,
      %sub3A_1742 = arith.subf %gather3A_1728, %get3A_10 : vector<16xf32>
      %abs3A_1743 = math.absf %sub3A_1742 : vector<16xf32>
      %le3A_1744 = arith.cmpf ole, %abs3A_1743, %get3A_4 : vector<16xf32>
      %select_n3A_1745 = arith.select %le3A_1744, %broadcast_in_dim3A_17, %broadcast_in_dim3A_19 : vector<16xi1>, vector<16xf32>
      %swap3A_1746 = arith.index_cast %add3A_1732 : i32 to index
      %swap3A_1747 = arith.constant 16 : index
      %swap3A_1748 = tpu.vector_load %arg7[%swap3A_1746, %swap3A_1747] {strides = array<i32>} : memref<512x64xf32, #tpu.memory_space<vmem>>, vector<1x16xf32>,
      %swap3A_1749 = vector.shape_cast %swap3A_1748 : vector<1x16xf32> to vector<16xf32>
      %swap3A_1750 = vector.shape_cast %select_n3A_1745 : vector<16xf32> to vector<1x16xf32>
      tpu.vector_store %arg7[%swap3A_1746, %swap3A_1747], %swap3A_1750 {strides = array<i32>} : memref<512x64xf32, #tpu.memory_space<vmem>>, vector<1x16xf32>,
      %sub3A_1751 = arith.subf %gather3A_1728, %get3A_13 : vector<16xf32>
      %abs3A_1752 = math.absf %sub3A_1751 : vector<16xf32>
      %le3A_1753 = arith.cmpf ole, %abs3A_1752, %get3A_4 : vector<16xf32>
      %select_n3A_1754 = arith.select %le3A_1753, %broadcast_in_dim3A_17, %broadcast_in_dim3A_19 : vector<16xi1>, vector<16xf32>
      %swap3A_1755 = arith.index_cast %add3A_1732 : i32 to index
      %swap3A_1756 = arith.constant 32 : index
      %swap3A_1757 = tpu.vector_load %arg7[%swap3A_1755, %swap3A_1756] {strides = array<i32>} : memref<512x64xf32, #tpu.memory_space<vmem>>, vector<1x16xf32>,
      %swap3A_1758 = vector.shape_cast %swap3A_1757 : vector<1x16xf32> to vector<16xf32>
      %swap3A_1759 = vector.shape_cast %select_n3A_1754 : vector<16xf32> to vector<1x16xf32>
      tpu.vector_store %arg7[%swap3A_1755, %swap3A_1756], %swap3A_1759 {strides = array<i32>} : memref<512x64xf32, #tpu.memory_space<vmem>>, vector<1x16xf32>,
      %sub3A_1760 = arith.subf %gather3A_1728, %get3A_16 : vector<16xf32>
      %abs3A_1761 = math.absf %sub3A_1760 : vector<16xf32>
      %le3A_1762 = arith.cmpf ole, %abs3A_1761, %get3A_4 : vector<16xf32>
      %select_n3A_1763 = arith.select %le3A_1762, %broadcast_in_dim3A_17, %broadcast_in_dim3A_19 : vector<16xi1>, vector<16xf32>
      %swap3A_1764 = arith.index_cast %add3A_1732 : i32 to index
      %swap3A_1765 = arith.constant 48 : index
      %swap3A_1766 = tpu.vector_load %arg7[%swap3A_1764, %swap3A_1765] {strides = array<i32>} : memref<512x64xf32, #tpu.memory_space<vmem>>, vector<1x16xf32>,
      %swap3A_1767 = vector.shape_cast %swap3A_1766 : vector<1x16xf32> to vector<16xf32>
      %swap3A_1768 = vector.shape_cast %select_n3A_1763 : vector<16xf32> to vector<1x16xf32>
      tpu.vector_store %arg7[%swap3A_1764, %swap3A_1765], %swap3A_1768 {strides = array<i32>} : memref<512x64xf32, #tpu.memory_space<vmem>>, vector<1x16xf32>,
      %broadcast_in_dim3A_1769 = arith.constant 13 : i32
      %broadcast_in_dim3A_1770 = vector.broadcast %broadcast_in_dim3A_1769 : i32 to vector<16xi32>
      %lt3A_1771 = arith.constant 0 : i32
      %lt3A_1772 = vector.broadcast %lt3A_1771 : i32 to vector<16xi32>
      %lt3A_1773 = arith.cmpi slt, %broadcast_in_dim3A_1770, %lt3A_1772 : vector<16xi32>
      %add3A_1774 = arith.constant 16 : i32
      %add3A_1775 = vector.broadcast %add3A_1774 : i32 to vector<16xi32>
      %add3A_1776 = arith.addi %broadcast_in_dim3A_1770, %add3A_1775 : vector<16xi32>
      %select_n3A_1777 = arith.select %lt3A_1773, %add3A_1776, %broadcast_in_dim3A_1770 : vector<16xi1>, vector<16xi32>
      %broadcast_in_dim3A_1778 = vector.shape_cast %select_n3A_1777 : vector<16xi32> to vector<16x1xi32>
      %gather3A_1779 = vector.shape_cast %broadcast_in_dim3A_1778 : vector<16x1xi32> to vector<16xi32>
      %gather3A_1780 = tpu.dynamic_gather %min3A_1092[%gather3A_1779] in [0] : vector<16xf32>, vector<16xi32> -> vector<16xf32>
      %mul3A_1781 = arith.constant 16 : i32
      %mul3A_1782 = arith.muli %scan3A_966, %mul3A_1781 : i32
      %add3A_1783 = arith.constant 13 : i32
      %add3A_1784 = arith.addi %mul3A_1782, %add3A_1783 : i32
      %sub3A_1785 = arith.subf %gather3A_1780, %get3A_7 : vector<16xf32>
      %abs3A_1786 = math.absf %sub3A_1785 : vector<16xf32>
      %le3A_1787 = arith.cmpf ole, %abs3A_1786, %get3A_4 : vector<16xf32>
      %select_n3A_1788 = arith.select %le3A_1787, %broadcast_in_dim3A_17, %broadcast_in_dim3A_19 : vector<16xi1>, vector<16xf32>
      %swap3A_1789 = arith.index_cast %add3A_1784 : i32 to index
      %swap3A_1790 = arith.constant 0 : index
      %swap3A_1791 = tpu.vector_load %arg7[%swap3A_1789, %swap3A_1790] {strides = array<i32>} : memref<512x64xf32, #tpu.memory_space<vmem>>, vector<1x16xf32>,
      %swap3A_1792 = vector.shape_cast %swap3A_1791 : vector<1x16xf32> to vector<16xf32>
      %swap3A_1793 = vector.shape_cast %select_n3A_1788 : vector<16xf32> to vector<1x16xf32>
      tpu.vector_store %arg7[%swap3A_1789, %swap3A_1790], %swap3A_1793 {strides = array<i32>} : memref<512x64xf32, #tpu.memory_space<vmem>>, vector<1x16xf32>,
      %sub3A_1794 = arith.subf %gather3A_1780, %get3A_10 : vector<16xf32>
      %abs3A_1795 = math.absf %sub3A_1794 : vector<16xf32>
      %le3A_1796 = arith.cmpf ole, %abs3A_1795, %get3A_4 : vector<16xf32>
      %select_n3A_1797 = arith.select %le3A_1796, %broadcast_in_dim3A_17, %broadcast_in_dim3A_19 : vector<16xi1>, vector<16xf32>
      %swap3A_1798 = arith.index_cast %add3A_1784 : i32 to index
      %swap3A_1799 = arith.constant 16 : index
      %swap3A_1800 = tpu.vector_load %arg7[%swap3A_1798, %swap3A_1799] {strides = array<i32>} : memref<512x64xf32, #tpu.memory_space<vmem>>, vector<1x16xf32>,
      %swap3A_1801 = vector.shape_cast %swap3A_1800 : vector<1x16xf32> to vector<16xf32>
      %swap3A_1802 = vector.shape_cast %select_n3A_1797 : vector<16xf32> to vector<1x16xf32>
      tpu.vector_store %arg7[%swap3A_1798, %swap3A_1799], %swap3A_1802 {strides = array<i32>} : memref<512x64xf32, #tpu.memory_space<vmem>>, vector<1x16xf32>,
      %sub3A_1803 = arith.subf %gather3A_1780, %get3A_13 : vector<16xf32>
      %abs3A_1804 = math.absf %sub3A_1803 : vector<16xf32>
      %le3A_1805 = arith.cmpf ole, %abs3A_1804, %get3A_4 : vector<16xf32>
      %select_n3A_1806 = arith.select %le3A_1805, %broadcast_in_dim3A_17, %broadcast_in_dim3A_19 : vector<16xi1>, vector<16xf32>
      %swap3A_1807 = arith.index_cast %add3A_1784 : i32 to index
      %swap3A_1808 = arith.constant 32 : index
      %swap3A_1809 = tpu.vector_load %arg7[%swap3A_1807, %swap3A_1808] {strides = array<i32>} : memref<512x64xf32, #tpu.memory_space<vmem>>, vector<1x16xf32>,
      %swap3A_1810 = vector.shape_cast %swap3A_1809 : vector<1x16xf32> to vector<16xf32>
      %swap3A_1811 = vector.shape_cast %select_n3A_1806 : vector<16xf32> to vector<1x16xf32>
      tpu.vector_store %arg7[%swap3A_1807, %swap3A_1808], %swap3A_1811 {strides = array<i32>} : memref<512x64xf32, #tpu.memory_space<vmem>>, vector<1x16xf32>,
      %sub3A_1812 = arith.subf %gather3A_1780, %get3A_16 : vector<16xf32>
      %abs3A_1813 = math.absf %sub3A_1812 : vector<16xf32>
      %le3A_1814 = arith.cmpf ole, %abs3A_1813, %get3A_4 : vector<16xf32>
      %select_n3A_1815 = arith.select %le3A_1814, %broadcast_in_dim3A_17, %broadcast_in_dim3A_19 : vector<16xi1>, vector<16xf32>
      %swap3A_1816 = arith.index_cast %add3A_1784 : i32 to index
      %swap3A_1817 = arith.constant 48 : index
      %swap3A_1818 = tpu.vector_load %arg7[%swap3A_1816, %swap3A_1817] {strides = array<i32>} : memref<512x64xf32, #tpu.memory_space<vmem>>, vector<1x16xf32>,
      %swap3A_1819 = vector.shape_cast %swap3A_1818 : vector<1x16xf32> to vector<16xf32>
      %swap3A_1820 = vector.shape_cast %select_n3A_1815 : vector<16xf32> to vector<1x16xf32>
      tpu.vector_store %arg7[%swap3A_1816, %swap3A_1817], %swap3A_1820 {strides = array<i32>} : memref<512x64xf32, #tpu.memory_space<vmem>>, vector<1x16xf32>,
      %broadcast_in_dim3A_1821 = arith.constant 14 : i32
      %broadcast_in_dim3A_1822 = vector.broadcast %broadcast_in_dim3A_1821 : i32 to vector<16xi32>
      %lt3A_1823 = arith.constant 0 : i32
      %lt3A_1824 = vector.broadcast %lt3A_1823 : i32 to vector<16xi32>
      %lt3A_1825 = arith.cmpi slt, %broadcast_in_dim3A_1822, %lt3A_1824 : vector<16xi32>
      %add3A_1826 = arith.constant 16 : i32
      %add3A_1827 = vector.broadcast %add3A_1826 : i32 to vector<16xi32>
      %add3A_1828 = arith.addi %broadcast_in_dim3A_1822, %add3A_1827 : vector<16xi32>
      %select_n3A_1829 = arith.select %lt3A_1825, %add3A_1828, %broadcast_in_dim3A_1822 : vector<16xi1>, vector<16xi32>
      %broadcast_in_dim3A_1830 = vector.shape_cast %select_n3A_1829 : vector<16xi32> to vector<16x1xi32>
      %gather3A_1831 = vector.shape_cast %broadcast_in_dim3A_1830 : vector<16x1xi32> to vector<16xi32>
      %gather3A_1832 = tpu.dynamic_gather %min3A_1092[%gather3A_1831] in [0] : vector<16xf32>, vector<16xi32> -> vector<16xf32>
      %mul3A_1833 = arith.constant 16 : i32
      %mul3A_1834 = arith.muli %scan3A_966, %mul3A_1833 : i32
      %add3A_1835 = arith.constant 14 : i32
      %add3A_1836 = arith.addi %mul3A_1834, %add3A_1835 : i32
      %sub3A_1837 = arith.subf %gather3A_1832, %get3A_7 : vector<16xf32>
      %abs3A_1838 = math.absf %sub3A_1837 : vector<16xf32>
      %le3A_1839 = arith.cmpf ole, %abs3A_1838, %get3A_4 : vector<16xf32>
      %select_n3A_1840 = arith.select %le3A_1839, %broadcast_in_dim3A_17, %broadcast_in_dim3A_19 : vector<16xi1>, vector<16xf32>
      %swap3A_1841 = arith.index_cast %add3A_1836 : i32 to index
      %swap3A_1842 = arith.constant 0 : index
      %swap3A_1843 = tpu.vector_load %arg7[%swap3A_1841, %swap3A_1842] {strides = array<i32>} : memref<512x64xf32, #tpu.memory_space<vmem>>, vector<1x16xf32>,
      %swap3A_1844 = vector.shape_cast %swap3A_1843 : vector<1x16xf32> to vector<16xf32>
      %swap3A_1845 = vector.shape_cast %select_n3A_1840 : vector<16xf32> to vector<1x16xf32>
      tpu.vector_store %arg7[%swap3A_1841, %swap3A_1842], %swap3A_1845 {strides = array<i32>} : memref<512x64xf32, #tpu.memory_space<vmem>>, vector<1x16xf32>,
      %sub3A_1846 = arith.subf %gather3A_1832, %get3A_10 : vector<16xf32>
      %abs3A_1847 = math.absf %sub3A_1846 : vector<16xf32>
      %le3A_1848 = arith.cmpf ole, %abs3A_1847, %get3A_4 : vector<16xf32>
      %select_n3A_1849 = arith.select %le3A_1848, %broadcast_in_dim3A_17, %broadcast_in_dim3A_19 : vector<16xi1>, vector<16xf32>
      %swap3A_1850 = arith.index_cast %add3A_1836 : i32 to index
      %swap3A_1851 = arith.constant 16 : index
      %swap3A_1852 = tpu.vector_load %arg7[%swap3A_1850, %swap3A_1851] {strides = array<i32>} : memref<512x64xf32, #tpu.memory_space<vmem>>, vector<1x16xf32>,
      %swap3A_1853 = vector.shape_cast %swap3A_1852 : vector<1x16xf32> to vector<16xf32>
      %swap3A_1854 = vector.shape_cast %select_n3A_1849 : vector<16xf32> to vector<1x16xf32>
      tpu.vector_store %arg7[%swap3A_1850, %swap3A_1851], %swap3A_1854 {strides = array<i32>} : memref<512x64xf32, #tpu.memory_space<vmem>>, vector<1x16xf32>,
      %sub3A_1855 = arith.subf %gather3A_1832, %get3A_13 : vector<16xf32>
      %abs3A_1856 = math.absf %sub3A_1855 : vector<16xf32>
      %le3A_1857 = arith.cmpf ole, %abs3A_1856, %get3A_4 : vector<16xf32>
      %select_n3A_1858 = arith.select %le3A_1857, %broadcast_in_dim3A_17, %broadcast_in_dim3A_19 : vector<16xi1>, vector<16xf32>
      %swap3A_1859 = arith.index_cast %add3A_1836 : i32 to index
      %swap3A_1860 = arith.constant 32 : index
      %swap3A_1861 = tpu.vector_load %arg7[%swap3A_1859, %swap3A_1860] {strides = array<i32>} : memref<512x64xf32, #tpu.memory_space<vmem>>, vector<1x16xf32>,
      %swap3A_1862 = vector.shape_cast %swap3A_1861 : vector<1x16xf32> to vector<16xf32>
      %swap3A_1863 = vector.shape_cast %select_n3A_1858 : vector<16xf32> to vector<1x16xf32>
      tpu.vector_store %arg7[%swap3A_1859, %swap3A_1860], %swap3A_1863 {strides = array<i32>} : memref<512x64xf32, #tpu.memory_space<vmem>>, vector<1x16xf32>,
      %sub3A_1864 = arith.subf %gather3A_1832, %get3A_16 : vector<16xf32>
      %abs3A_1865 = math.absf %sub3A_1864 : vector<16xf32>
      %le3A_1866 = arith.cmpf ole, %abs3A_1865, %get3A_4 : vector<16xf32>
      %select_n3A_1867 = arith.select %le3A_1866, %broadcast_in_dim3A_17, %broadcast_in_dim3A_19 : vector<16xi1>, vector<16xf32>
      %swap3A_1868 = arith.index_cast %add3A_1836 : i32 to index
      %swap3A_1869 = arith.constant 48 : index
      %swap3A_1870 = tpu.vector_load %arg7[%swap3A_1868, %swap3A_1869] {strides = array<i32>} : memref<512x64xf32, #tpu.memory_space<vmem>>, vector<1x16xf32>,
      %swap3A_1871 = vector.shape_cast %swap3A_1870 : vector<1x16xf32> to vector<16xf32>
      %swap3A_1872 = vector.shape_cast %select_n3A_1867 : vector<16xf32> to vector<1x16xf32>
      tpu.vector_store %arg7[%swap3A_1868, %swap3A_1869], %swap3A_1872 {strides = array<i32>} : memref<512x64xf32, #tpu.memory_space<vmem>>, vector<1x16xf32>,
      %broadcast_in_dim3A_1873 = arith.constant 15 : i32
      %broadcast_in_dim3A_1874 = vector.broadcast %broadcast_in_dim3A_1873 : i32 to vector<16xi32>
      %lt3A_1875 = arith.constant 0 : i32
      %lt3A_1876 = vector.broadcast %lt3A_1875 : i32 to vector<16xi32>
      %lt3A_1877 = arith.cmpi slt, %broadcast_in_dim3A_1874, %lt3A_1876 : vector<16xi32>
      %add3A_1878 = arith.constant 16 : i32
      %add3A_1879 = vector.broadcast %add3A_1878 : i32 to vector<16xi32>
      %add3A_1880 = arith.addi %broadcast_in_dim3A_1874, %add3A_1879 : vector<16xi32>
      %select_n3A_1881 = arith.select %lt3A_1877, %add3A_1880, %broadcast_in_dim3A_1874 : vector<16xi1>, vector<16xi32>
      %broadcast_in_dim3A_1882 = vector.shape_cast %select_n3A_1881 : vector<16xi32> to vector<16x1xi32>
      %gather3A_1883 = vector.shape_cast %broadcast_in_dim3A_1882 : vector<16x1xi32> to vector<16xi32>
      %gather3A_1884 = tpu.dynamic_gather %min3A_1092[%gather3A_1883] in [0] : vector<16xf32>, vector<16xi32> -> vector<16xf32>
      %mul3A_1885 = arith.constant 16 : i32
      %mul3A_1886 = arith.muli %scan3A_966, %mul3A_1885 : i32
      %add3A_1887 = arith.constant 15 : i32
      %add3A_1888 = arith.addi %mul3A_1886, %add3A_1887 : i32
      %sub3A_1889 = arith.subf %gather3A_1884, %get3A_7 : vector<16xf32>
      %abs3A_1890 = math.absf %sub3A_1889 : vector<16xf32>
      %le3A_1891 = arith.cmpf ole, %abs3A_1890, %get3A_4 : vector<16xf32>
      %select_n3A_1892 = arith.select %le3A_1891, %broadcast_in_dim3A_17, %broadcast_in_dim3A_19 : vector<16xi1>, vector<16xf32>
      %swap3A_1893 = arith.index_cast %add3A_1888 : i32 to index
      %swap3A_1894 = arith.constant 0 : index
      %swap3A_1895 = tpu.vector_load %arg7[%swap3A_1893, %swap3A_1894] {strides = array<i32>} : memref<512x64xf32, #tpu.memory_space<vmem>>, vector<1x16xf32>,
      %swap3A_1896 = vector.shape_cast %swap3A_1895 : vector<1x16xf32> to vector<16xf32>
      %swap3A_1897 = vector.shape_cast %select_n3A_1892 : vector<16xf32> to vector<1x16xf32>
      tpu.vector_store %arg7[%swap3A_1893, %swap3A_1894], %swap3A_1897 {strides = array<i32>} : memref<512x64xf32, #tpu.memory_space<vmem>>, vector<1x16xf32>,
      %sub3A_1898 = arith.subf %gather3A_1884, %get3A_10 : vector<16xf32>
      %abs3A_1899 = math.absf %sub3A_1898 : vector<16xf32>
      %le3A_1900 = arith.cmpf ole, %abs3A_1899, %get3A_4 : vector<16xf32>
      %select_n3A_1901 = arith.select %le3A_1900, %broadcast_in_dim3A_17, %broadcast_in_dim3A_19 : vector<16xi1>, vector<16xf32>
      %swap3A_1902 = arith.index_cast %add3A_1888 : i32 to index
      %swap3A_1903 = arith.constant 16 : index
      %swap3A_1904 = tpu.vector_load %arg7[%swap3A_1902, %swap3A_1903] {strides = array<i32>} : memref<512x64xf32, #tpu.memory_space<vmem>>, vector<1x16xf32>,
      %swap3A_1905 = vector.shape_cast %swap3A_1904 : vector<1x16xf32> to vector<16xf32>
      %swap3A_1906 = vector.shape_cast %select_n3A_1901 : vector<16xf32> to vector<1x16xf32>
      tpu.vector_store %arg7[%swap3A_1902, %swap3A_1903], %swap3A_1906 {strides = array<i32>} : memref<512x64xf32, #tpu.memory_space<vmem>>, vector<1x16xf32>,
      %sub3A_1907 = arith.subf %gather3A_1884, %get3A_13 : vector<16xf32>
      %abs3A_1908 = math.absf %sub3A_1907 : vector<16xf32>
      %le3A_1909 = arith.cmpf ole, %abs3A_1908, %get3A_4 : vector<16xf32>
      %select_n3A_1910 = arith.select %le3A_1909, %broadcast_in_dim3A_17, %broadcast_in_dim3A_19 : vector<16xi1>, vector<16xf32>
      %swap3A_1911 = arith.index_cast %add3A_1888 : i32 to index
      %swap3A_1912 = arith.constant 32 : index
      %swap3A_1913 = tpu.vector_load %arg7[%swap3A_1911, %swap3A_1912] {strides = array<i32>} : memref<512x64xf32, #tpu.memory_space<vmem>>, vector<1x16xf32>,
      %swap3A_1914 = vector.shape_cast %swap3A_1913 : vector<1x16xf32> to vector<16xf32>
      %swap3A_1915 = vector.shape_cast %select_n3A_1910 : vector<16xf32> to vector<1x16xf32>
      tpu.vector_store %arg7[%swap3A_1911, %swap3A_1912], %swap3A_1915 {strides = array<i32>} : memref<512x64xf32, #tpu.memory_space<vmem>>, vector<1x16xf32>,
      %sub3A_1916 = arith.subf %gather3A_1884, %get3A_16 : vector<16xf32>
      %abs3A_1917 = math.absf %sub3A_1916 : vector<16xf32>
      %le3A_1918 = arith.cmpf ole, %abs3A_1917, %get3A_4 : vector<16xf32>
      %select_n3A_1919 = arith.select %le3A_1918, %broadcast_in_dim3A_17, %broadcast_in_dim3A_19 : vector<16xi1>, vector<16xf32>
      %swap3A_1920 = arith.index_cast %add3A_1888 : i32 to index
      %swap3A_1921 = arith.constant 48 : index
      %swap3A_1922 = tpu.vector_load %arg7[%swap3A_1920, %swap3A_1921] {strides = array<i32>} : memref<512x64xf32, #tpu.memory_space<vmem>>, vector<1x16xf32>,
      %swap3A_1923 = vector.shape_cast %swap3A_1922 : vector<1x16xf32> to vector<16xf32>
      %swap3A_1924 = vector.shape_cast %select_n3A_1919 : vector<16xf32> to vector<1x16xf32>
      tpu.vector_store %arg7[%swap3A_1920, %swap3A_1921], %swap3A_1924 {strides = array<i32>} : memref<512x64xf32, #tpu.memory_space<vmem>>, vector<1x16xf32>,
    }
    %scan3A_24 = arith.constant 32 : i32
    "tpu.region"() ({
      %run_scoped3A = tpu.sem_alloc : memref<!tpu.dma_semaphore, #tpu.memory_space<semaphore_mem>>
      %dma_start3A = arith.constant 0 : i32
      %dma_start3A_25 = tpu.memref_slice %arg5[%mul3A_2, %dma_start3A] : memref<16384x64xf32, #tpu.memory_space<hbm>> -> memref<512x64xf32, #tpu.memory_space<hbm>>
      %dma_start3A_26 = arith.constant 0 : i32
      %dma_start3A_27 = tpu.memref_slice %arg5[%mul3A_2, %dma_start3A_26] : memref<16384x64xf32, #tpu.memory_space<hbm>> -> memref<512x64xf32, #tpu.memory_space<hbm>>
      tpu.enqueue_dma source(%arg7 : memref<512x64xf32, #tpu.memory_space<vmem>>) target(%dma_start3A_27 : memref<512x64xf32, #tpu.memory_space<hbm>>) target_semaphore(%run_scoped3A : memref<!tpu.dma_semaphore, #tpu.memory_space<semaphore_mem>>)
      %dma_wait3A = arith.constant 0 : i32
      %dma_wait3A_28 = tpu.memref_slice %arg5[%mul3A_2, %dma_wait3A] : memref<16384x64xf32, #tpu.memory_space<hbm>> -> memref<512x64xf32, #tpu.memory_space<hbm>>
      %dma_wait3A_29 = arith.constant 0 : i32
      %dma_wait3A_30 = tpu.memref_slice %arg5[%mul3A_2, %dma_wait3A_29] : memref<16384x64xf32, #tpu.memory_space<hbm>> -> memref<512x64xf32, #tpu.memory_space<hbm>>
      tpu.wait_dma2 semaphore(%run_scoped3A : memref<!tpu.dma_semaphore, #tpu.memory_space<semaphore_mem>>) src(%arg7 : memref<512x64xf32, #tpu.memory_space<vmem>>) dst(%dma_wait3A_30 : memref<512x64xf32, #tpu.memory_space<hbm>>)
      tpu.yield
    }) : () -> ()
    return
  }
}

</mosaic_0001>

<sc_bundles>
// kernel: _sc_mask.3.cloned.1.call-start
scs
__scs_entry_jumppad:
0x0: {  	(pc) =	sbr.rel $0x88, $3  }
0x1: {  	(tag) =	ssettag $0x0;
	lr =	simm.s32 $0x1  }
0x2: {  	[smem:$0x3F9E] =	sst lr;
	_ =	strace $0xD0000000  }
0x3: {  	_ = 	snop  }
0x4: {  	_ = 	snop  }
0x5: {  	_ = 	snop  }
0x6: {  	_ = 	snop  }
0x7: {  	_ = 	snop  }
__scs_overlays_trampoline_lowered:
0x8: {  	[smem:$0x3FAD] =	sst s0  }
0x9: {  	[smem:$0x3FAE] =	sst s1  }
0xa: {  	[smem:$0x3FAF] =	sst s2  }
0xb: {  	[smem:$0x3FB0] =	sst s3  }
0xc: {  	[smem:$0x3FB1] =	sst s4  }
0xd: {  	[smem:$0x3FB2] =	sst s5  }
0xe: {  	[smem:$0x3FB3] =	sst s6  }
0xf: {  	[smem:$0x3FB4] =	sst s7  }
0x10: {  	[smem:$0x3FB5] =	sst s8  }
0x11: {  	[smem:$0x3FB6] =	sst s9;
	s0 =	simm.s32 @!p0 $0x0  }
0x12: {  	s1 =	sld [smem:$0x3F9C];
	s0 =	simm.s32 @p0 $0x1  }
0x13: {  	[smem:$0x3FB7] =	sst s0;
	s0 =	simm.s32 @!p1 $0x0  }
0x14: {  	s2 =	sld [smem:$0x3F9B];
	s0 =	simm.s32 @p1 $0x1  }
0x15: {  	[smem:$0x3FB8] =	sst s0;
	s0 =	simm.s32 @!p2 $0x0  }
0x16: {  	s3 =	sld [smem:$0x3FDB];
	s0 =	simm.s32 @p2 $0x1  }
0x17: {  	s4 =	simm.s32 $0x1BF5;
	[smem:$0x3FBA] =	sst s0  }
0x18: {  	s0 =	sld [smem:$0x3F9D];
	_ =	swait.ge [sflag:s4], $0x0  }
0x19: {  	s7 =	sld [smem:$0x3F9E]  }
0x1a: {  	s8 =	sadd.s32 $0xFFFFE003, lr  }
0x1b: {  	s9 =	sadd.s32 $0xFFFFFEF7, lr;
	s5 =	simm.s32 $0xFFFFFFFF;
	p2 =	slt.u32 s8, $0xFFFFF086  }
0x1c: {  	p1 =	slt.u32 s9, $0xF7A;
	s5 =	simm.s32 @!p2 $0x0  }
0x1d: {  	s5 =	simm.s32 @p1 $0x1;
	p0 =	seq.s32 s7, s2  }
0x1e: {  	s7 =	smul.u32 @!p0 $0xF7A, s2;
	p2 =	seq.s32 @!p0 s5, $0x0  }
0x1f: {  	s9 =	smul.u32 $0xF7A, s1;
	s8 =	simm.s32 @!p0 $0x1BF5;
	p2 =	por !p2, p0  }
0x20: {  	[sflag:s8] =	ssyncset.s32 @!p0 $0xFFFFF086;
	s6 =	sadd.s32 @!p0 s3, s7;
	s7 =	simm.s32 @!p0 $0x108  }
0x21: {  	s3 =	sadd.s32 s3, s9;
	s6 =	sadd.s32 @!p0 $0x88, s6;
	s7 =	simm.s32 @p2 $0x1082  }
0x22: {  	[simem:s7], [sflag:s8] =	dma.local @!p0 [hbm:s6], $0xF7A  }
0x23: {  	s9 =	sor.u32 $0xD0000000, s2;
	s6 =	simm.s32 $0x108;
	_ =	swait.ge @!p0 [sflag:s8], $0x0  }
0x24: {  	s3 =	sadd.s32 $0x88, s3;
	s6 =	simm.s32 @!p1 $0x1082;
	[sflag:s4] =	ssyncset.s32 $0xFFFFF086  }
0x25: {  	[simem:s6], [sflag:s4] =	dma.local [hbm:s3], $0xF7A  }
0x26: {  	[smem:$0x3F9E] =	sst s1;
	(tag) =	ssettag s2;
	_ =	strace s9  }
0x27: {  	s1 =	sld [smem:$0x3FAE]  }
0x28: {  	s2 =	sld [smem:$0x3FAF]  }
0x29: {  	s4 =	sld [smem:$0x3FB1]  }
0x2a: {  	p0 =	seq.s32 s5, $0x0;
	s5 =	sld [smem:$0x3FB2]  }
0x2b: {  	s6 =	sld [smem:$0x3FB3]  }
0x2c: {  	s7 =	sld [smem:$0x3FB4]  }
0x2d: {  	s3 =	simm.s32 $0x108;
	s8 =	sld [smem:$0x3FB5]  }
0x2e: {  	s3 =	simm.s32 @!p0 $0x1082;
	s9 =	sld [smem:$0x3FB6]  }
0x2f: {  	lr =	sadd.s32 s0, s3;
	s0 =	sld [smem:$0x3FAD]  }
0x30: {  	s3 =	sld [smem:$0x3FB0]  }
0x31: {  	[smem:$0x3FB9] =	sst s10  }
0x32: {  	s10 =	sld [smem:$0x3FB7];
	_ =	sdelay $0x3  }
0x33: {  	p0 =	seq.s32 s10, $0x1;
	s10 =	sld [smem:$0x3FB9];
	_ =	sdelay $0x3  }
0x34: {  	[smem:$0x3FB9] =	sst s10  }
0x35: {  	s10 =	sld [smem:$0x3FB8];
	_ =	sdelay $0x3  }
0x36: {  	p1 =	seq.s32 s10, $0x1;
	s10 =	sld [smem:$0x3FB9];
	_ =	sdelay $0x3  }
0x37: {  	[smem:$0x3FB9] =	sst s10  }
0x38: {  	s10 =	sld [smem:$0x3FBA]  }
0x39: {  	_ = 	snop;
	(pc) =	sbr.ind lr, $3  }
0x3a: {  	_ = 	snop  }
0x3b: {  	_ = 	snop  }
0x3c: {  	p2 =	seq.s32 s10, $0x1;
	s10 =	sld [smem:$0x3FB9]  }
0x3d: {  	_ =	shalt  }
0x3e: {  	_ =	shalt  }
0x3f: {  	_ =	shalt  }
0x40: {  	_ =	shalt  }
0x41: {  	_ =	shalt  }
0x42: {  	_ =	shalt  }
0x43: {  	_ =	shalt  }
0x44: {  	_ =	shalt  }
0x45: {  	_ =	shalt  }
0x46: {  	_ =	shalt  }
0x47: {  	_ =	shalt  }
0x48: {  	_ =	shalt  }
0x49: {  	_ =	shalt  }
0x4a: {  	_ =	shalt  }
0x4b: {  	_ =	shalt  }
0x4c: {  	_ =	shalt  }
0x4d: {  	_ =	shalt  }
0x4e: {  	_ =	shalt  }
0x4f: {  	_ =	shalt  }
0x50: {  	_ =	shalt  }
0x51: {  	_ =	shalt  }
0x52: {  	_ =	shalt  }
0x53: {  	_ =	shalt  }
0x54: {  	_ =	shalt  }
0x55: {  	_ =	shalt  }
0x56: {  	_ =	shalt  }
0x57: {  	_ =	shalt  }
0x58: {  	_ =	shalt  }
0x59: {  	_ =	shalt  }
0x5a: {  	_ =	shalt  }
0x5b: {  	_ =	shalt  }
0x5c: {  	_ =	shalt  }
0x5d: {  	_ =	shalt  }
0x5e: {  	_ =	shalt  }
0x5f: {  	_ =	shalt  }
0x60: {  	_ =	shalt  }
0x61: {  	_ =	shalt  }
0x62: {  	_ =	shalt  }
0x63: {  	_ =	shalt  }
0x64: {  	_ =	shalt  }
0x65: {  	_ =	shalt  }
0x66: {  	_ =	shalt  }
0x67: {  	_ =	shalt  }
0x68: {  	_ =	shalt  }
0x69: {  	_ =	shalt  }
0x6a: {  	_ =	shalt  }
0x6b: {  	_ =	shalt  }
0x6c: {  	_ =	shalt  }
0x6d: {  	_ =	shalt  }
0x6e: {  	_ =	shalt  }
0x6f: {  	_ =	shalt  }
0x70: {  	_ =	shalt  }
0x71: {  	_ =	shalt  }
0x72: {  	_ =	shalt  }
0x73: {  	_ =	shalt  }
0x74: {  	_ =	shalt  }
0x75: {  	_ =	shalt  }
0x76: {  	_ =	shalt  }
0x77: {  	_ =	shalt  }
0x78: {  	_ =	shalt  }
0x79: {  	_ =	shalt  }
0x7a: {  	_ =	shalt  }
0x7b: {  	_ =	shalt  }
0x7c: {  	_ =	shalt  }
0x7d: {  	_ =	shalt  }
0x7e: {  	_ =	shalt  }
0x7f: {  	_ =	shalt  }
0x80: {  	_ =	shalt  }
0x81: {  	_ =	shalt  }
0x82: {  	_ =	shalt  }
0x83: {  	_ =	shalt  }
0x84: {  	_ =	shalt  }
0x85: {  	_ =	shalt  }
0x86: {  	_ =	shalt  }
0x87: {  	_ =	shalt  }
.Lfunc_end0:
.L_simem_size_0:
called_computation_lowered:
.L_overlay_start_0:
0x88: {  	s2 =	sld [smem:$0x3FD9]  }
0x89: {  	s3 =	sld [smem:$0x3FFE];
	_ =	sdelay $0x1  }
0x8a: {  	s1 =	srdreg.scid  }
0x8b: {  	s0 =	sand.u32 $0x1, s1  }
0x8c: {  	s17 =	sshll.u32 s0, $0xA;
	s2 =	sadd.s32 s3, s2  }
0x8d: {  	s2 =	sadd.s32 s2, s17  }
0x8e: {  	[smem:$0x3FC5] =	sst s2  }
0x8f: {  	_ = 	snop  }
0x90: {  	s2 =	sld [smem:$0x3FC9]  }
0x91: {  	s18 =	sld [smem:$0x3FC8]  }
0x92: {  	s4 =	sld [smem:$0x3FC7];
	(tm) =	ssettm $0x1  }
0x93: {  	s5 =	sld [smem:$0x3FFB];
	_ =	sdelay $0x3  }
0x94: {  	_ =	strace s5  }
0x95: {  	s5 =	sld [smem:$0x3FFC];
	_ =	sdelay $0x3  }
0x96: {  	_ =	strace s5  }
0x97: {  	s5 =	sld [smem:$0x3FFD];
	_ =	sdelay $0x3  }
0x98: {  	_ =	strace s5  }
0x99: {  	_ =	strace $0x8FFFFFFF  }
0x9a: {  	s19 =	sld [smem:$0x3FDB];
	_ =	sdelay $0x1  }
0x9b: {  	s6 =	simm.s32 $_scs_section_size  }
0x9c: {  	s7 =	simm.s32 $_size__tile_overlayer_lowered;
	s8 =	simm.s32 $_tile_overlayer_lowered  }
0x9d: {  	s22 =	simm.s32 $0x1BFF;
	s21 =	sshll.u32 s8, $0x1;
	s5 =	sadd.s32 s6, s19  }
0x9e: {  	s9 =	simm.s32 $0x0;
	s20 =	sshll.u32 s7, $0x1;
	s7 =	sadd.s32 s21, s5  }
0x9f: {  	[timem:s9], [sflag:s22] =	dma.local [hbm:s7], s20  }
0xa0: {  	_ =	swait.ge [sflag:s22], s20  }
0xa1: {  	s6 =	ssub.s32 $0x0, s20;
	[sflag:s22] =	ssyncset.done $0x0  }
0xa2: {  	[sflag:s22] =	ssyncadd.s32 s6;
	_ =	sdelay $0x1  }
0xa3: {  	s23 =	simm.s32 $0x1B8B  }
0xa4: {  	_ =	swait.ge [sflag:s23], $0x1  }
0xa5: {  	[sflag:s23] =	ssyncset.done $0x0  }
0xa6: {  	s25 =	simm.s32 $0x1B8E;
	s24 =	sld [smem:$0x3FFE];
	[sflag:s23] =	ssyncadd.s32 $0xFFFFFFFF  }
0xa7: {  	s26 =	simm.s32 $execute0_lowered;
	[smem:$0x3FD2] =	sst s25  }
0xa8: {  	s7 =	sshll.u32 s26, $0x1;
	_ =	strace $0x80000046;
	[dreg:$0x1] =	wrdreg $0xFFFFFFFF  }
0xa9: {  	s28 =	simm.s32 $_size_execute0_lowered;
	s5 =	sadd.s32 s5, s7;
	[dreg:$0x0] =	wrdreg $0x0  }
0xaa: {  	s7 =	sshll.u32 s28, $0x1;
	[dreg:$0x2] =	wrdreg s5  }
0xab: {  	[dreg:$0x3] =	wrdreg s7  }
0xac: {  	[dreg:$0x4] =	wrdreg $0xC0  }
0xad: {  	_ =	task [dreg:s9], $0x5FFFF  }
0xae: {  	[dreg:$0x1] =	wrdreg $0xFFFFFFFF  }
0xaf: {  	[dreg:$0x0] =	wrdreg $0x60  }
0xb0: {  	[dreg:$0x2] =	wrdreg s2  }
0xb1: {  	[dreg:$0x3] =	wrdreg s18  }
0xb2: {  	[dreg:$0x4] =	wrdreg s4  }
0xb3: {  	[dreg:$0x5] =	wrdreg s24  }
0xb4: {  	[dreg:$0x6] =	wrdreg $0x9  }
0xb5: {  	_ =	task.clear_ibuf [dreg:s9], $0x7FFFF;
	_ =	strace $0x90000046  }
0xb6: {  	s29 =	simm.s32 $0x9;
	_ =	strace $0x80000048  }
0xb7: {  	_ =	swait.ge [sflag:s29], $0x1  }
0xb8: {  	[sflag:s29] =	ssyncadd.s32 $0xFFFFFFFF  }
0xb9: {  	_ =	strace $0x90000048  }
0xba: {  	_ =	sfence  }
0xbb: {  	s30 =	sld [smem:$0x0];
	_ =	sdelay $0x2  }
0xbc: {  	s31 =	sshll.u32 s1, $0xD;
	s1 =	sshrl.u32 s1, $0x2  }
0xbd: {  	s3 =	sand.u32 $0x4000, s31;
	s1 =	sadd.s32 s1, s30  }
0xbe: {  	s0 =	sor.u32 s3, s0;
	s1 =	sshll.u32 s1, $0x11  }
0xbf: {  	s0 =	sor.u32 s1, s0  }
0xc0: {  	s0 =	sadd.s32 $0x8F2B, s0  }
0xc1: {  	[sflag:s0] =	ssyncadd.remote.s32 $0x1  }
0xc2: {  	_ =	sfence.sel $0xFFFF  }
0xc3: {  	[dreg:$0x0] =	wrdreg $0xFFFFFFFF;
	(pc) =	sbr.abs _section_cstart, $3  }
0xc4: {  	[dreg:$0x1] =	wrdreg $0xFFFFFFFF  }
0xc5: {  	_ =	task.clear_ibuf [dreg:s9], $0x2FFFF;
	_ =	strace $0x9FFFFFFF  }
0xc6: {  	(tm) =	ssettm $0x7FFFFFFF  }
0xc7: {  	_ =	shalt  }
tec
execute0_lowered:
.L_overlay_start_1:
0x0: {  	(tag) =	ssettag $0x1  }
0x1: {  	s5 =	rddreg [dreg:$0x0]  }
0x2: {  	s1 =	rddreg [dreg:$0x1]  }
0x3: {  	s3 =	rddreg [dreg:$0x2]  }
0x4: {  	s6 =	rddreg [dreg:$0x3];
	s4 =	srdreg.scid  }
0x5: {  	s0 =	rddreg [dreg:$0x4];
	s2 =	stileid.u32  }
0x6: {  	s10 =	simm.s32 $0x10280;
	s11 =	simm.s32 $0x200;
	s12 =	simm.s32 $0x0  }
0x7: {  	v0 =	vimm.s32 $0x0;
	v1 =	vimm.f32 $0.0e+00;
	s7 =	sand.u32 $0x1, s4;
	s4 =	simm.s32 $0x0;
	s8 =	sshll.u32 s2, $0xA  }
0x8: {  	v2 =	vimm.s32 $0x1;
	v3 =	vimm.s32 $0x2;
	v4 =	vimm.s32 $0x3;
	s9 =	sshll.u32 s7, $0x9;
	[smem:$0x7FF] =	sst s4;
	s7 =	ssub.s32 $0x2, s7  }
0x9: {  	v5 =	vimm.s32 $0x4;
	v6 =	vimm.s32 $0x5;
	v7 =	vimm.s32 $0x6;
	s8 =	sor.u32 s9, s8;
	_ =	strace $0x80000047;
	s31 =	sshrl.u32 s7, $0x1  }
0xa: {  	v8 =	vimm.s32 $0x7;
	v9 =	vimm.s32 $0x8;
	v10 =	vimm.s32 $0x9;
	s9 =	sshll.u32 s8, $0x4;
	s8 =	sshrl.u32 s8, $0x3;
	s7 =	ssub.s32 s7, s31  }
0xb: {  	v11 =	vimm.s32 $0xA;
	v12 =	vimm.s32 $0xB;
	v13 =	vimm.s32 $0xC;
	s6 =	sadd.s32 s9, s6;
	s5 =	sadd.s32 s5, s8;
	s7 =	smax.u32 s7, $0x1  }
0xc: {  	v14 =	vimm.s32 $0xD;
	v15 =	vimm.s32 $0xE;
	v16 =	vimm.s32 $0xF;
	s8 =	simm.s32 $0x1;
	s9 =	simm.s32 $0x10200;
	s6 =	sadd.s32 $0x400, s6  }
.LBB2_1:
0xd: {  	[tilespmem:s4], [sflag:$0x1] =	stream.linear.gather [hbm4b:s5+s4], $0x200, $0x38;
	[tilespmem:$0x10300] =	vst v63  }
0xe: {  	_ =	swait.ge [sflag:s8], $0x200  }
0xf: {  	[sflag:s8] =	ssyncset.done $0x0  }
0x10: {  	[sflag:s8] =	ssyncadd.s32 $0xFFFFFE00  }
0x11: {  	[tilespmem:s9], [sflag:$0x1] =	stream.linear.gather [hbm4b:s1+s4], $0x80, $0x38;
	[tilespmem:$0x10300] =	vst v63  }
0x12: {  	_ =	swait.ge [sflag:s8], $0x80  }
0x13: {  	[sflag:s8] =	ssyncset.done $0x0  }
0x14: {  	[sflag:s8] =	ssyncadd.s32 $0xFFFFFF80  }
0x15: {  	[tilespmem:s10], [sflag:$0x1] =	stream.linear.gather [hbm4b:s3+s4], $0x80, $0x38;
	[tilespmem:$0x10300] =	vst v63  }
0x16: {  	_ =	swait.ge [sflag:s8], $0x80  }
0x17: {  	[sflag:s8] =	ssyncset.done $0x0  }
0x18: {  	[sflag:s8] =	ssyncadd.s32 $0xFFFFFF80  }
0x19: {  	v17 =	vld [tilespmem:$0x10280]  }
0x1a: {  	v18 =	vld [tilespmem:$0x10200]  }
0x1b: {  	v19 =	vld [tilespmem:$0x10210]  }
0x1c: {  	v20 =	vld [tilespmem:$0x10220]  }
0x1d: {  	s13 =	simm.s32 $0xFFFFFFFE;
	s14 =	simm.s32 $0xA00;
	s15 =	simm.s32 $0x10;
	v21 =	vld [tilespmem:$0x10230]  }
.LBB2_2:
0x1e: {  	v22 =	vld [tilespmem:s15+$0xFFFFFFF0];
	_ =	sdelay $0x4  }
0x1f: {  	v23 =	vand.u32 $0x7FFFFF, v22  }
0x20: {  	v23 =	vor.u32 $0x3F800000, v23  }
0x21: {  	v24 =	vmul.f32 $5.000000000e-01, v23  }
0x22: {  	vm0 =	vge.f32 v23, $1.414213540e+00  }
0x23: {  	v23 =	vsel vm0, v24, v23  }
0x24: {  	v24 =	vadd.f32 $1.000000000e+00, v23;
	_ =	sdelay $0x1  }
0x25: {  	(erf) = vrcp.f32 v24;
	_ =	sdelay $0x7  }
0x26: {  	v23 =	vadd.f32 $-1.000000000e+00, v23  }
0x27: {  	v24 =	vpop (erf)  }
0x28: {  	v23 =	vmul.f32 v24, v23;
	_ =	sdelay $0x1  }
0x29: {  	v24 =	vmul.f32 v23, v23;
	_ =	sdelay $0x1  }
0x2a: {  	v25 =	vmul.f32 $1.428571490e-01, v24;
	_ =	sdelay $0x1  }
0x2b: {  	v25 =	vadd.f32 $2.000000030e-01, v25;
	_ =	sdelay $0x1  }
0x2c: {  	v25 =	vmul.f32 v25, v24;
	_ =	sdelay $0x1  }
0x2d: {  	v25 =	vadd.f32 $3.333333430e-01, v25  }
0x2e: {  	v22 =	vshra.s32 v22, $0x17;
	v26 =	vsel vm0, $0x1, v0  }
0x2f: {  	v22 =	vadd.s32 v26, v22;
	v24 =	vmul.f32 v25, v24  }
0x30: {  	v22 =	vadd.s32 $0xFFFFFF81, v22  }
0x31: {  	v22 =	vcvt.s32.f32 v22;
	v23 =	vadd.f32 v23, v23;
	v24 =	vadd.f32 $1.000000000e+00, v24;
	_ =	sdelay $0x1  }
0x32: {  	v22 =	vmul.f32 $6.931471820e-01, v22;
	v23 =	vmul.f32 v24, v23;
	_ =	sdelay $0x1  }
0x33: {  	v22 =	vadd.f32 v23, v22;
	_ =	sdelay $0x1  }
0x34: {  	v22 =	vadd.f32 $4.000000060e-01, v22;
	_ =	sdelay $0x1  }
0x35: {  	v22 =	vmul.f32 $7.071067690e-01, v22;
	_ =	sdelay $0x1  }
0x36: {  	v23 =	vand.u32 $0x7FFFFFFF, v22  }
0x37: {  	v39 =	vmul.f32 $3.275910910e-01, v23;
	_ =	sdelay $0x1  }
0x38: {  	v24 =	vadd.f32 $1.000000000e+00, v39;
	_ =	sdelay $0x1  }
0x39: {  	(erf) = vrcp.f32 v24;
	_ =	sdelay $0x8  }
0x3a: {  	v24 =	vpop (erf)  }
0x3b: {  	v40 =	vmul.f32 $1.061405420e+00, v24;
	_ =	sdelay $0x1  }
0x3c: {  	v41 =	vsub.f32 $0.0e+00, v23;
	v25 =	vadd.f32 $-1.453152060e+00, v40;
	_ =	sdelay $0x1  }
0x3d: {  	v23 =	vmul.f32 v41, v23;
	v25 =	vmul.f32 v25, v24;
	_ =	sdelay $0x1  }
0x3e: {  	v23 =	vmul.f32 $1.442695020e+00, v23;
	v25 =	vadd.f32 $1.421413780e+00, v25;
	_ =	sdelay $0x1  }
0x3f: {  	(erf) = vpow2.f32 v23;
	v25 =	vmul.f32 v25, v24;
	_ =	sdelay $0x1  }
0x40: {  	v23 =	vadd.f32 $-2.844967250e-01, v25;
	_ =	sdelay $0x1  }
0x41: {  	v23 =	vmul.f32 v23, v24;
	_ =	sdelay $0x1  }
0x42: {  	v23 =	vadd.f32 $2.548295860e-01, v23;
	_ =	sdelay $0x1  }
0x43: {  	v23 =	vmul.f32 v23, v24  }
0x44: {  	v42 =	vpop (erf)  }
0x45: {  	v23 =	vmul.f32 v23, v42;
	_ =	sdelay $0x1  }
0x46: {  	v23 =	vsub.f32 $1.000000000e+00, v23;
	_ =	sdelay $0x1  }
0x47: {  	v43 =	vsub.f32 $0.0e+00, v23  }
0x48: {  	vm7 =	vlt.f32 v22, $0.0e+00  }
0x49: {  	v22 =	vsel vm7, v43, v23  }
0x4a: {  	v22 =	vadd.f32 $1.000000000e+00, v22;
	_ =	sdelay $0x1  }
0x4b: {  	v22 =	vmul.f32 $5.000000000e-01, v22;
	_ =	sdelay $0x1  }
0x4c: {  	v22 =	vmax.f32 v22, $0.0e+00  }
0x4d: {  	v22 =	vmin.f32 v22, $1.000000000e+00  }
0x4e: {  	v23 =	vperm.xlane v22, v0;
	_ =	sdelay $0x1  }
0x4f: {  	v48 =	vperm.xlane v22, v2;
	v44 =	vsub.f32 v23, v18;
	v45 =	vsub.f32 v23, v19  }
0x50: {  	v53 =	vperm.xlane v22, v3;
	v46 =	vsub.f32 v23, v20;
	v23 =	vsub.f32 v23, v21  }
0x51: {  	v57 =	vperm.xlane v22, v4;
	v50 =	vsub.f32 v48, v18;
	v51 =	vsub.f32 v48, v19  }
0x52: {  	v52 =	vsub.f32 v48, v21;
	v32 =	vsub.f32 v53, v18  }
0x53: {  	v59 =	vperm.xlane v22, v5;
	v56 =	vsub.f32 v53, v20;
	v58 =	vsub.f32 v57, v18  }
0x54: {  	v38 =	vsub.f32 v57, v20;
	v25 =	vsub.f32 v57, v21  }
0x55: {  	v62 =	vperm.xlane v22, v6;
	v60 =	vsub.f32 v59, v19;
	v61 =	vsub.f32 v59, v21  }
0x56: {  	v24 =	vand.u32 $0x7FFFFFFF, v44;
	v47 =	vand.u32 $0x7FFFFFFF, v45;
	v49 =	vand.u32 $0x7FFFFFFF, v46  }
0x57: {  	v23 =	vand.u32 $0x7FFFFFFF, v23;
	v26 =	vand.u32 $0x7FFFFFFF, v51;
	v32 =	vand.u32 $0x7FFFFFFF, v32  }
0x58: {  	v25 =	vand.u32 $0x7FFFFFFF, v25;
	v44 =	vsub.f32 v62, v18;
	v46 =	vsub.f32 v62, v20  }
0x59: {  	v45 =	vperm.xlane v22, v10;
	vm8 =	vle.f32 v24, v17;
	vm1 =	vle.f32 v47, v17  }
0x5a: {  	vm2 =	vle.f32 v49, v17;
	v24 =	vand.u32 $0x7FFFFFFF, v50;
	vm9 =	vle.f32 v23, v17  }
0x5b: {  	vm11 =	vle.f32 v26, v17;
	v23 =	vsub.f32 v48, v20;
	vm14 =	vle.f32 v32, v17  }
0x5c: {  	v32 =	vand.u32 $0x7FFFFFFF, v56;
	v47 =	vperm.xlane v22, v7;
	v27 =	vsel vm8, $0x3F800000, v1  }
0x5d: {  	v28 =	vsel vm1, $0x3F800000, v1;
	v29 =	vsel vm2, $0x3F800000, v1;
	vm10 =	vle.f32 v24, v17  }
0x5e: {  	v54 =	vsel vm9, $0x3F800000, v1;
	v31 =	vsel vm11, $0x3F800000, v1;
	v24 =	vand.u32 $0x7FFFFFFF, v52  }
0x5f: {  	v34 =	vsel vm14, $0x3F800000, v1;
	vm4 =	vle.f32 v32, v17;
	v23 =	vand.u32 $0x7FFFFFFF, v23  }
0x60: {  	v32 =	vand.u32 $0x7FFFFFFF, v58;
	vm12 =	vle.f32 v23, v17;
	v23 =	vsub.f32 v53, v19  }
0x61: {  	vm9 =	vle.f32 v25, v17;
	v25 =	vand.u32 $0x7FFFFFFF, v61;
	v44 =	vand.u32 $0x7FFFFFFF, v44  }
0x62: {  	v30 =	vsel vm10, $0x3F800000, v1;
	vm13 =	vle.f32 v24, v17;
	v23 =	vand.u32 $0x7FFFFFFF, v23  }
0x63: {  	v36 =	vsel vm4, $0x3F800000, v1;
	vm15 =	vle.f32 v23, v17;
	v23 =	vsub.f32 v53, v21  }
0x64: {  	vm6 =	vle.f32 v32, v17;
	v63 =	vsel vm9, $0x3F800000, v1;
	vm14 =	vle.f32 v44, v17  }
0x65: {  	[tilespmem:s14+$0xFFFFF810] =	vst v28;
	v28 =	vand.u32 $0x7FFFFFFF, v46;
	v50 =	vsub.f32 v47, v18;
	v23 =	vand.u32 $0x7FFFFFFF, v23  }
0x66: {  	[tilespmem:s14+$0xFFFFF830] =	vst v54;
	v54 =	vperm.xlane v22, v8;
	vm5 =	vle.f32 v23, v17;
	v23 =	vsub.f32 v57, v19  }
0x67: {  	[tilespmem:s14+$0xFFFFF820] =	vst v29;
	v29 =	vsub.f32 v47, v21;
	v33 =	vsel vm13, $0x3F800000, v1;
	v39 =	vsel vm6, $0x3F800000, v1  }
0x68: {  	vm13 =	vle.f32 v25, v17;
	v48 =	vsel vm14, $0x3F800000, v1;
	v23 =	vand.u32 $0x7FFFFFFF, v23  }
0x69: {  	vm4 =	vle.f32 v28, v17;
	vm7 =	vle.f32 v23, v17;
	v23 =	vand.u32 $0x7FFFFFFF, v38  }
0x6a: {  	v55 =	vsel vm12, $0x3F800000, v1;
	vm8 =	vle.f32 v23, v17;
	v23 =	vsub.f32 v59, v18  }
0x6b: {  	[tilespmem:s14+$0xFFFFF800] =	vst v27;
	v27 =	vsel vm13, $0x3F800000, v1;
	v51 =	vsel vm4, $0x3F800000, v1;
	v28 =	vand.u32 $0x7FFFFFFF, v50  }
0x6c: {  	v29 =	vand.u32 $0x7FFFFFFF, v29;
	[tilespmem:s14+$0xFFFFFA80] =	vst v48;
	v48 =	vsub.f32 v45, v18;
	v23 =	vand.u32 $0x7FFFFFFF, v23  }
0x6d: {  	[tilespmem:s14+$0xFFFFF8A0] =	vst v55;
	vm6 =	vle.f32 v28, v17;
	vm10 =	vle.f32 v23, v17;
	v23 =	vsub.f32 v59, v20  }
0x6e: {  	v55 =	vsub.f32 v54, v19;
	vm9 =	vle.f32 v29, v17;
	v28 =	vsub.f32 v54, v21;
	[tilespmem:s14+$0xFFFFFA30] =	vst v27  }
0x6f: {  	[tilespmem:s14+$0xFFFFFAA0] =	vst v51;
	v51 =	vsub.f32 v45, v20;
	v27 =	vsub.f32 v45, v21;
	v23 =	vand.u32 $0x7FFFFFFF, v23  }
0x70: {  	v53 =	vsub.f32 v47, v20;
	vm12 =	vle.f32 v23, v17;
	v23 =	vsub.f32 v62, v19  }
0x71: {  	[tilespmem:s14+$0xFFFFF890] =	vst v31;
	v56 =	vsel vm6, $0x3F800000, v1;
	v35 =	vsel vm15, $0x3F800000, v1;
	v31 =	vand.u32 $0x7FFFFFFF, v55  }
0x72: {  	v28 =	vand.u32 $0x7FFFFFFF, v28;
	v27 =	vand.u32 $0x7FFFFFFF, v27;
	v23 =	vand.u32 $0x7FFFFFFF, v23  }
0x73: {  	v37 =	vsel vm5, $0x3F800000, v1;
	vm15 =	vle.f32 v23, v17;
	v23 =	vsub.f32 v62, v21  }
0x74: {  	vm13 =	vle.f32 v28, v17;
	[tilespmem:s14+$0xFFFFF930] =	vst v37;
	v37 =	vperm.xlane v22, v13;
	v38 =	vand.u32 $0x7FFFFFFF, v60  }
0x75: {  	v60 =	vsel vm9, $0x3F800000, v1;
	vm9 =	vle.f32 v27, v17;
	v23 =	vand.u32 $0x7FFFFFFF, v23  }
0x76: {  	vm11 =	vle.f32 v38, v17;
	vm5 =	vle.f32 v23, v17;
	v23 =	vsub.f32 v47, v19  }
0x77: {  	v40 =	vsel vm7, $0x3F800000, v1;
	v41 =	vsel vm8, $0x3F800000, v1;
	v43 =	vsel vm11, $0x3F800000, v1  }
0x78: {  	vm11 =	vle.f32 v31, v17;
	[tilespmem:s14+$0xFFFFF990] =	vst v40;
	v40 =	vsub.f32 v37, v18;
	v23 =	vand.u32 $0x7FFFFFFF, v23  }
0x79: {  	[tilespmem:s14+$0xFFFFF9B0] =	vst v63;
	v59 =	vperm.xlane v22, v9;
	vm7 =	vle.f32 v23, v17;
	v23 =	vand.u32 $0x7FFFFFFF, v53  }
0x7a: {  	[tilespmem:s14+$0xFFFFFA10] =	vst v43;
	v43 =	vsel vm13, $0x3F800000, v1;
	vm8 =	vle.f32 v23, v17;
	v23 =	vsub.f32 v54, v18  }
0x7b: {  	[tilespmem:s14+$0xFFFFFBB0] =	vst v43;
	v43 =	vsub.f32 v37, v20;
	v42 =	vsel vm10, $0x3F800000, v1;
	v63 =	vsub.f32 v59, v18  }
0x7c: {  	[tilespmem:s14+$0xFFFFF900] =	vst v34;
	v44 =	vsub.f32 v59, v20;
	v25 =	vsel vm12, $0x3F800000, v1;
	v23 =	vand.u32 $0x7FFFFFFF, v23  }
0x7d: {  	[tilespmem:s14+$0xFFFFF880] =	vst v30;
	v38 =	vand.u32 $0x7FFFFFFF, v63;
	vm10 =	vle.f32 v23, v17;
	v23 =	vsub.f32 v54, v20  }
0x7e: {  	[tilespmem:s14+$0xFFFFFA20] =	vst v25;
	vm14 =	vle.f32 v38, v17;
	v25 =	vand.u32 $0x7FFFFFFF, v44;
	v44 =	vperm.xlane v22, v14  }
0x7f: {  	[tilespmem:s14+$0xFFFFF920] =	vst v36;
	v62 =	vsel vm11, $0x3F800000, v1;
	v46 =	vsel vm14, $0x3F800000, v1;
	v23 =	vand.u32 $0x7FFFFFFF, v23  }
0x80: {  	[tilespmem:s14+$0xFFFFF8B0] =	vst v33;
	vm4 =	vle.f32 v25, v17;
	vm12 =	vle.f32 v23, v17;
	v23 =	vsub.f32 v59, v19  }
0x81: {  	[tilespmem:s14+$0xFFFFF980] =	vst v39;
	v25 =	vand.u32 $0x7FFFFFFF, v48;
	v49 =	vsel vm15, $0x3F800000, v1;
	v52 =	vsel vm5, $0x3F800000, v1  }
0x82: {  	vm6 =	vle.f32 v25, v17;
	[tilespmem:s14+$0xFFFFFAB0] =	vst v52;
	v52 =	vperm.xlane v22, v11;
	v23 =	vand.u32 $0x7FFFFFFF, v23  }
0x83: {  	[tilespmem:s14+$0xFFFFFC00] =	vst v46;
	v46 =	vsub.f32 v44, v19;
	vm15 =	vle.f32 v23, v17;
	v23 =	vsub.f32 v59, v21  }
0x84: {  	[tilespmem:s14+$0xFFFFFA90] =	vst v49;
	v49 =	vsel vm4, $0x3F800000, v1;
	v57 =	vsel vm7, $0x3F800000, v1;
	v53 =	vsub.f32 v52, v19  }
0x85: {  	[tilespmem:s14+$0xFFFFFB00] =	vst v56;
	v25 =	vsub.f32 v52, v21;
	v58 =	vsel vm8, $0x3F800000, v1;
	v23 =	vand.u32 $0x7FFFFFFF, v23  }
0x86: {  	[tilespmem:s14+$0xFFFFFB10] =	vst v57;
	v57 =	vperm.xlane v22, v12;
	vm5 =	vle.f32 v23, v17;
	v23 =	vsub.f32 v45, v19  }
0x87: {  	[tilespmem:s14+$0xFFFFFB20] =	vst v58;
	v32 =	vand.u32 $0x7FFFFFFF, v53;
	v58 =	vsel vm9, $0x3F800000, v1;
	v25 =	vand.u32 $0x7FFFFFFF, v25  }
0x88: {  	[tilespmem:s14+$0xFFFFF910] =	vst v35;
	v54 =	vsel vm6, $0x3F800000, v1;
	vm11 =	vle.f32 v32, v17;
	v23 =	vand.u32 $0x7FFFFFFF, v23  }
0x89: {  	[tilespmem:s14+$0xFFFFFB30] =	vst v60;
	v36 =	vsub.f32 v57, v20;
	vm7 =	vle.f32 v23, v17;
	v23 =	vand.u32 $0x7FFFFFFF, v51  }
0x8a: {  	[tilespmem:s14+$0xFFFFF9A0] =	vst v41;
	vm13 =	vle.f32 v25, v17;
	vm8 =	vle.f32 v23, v17;
	v23 =	vsub.f32 v52, v18  }
0x8b: {  	[tilespmem:s14+$0xFFFFFA00] =	vst v42;
	v61 =	vsel vm10, $0x3F800000, v1;
	v60 =	vsel vm11, $0x3F800000, v1;
	v24 =	vand.u32 $0x7FFFFFFF, v36  }
0x8c: {  	[tilespmem:s14+$0xFFFFFB80] =	vst v61;
	v61 =	vsub.f32 v57, v18;
	vm4 =	vle.f32 v24, v17;
	v23 =	vand.u32 $0x7FFFFFFF, v23  }
0x8d: {  	[tilespmem:s14+$0xFFFFFB90] =	vst v62;
	v24 =	vand.u32 $0x7FFFFFFF, v40;
	vm10 =	vle.f32 v23, v17;
	v23 =	vsub.f32 v52, v20  }
0x8e: {  	[tilespmem:s14+$0xFFFFFC20] =	vst v49;
	v42 =	vsel vm12, $0x3F800000, v1;
	v26 =	vand.u32 $0x7FFFFFFF, v61;
	vm6 =	vle.f32 v24, v17  }
0x8f: {  	[tilespmem:s14+$0xFFFFFCB0] =	vst v58;
	v24 =	vsub.f32 v44, v21;
	vm14 =	vle.f32 v26, v17;
	v23 =	vand.u32 $0x7FFFFFFF, v23  }
0x90: {  	[tilespmem:s14+$0xFFFFFC80] =	vst v54;
	v26 =	vand.u32 $0x7FFFFFFF, v46;
	vm12 =	vle.f32 v23, v17;
	v23 =	vsub.f32 v57, v19  }
0x91: {  	v63 =	vsel vm13, $0x3F800000, v1;
	[tilespmem:s14+$0xFFFFFD10] =	vst v60;
	v41 =	vsel vm4, $0x3F800000, v1;
	vm11 =	vle.f32 v26, v17  }
0x92: {  	[tilespmem:s14+$0xFFFFFD30] =	vst v63;
	v24 =	vand.u32 $0x7FFFFFFF, v24;
	v47 =	vsel vm15, $0x3F800000, v1;
	v23 =	vand.u32 $0x7FFFFFFF, v23  }
0x93: {  	[tilespmem:s14+$0xFFFFFBA0] =	vst v42;
	v45 =	vsub.f32 v37, v21;
	vm15 =	vle.f32 v23, v17;
	v23 =	vsub.f32 v57, v21  }
0x94: {  	[tilespmem:s14+$0xFFFFFDA0] =	vst v41;
	v38 =	vsel vm14, $0x3F800000, v1;
	v53 =	vsel vm11, $0x3F800000, v1;
	vm13 =	vle.f32 v24, v17  }
0x95: {  	[tilespmem:s14+$0xFFFFFD80] =	vst v38;
	v50 =	vsel vm5, $0x3F800000, v1;
	v25 =	vand.u32 $0x7FFFFFFF, v45;
	v23 =	vand.u32 $0x7FFFFFFF, v23  }
0x96: {  	[tilespmem:s14+$0xFFFFFC30] =	vst v50;
	v50 =	vperm.xlane v22, v15;
	vm5 =	vle.f32 v23, v17;
	v23 =	vsub.f32 v37, v19  }
0x97: {  	[tilespmem:s14+$0xFFFFFC10] =	vst v47;
	v47 =	vsel vm6, $0x3F800000, v1;
	v22 =	vperm.xlane v22, v16;
	vm9 =	vle.f32 v25, v17  }
0x98: {  	[tilespmem:s14+$0xFFFFFE90] =	vst v53;
	v55 =	vsel vm7, $0x3F800000, v1;
	v54 =	vsub.f32 v50, v18;
	v23 =	vand.u32 $0x7FFFFFFF, v23  }
0x99: {  	[tilespmem:s14+$0xFFFFFE00] =	vst v47;
	v60 =	vsub.f32 v22, v18;
	vm7 =	vle.f32 v23, v17;
	v23 =	vand.u32 $0x7FFFFFFF, v43  }
0x9a: {  	v56 =	vsel vm8, $0x3F800000, v1;
	[tilespmem:s14+$0xFFFFFC90] =	vst v55;
	vm8 =	vle.f32 v23, v17;
	v23 =	vsub.f32 v44, v18  }
0x9b: {  	v51 =	vsel vm9, $0x3F800000, v1;
	[tilespmem:s14+$0xFFFFFCA0] =	vst v56;
	v56 =	vsel vm13, $0x3F800000, v1;
	v29 =	vand.u32 $0x7FFFFFFF, v54  }
0x9c: {  	[tilespmem:s14+$0xFFFFFE30] =	vst v51;
	v26 =	vand.u32 $0x7FFFFFFF, v60;
	vm14 =	vle.f32 v29, v17;
	v23 =	vand.u32 $0x7FFFFFFF, v23  }
0x9d: {  	[tilespmem:s14+$0xFFFFFEB0] =	vst v56;
	v59 =	vsel vm10, $0x3F800000, v1;
	vm10 =	vle.f32 v23, v17;
	v23 =	vsub.f32 v44, v20  }
0x9e: {  	vm6 =	vle.f32 v26, v17;
	v58 =	vsel vm14, $0x3F800000, v1;
	[tilespmem:s14+$0xFFFFFD00] =	vst v59  }
0x9f: {  	v28 =	vsel vm6, $0x3F800000, v1;
	[tilespmem:s14+$0xFFFFFF00] =	vst v58;
	v57 =	vsub.f32 v50, v20;
	v23 =	vand.u32 $0x7FFFFFFF, v23  }
0xa0: {  	[tilespmem:s14+$0xFFFFFF80] =	vst v28;
	v62 =	vsel vm12, $0x3F800000, v1;
	vm12 =	vle.f32 v23, v17;
	v23 =	vsub.f32 v50, v19  }
0xa1: {  	[tilespmem:s14+$0xFFFFFD20] =	vst v62;
	v39 =	vsel vm15, $0x3F800000, v1;
	v27 =	vand.u32 $0x7FFFFFFF, v57  }
0xa2: {  	[tilespmem:s14+$0xFFFFFD90] =	vst v39;
	vm4 =	vle.f32 v27, v17;
	v42 =	vsel vm5, $0x3F800000, v1;
	v23 =	vand.u32 $0x7FFFFFFF, v23  }
0xa3: {  	v61 =	vsel vm4, $0x3F800000, v1;
	[tilespmem:s14+$0xFFFFFDB0] =	vst v42;
	vm15 =	vle.f32 v23, v17;
	v23 =	vsub.f32 v50, v21  }
0xa4: {  	[tilespmem:s14+$0xFFFFFF20] =	vst v61;
	v48 =	vsel vm7, $0x3F800000, v1  }
0xa5: {  	v49 =	vsel vm8, $0x3F800000, v1;
	[tilespmem:s14+$0xFFFFFE10] =	vst v48;
	v23 =	vand.u32 $0x7FFFFFFF, v23  }
0xa6: {  	[tilespmem:s14+$0xFFFFFE20] =	vst v49;
	v52 =	vsel vm10, $0x3F800000, v1;
	vm5 =	vle.f32 v23, v17;
	v23 =	vsub.f32 v22, v19  }
0xa7: {  	v63 =	vsub.f32 v22, v20;
	[tilespmem:s14+$0xFFFFFE80] =	vst v52;
	v55 =	vsel vm12, $0x3F800000, v1;
	v22 =	vsub.f32 v22, v21  }
0xa8: {  	[tilespmem:s14+$0xFFFFFEA0] =	vst v55;
	v59 =	vsel vm15, $0x3F800000, v1;
	v23 =	vand.u32 $0x7FFFFFFF, v23  }
0xa9: {  	[tilespmem:s14+$0xFFFFFF10] =	vst v59;
	v62 =	vsel vm5, $0x3F800000, v1;
	v22 =	vand.u32 $0x7FFFFFFF, v22;
	vm7 =	vle.f32 v23, v17  }
0xaa: {  	[tilespmem:s14+$0xFFFFFF30] =	vst v62;
	v23 =	vand.u32 $0x7FFFFFFF, v63;
	vm9 =	vle.f32 v22, v17;
	v29 =	vsel vm7, $0x3F800000, v1  }
0xab: {  	vm8 =	vle.f32 v23, v17;
	v22 =	vsel vm9, $0x3F800000, v1;
	[tilespmem:s14+$0xFFFFFF90] =	vst v29  }
0xac: {  	v23 =	vsel vm8, $0x3F800000, v1;
	[tilespmem:s14+$0xFFFFFFB0] =	vst v22  }
0xad: {  	[tilespmem:s14+$0xFFFFFFA0] =	vst v23  }
0xae: {  	v22 =	vld [tilespmem:s15+$0x0];
	_ =	sdelay $0x4  }
0xaf: {  	v23 =	vand.u32 $0x7FFFFF, v22  }
0xb0: {  	v23 =	vor.u32 $0x3F800000, v23  }
0xb1: {  	v30 =	vmul.f32 $5.000000000e-01, v23  }
0xb2: {  	vm10 =	vge.f32 v23, $1.414213540e+00  }
0xb3: {  	v23 =	vsel vm10, v30, v23  }
0xb4: {  	v24 =	vadd.f32 $1.000000000e+00, v23;
	_ =	sdelay $0x1  }
0xb5: {  	(erf) = vrcp.f32 v24;
	_ =	sdelay $0x7  }
0xb6: {  	v23 =	vadd.f32 $-1.000000000e+00, v23  }
0xb7: {  	v24 =	vpop (erf)  }
0xb8: {  	v23 =	vmul.f32 v24, v23;
	_ =	sdelay $0x1  }
0xb9: {  	v24 =	vmul.f32 v23, v23;
	_ =	sdelay $0x1  }
0xba: {  	v31 =	vmul.f32 $1.428571490e-01, v24;
	_ =	sdelay $0x1  }
0xbb: {  	v25 =	vadd.f32 $2.000000030e-01, v31;
	_ =	sdelay $0x1  }
0xbc: {  	v25 =	vmul.f32 v25, v24;
	_ =	sdelay $0x1  }
0xbd: {  	v25 =	vadd.f32 $3.333333430e-01, v25  }
0xbe: {  	v22 =	vshra.s32 v22, $0x17;
	v32 =	vsel vm10, $0x1, v0  }
0xbf: {  	v22 =	vadd.s32 v32, v22;
	v24 =	vmul.f32 v25, v24  }
0xc0: {  	v22 =	vadd.s32 $0xFFFFFF81, v22  }
0xc1: {  	v22 =	vcvt.s32.f32 v22;
	v23 =	vadd.f32 v23, v23;
	v24 =	vadd.f32 $1.000000000e+00, v24;
	_ =	sdelay $0x1  }
0xc2: {  	v22 =	vmul.f32 $6.931471820e-01, v22;
	v23 =	vmul.f32 v24, v23;
	_ =	sdelay $0x1  }
0xc3: {  	v22 =	vadd.f32 v23, v22;
	_ =	sdelay $0x1  }
0xc4: {  	v22 =	vadd.f32 $4.000000060e-01, v22;
	_ =	sdelay $0x1  }
0xc5: {  	v22 =	vmul.f32 $7.071067690e-01, v22;
	_ =	sdelay $0x1  }
0xc6: {  	v23 =	vand.u32 $0x7FFFFFFF, v22  }
0xc7: {  	v33 =	vmul.f32 $3.275910910e-01, v23;
	_ =	sdelay $0x1  }
0xc8: {  	v24 =	vadd.f32 $1.000000000e+00, v33;
	_ =	sdelay $0x1  }
0xc9: {  	(erf) = vrcp.f32 v24;
	_ =	sdelay $0x8  }
0xca: {  	v24 =	vpop (erf)  }
0xcb: {  	v34 =	vmul.f32 $1.061405420e+00, v24;
	_ =	sdelay $0x1  }
0xcc: {  	v35 =	vsub.f32 $0.0e+00, v23;
	v25 =	vadd.f32 $-1.453152060e+00, v34;
	_ =	sdelay $0x1  }
0xcd: {  	v23 =	vmul.f32 v35, v23;
	v25 =	vmul.f32 v25, v24;
	_ =	sdelay $0x1  }
0xce: {  	v23 =	vmul.f32 $1.442695020e+00, v23;
	v25 =	vadd.f32 $1.421413780e+00, v25;
	_ =	sdelay $0x1  }
0xcf: {  	(erf) = vpow2.f32 v23;
	v25 =	vmul.f32 v25, v24;
	_ =	sdelay $0x1  }
0xd0: {  	v23 =	vadd.f32 $-2.844967250e-01, v25;
	_ =	sdelay $0x1  }
0xd1: {  	v23 =	vmul.f32 v23, v24;
	_ =	sdelay $0x1  }
0xd2: {  	v23 =	vadd.f32 $2.548295860e-01, v23;
	_ =	sdelay $0x1  }
0xd3: {  	v23 =	vmul.f32 v23, v24  }
0xd4: {  	v36 =	vpop (erf)  }
0xd5: {  	v23 =	vmul.f32 v23, v36;
	_ =	sdelay $0x1  }
0xd6: {  	v23 =	vsub.f32 $1.000000000e+00, v23;
	_ =	sdelay $0x1  }
0xd7: {  	v37 =	vsub.f32 $0.0e+00, v23  }
0xd8: {  	vm11 =	vlt.f32 v22, $0.0e+00  }
0xd9: {  	v22 =	vsel vm11, v37, v23  }
0xda: {  	v22 =	vadd.f32 $1.000000000e+00, v22;
	_ =	sdelay $0x1  }
0xdb: {  	v22 =	vmul.f32 $5.000000000e-01, v22;
	_ =	sdelay $0x1  }
0xdc: {  	v22 =	vmax.f32 v22, $0.0e+00  }
0xdd: {  	v22 =	vmin.f32 v22, $1.000000000e+00  }
0xde: {  	v23 =	vperm.xlane v22, v0;
	_ =	sdelay $0x1  }
0xdf: {  	v42 =	vperm.xlane v22, v2;
	v38 =	vsub.f32 v23, v18;
	v39 =	vsub.f32 v23, v19  }
0xe0: {  	v47 =	vperm.xlane v22, v3;
	v40 =	vsub.f32 v23, v20;
	v23 =	vsub.f32 v23, v21  }
0xe1: {  	v52 =	vperm.xlane v22, v4;
	v44 =	vsub.f32 v42, v18;
	v45 =	vsub.f32 v42, v19  }
0xe2: {  	v46 =	vsub.f32 v42, v21;
	v49 =	vsub.f32 v47, v18  }
0xe3: {  	v55 =	vperm.xlane v22, v5;
	v51 =	vsub.f32 v47, v20;
	v53 =	vsub.f32 v52, v18  }
0xe4: {  	v60 =	vperm.xlane v22, v6;
	v54 =	vsub.f32 v52, v20;
	v25 =	vsub.f32 v52, v21  }
0xe5: {  	v56 =	vsub.f32 v55, v19;
	v59 =	vsub.f32 v55, v21  }
0xe6: {  	v63 =	vsub.f32 v60, v18;
	v24 =	vand.u32 $0x7FFFFFFF, v38;
	v41 =	vand.u32 $0x7FFFFFFF, v39  }
0xe7: {  	v43 =	vand.u32 $0x7FFFFFFF, v40;
	v23 =	vand.u32 $0x7FFFFFFF, v23;
	v26 =	vand.u32 $0x7FFFFFFF, v45  }
0xe8: {  	v32 =	vand.u32 $0x7FFFFFFF, v49;
	v25 =	vand.u32 $0x7FFFFFFF, v25;
	v38 =	vand.u32 $0x7FFFFFFF, v56  }
0xe9: {  	v45 =	vperm.xlane v22, v7;
	vm12 =	vle.f32 v24, v17;
	vm13 =	vle.f32 v41, v17  }
0xea: {  	vm14 =	vle.f32 v43, v17;
	v24 =	vand.u32 $0x7FFFFFFF, v44;
	vm15 =	vle.f32 v23, v17  }
0xeb: {  	vm5 =	vle.f32 v26, v17;
	v23 =	vsub.f32 v42, v20;
	vm8 =	vle.f32 v32, v17  }
0xec: {  	v32 =	vand.u32 $0x7FFFFFFF, v51;
	v44 =	vand.u32 $0x7FFFFFFF, v63;
	v43 =	vperm.xlane v22, v10  }
0xed: {  	v27 =	vsel vm12, $0x3F800000, v1;
	v28 =	vsel vm13, $0x3F800000, v1;
	v29 =	vsel vm14, $0x3F800000, v1  }
0xee: {  	vm4 =	vle.f32 v24, v17;
	v26 =	vsel vm15, $0x3F800000, v1;
	v31 =	vsel vm5, $0x3F800000, v1  }
0xef: {  	v24 =	vand.u32 $0x7FFFFFFF, v46;
	v34 =	vsel vm8, $0x3F800000, v1;
	v23 =	vand.u32 $0x7FFFFFFF, v23  }
0xf0: {  	vm10 =	vle.f32 v32, v17;
	vm6 =	vle.f32 v23, v17;
	v23 =	vsub.f32 v47, v19  }
0xf1: {  	v32 =	vand.u32 $0x7FFFFFFF, v53;
	vm15 =	vle.f32 v25, v17;
	vm5 =	vle.f32 v38, v17  }
0xf2: {  	v25 =	vand.u32 $0x7FFFFFFF, v59;
	vm8 =	vle.f32 v44, v17;
	v23 =	vand.u32 $0x7FFFFFFF, v23  }
0xf3: {  	v44 =	vsub.f32 v60, v20;
	vm9 =	vle.f32 v23, v17;
	v23 =	vsub.f32 v47, v21  }
0xf4: {  	v51 =	vsub.f32 v45, v20;
	v48 =	vsel vm4, $0x3F800000, v1;
	vm7 =	vle.f32 v24, v17  }
0xf5: {  	v36 =	vsel vm10, $0x3F800000, v1;
	vm12 =	vle.f32 v32, v17;
	v23 =	vand.u32 $0x7FFFFFFF, v23  }
0xf6: {  	v61 =	vsel vm15, $0x3F800000, v1;
	vm11 =	vle.f32 v23, v17;
	v23 =	vsub.f32 v52, v19  }
0xf7: {  	v62 =	vsel vm5, $0x3F800000, v1;
	[tilespmem:s14+$0x20] =	vst v29;
	v46 =	vsel vm8, $0x3F800000, v1;
	v29 =	vsub.f32 v45, v21  }
0xf8: {  	v33 =	vsel vm7, $0x3F800000, v1;
	v39 =	vsel vm12, $0x3F800000, v1;
	v23 =	vand.u32 $0x7FFFFFFF, v23  }
0xf9: {  	[tilespmem:s14+$0x10] =	vst v28;
	vm7 =	vle.f32 v25, v17;
	vm13 =	vle.f32 v23, v17;
	v23 =	vand.u32 $0x7FFFFFFF, v54  }
0xfa: {  	v28 =	vand.u32 $0x7FFFFFFF, v44;
	[tilespmem:s14+$0x80] =	vst v48;
	vm14 =	vle.f32 v23, v17;
	v23 =	vsub.f32 v55, v18  }
0xfb: {  	v48 =	vsub.f32 v45, v18;
	[tilespmem:s14+$0x280] =	vst v46;
	v46 =	vsub.f32 v43, v18;
	v50 =	vsel vm6, $0x3F800000, v1  }
0xfc: {  	[tilespmem:s14+$0x0] =	vst v27;
	v27 =	vsel vm7, $0x3F800000, v1;
	vm10 =	vle.f32 v28, v17;
	v23 =	vand.u32 $0x7FFFFFFF, v23  }
0xfd: {  	v29 =	vand.u32 $0x7FFFFFFF, v29;
	vm4 =	vle.f32 v23, v17;
	v23 =	vsub.f32 v55, v20  }
0xfe: {  	v49 =	vsel vm10, $0x3F800000, v1;
	v28 =	vand.u32 $0x7FFFFFFF, v48;
	vm15 =	vle.f32 v29, v17  }
0xff: {  	[tilespmem:s14+$0x230] =	vst v27;
	v27 =	vsub.f32 v43, v21;
	vm12 =	vle.f32 v28, v17;
	v23 =	vand.u32 $0x7FFFFFFF, v23  }
0x100: {  	v52 =	vperm.xlane v22, v8;
	vm6 =	vle.f32 v23, v17;
	v23 =	vsub.f32 v60, v19  }
0x101: {  	[tilespmem:s14+$0x2A0] =	vst v49;
	v49 =	vsub.f32 v43, v20;
	v35 =	vsel vm9, $0x3F800000, v1;
	v27 =	vand.u32 $0x7FFFFFFF, v27  }
0x102: {  	v37 =	vsel vm11, $0x3F800000, v1;
	v53 =	vsub.f32 v52, v19;
	v23 =	vand.u32 $0x7FFFFFFF, v23  }
0x103: {  	v28 =	vsub.f32 v52, v21;
	vm9 =	vle.f32 v23, v17;
	v23 =	vsub.f32 v60, v21  }
0x104: {  	[tilespmem:s14+$0x90] =	vst v31;
	v54 =	vsel vm12, $0x3F800000, v1;
	v57 =	vsel vm13, $0x3F800000, v1;
	v31 =	vand.u32 $0x7FFFFFFF, v53  }
0x105: {  	v28 =	vand.u32 $0x7FFFFFFF, v28;
	v58 =	vsel vm14, $0x3F800000, v1;
	v23 =	vand.u32 $0x7FFFFFFF, v23  }
0x106: {  	[tilespmem:s14+$0x190] =	vst v57;
	v57 =	vperm.xlane v22, v9;
	vm11 =	vle.f32 v23, v17;
	v23 =	vsub.f32 v45, v19  }
0x107: {  	vm5 =	vle.f32 v31, v17;
	vm7 =	vle.f32 v28, v17;
	[tilespmem:s14+$0x1A0] =	vst v58;
	v58 =	vsel vm15, $0x3F800000, v1  }
0x108: {  	[tilespmem:s14+$0x1B0] =	vst v61;
	v63 =	vsel vm7, $0x3F800000, v1;
	v61 =	vsub.f32 v57, v18;
	v23 =	vand.u32 $0x7FFFFFFF, v23  }
0x109: {  	[tilespmem:s14+$0x3B0] =	vst v63;
	v63 =	vperm.xlane v22, v13;
	vm13 =	vle.f32 v23, v17;
	v23 =	vand.u32 $0x7FFFFFFF, v51  }
0x10a: {  	[tilespmem:s14+$0x30] =	vst v26;
	v42 =	vsel vm4, $0x3F800000, v1;
	vm14 =	vle.f32 v23, v17;
	v23 =	vsub.f32 v52, v18  }
0x10b: {  	vm15 =	vle.f32 v27, v17;
	[tilespmem:s14+$0x200] =	vst v42;
	v38 =	vand.u32 $0x7FFFFFFF, v61;
	v42 =	vsub.f32 v57, v20  }
0x10c: {  	[tilespmem:s14+$0x100] =	vst v34;
	v41 =	vsub.f32 v63, v20;
	vm8 =	vle.f32 v38, v17;
	v23 =	vand.u32 $0x7FFFFFFF, v23  }
0x10d: {  	[tilespmem:s14+$0x120] =	vst v36;
	v25 =	vsel vm6, $0x3F800000, v1;
	vm4 =	vle.f32 v23, v17;
	v23 =	vsub.f32 v52, v20  }
0x10e: {  	v38 =	vsub.f32 v63, v18;
	v44 =	vsel vm8, $0x3F800000, v1;
	[tilespmem:s14+$0x220] =	vst v25;
	v25 =	vand.u32 $0x7FFFFFFF, v42  }
0x10f: {  	[tilespmem:s14+$0x210] =	vst v62;
	v42 =	vperm.xlane v22, v14;
	v60 =	vsel vm5, $0x3F800000, v1;
	v23 =	vand.u32 $0x7FFFFFFF, v23  }
0x110: {  	[tilespmem:s14+$0xB0] =	vst v33;
	vm10 =	vle.f32 v25, v17;
	vm6 =	vle.f32 v23, v17;
	v23 =	vsub.f32 v57, v19  }
0x111: {  	[tilespmem:s14+$0xA0] =	vst v50;
	v25 =	vand.u32 $0x7FFFFFFF, v46;
	v47 =	vsel vm9, $0x3F800000, v1;
	v50 =	vsel vm11, $0x3F800000, v1  }
0x112: {  	vm12 =	vle.f32 v25, v17;
	[tilespmem:s14+$0x2B0] =	vst v50;
	v50 =	vperm.xlane v22, v11;
	v23 =	vand.u32 $0x7FFFFFFF, v23  }
0x113: {  	[tilespmem:s14+$0x400] =	vst v44;
	v44 =	vsub.f32 v42, v19;
	vm9 =	vle.f32 v23, v17;
	v23 =	vsub.f32 v57, v21  }
0x114: {  	[tilespmem:s14+$0x290] =	vst v47;
	v47 =	vsel vm10, $0x3F800000, v1;
	v55 =	vsel vm13, $0x3F800000, v1;
	v51 =	vsub.f32 v50, v19  }
0x115: {  	[tilespmem:s14+$0x180] =	vst v39;
	v25 =	vsub.f32 v50, v21;
	v56 =	vsel vm14, $0x3F800000, v1;
	v23 =	vand.u32 $0x7FFFFFFF, v23  }
0x116: {  	[tilespmem:s14+$0x310] =	vst v55;
	v55 =	vperm.xlane v22, v12;
	vm11 =	vle.f32 v23, v17;
	v23 =	vsub.f32 v43, v19  }
0x117: {  	[tilespmem:s14+$0x320] =	vst v56;
	v32 =	vand.u32 $0x7FFFFFFF, v51;
	v56 =	vsel vm15, $0x3F800000, v1;
	v25 =	vand.u32 $0x7FFFFFFF, v25  }
0x118: {  	[tilespmem:s14+$0x110] =	vst v35;
	vm5 =	vle.f32 v32, v17;
	vm7 =	vle.f32 v25, v17;
	v23 =	vand.u32 $0x7FFFFFFF, v23  }
0x119: {  	[tilespmem:s14+$0x130] =	vst v37;
	v59 =	vsel vm4, $0x3F800000, v1;
	vm13 =	vle.f32 v23, v17;
	v23 =	vand.u32 $0x7FFFFFFF, v49  }
0x11a: {  	[tilespmem:s14+$0x380] =	vst v59;
	v59 =	vsub.f32 v55, v18;
	vm14 =	vle.f32 v23, v17;
	v23 =	vsub.f32 v50, v18  }
0x11b: {  	[tilespmem:s14+$0x330] =	vst v58;
	v52 =	vsel vm12, $0x3F800000, v1;
	v58 =	vsel vm5, $0x3F800000, v1;
	v61 =	vsel vm7, $0x3F800000, v1  }
0x11c: {  	[tilespmem:s14+$0x300] =	vst v54;
	v62 =	vsel vm6, $0x3F800000, v1;
	v26 =	vand.u32 $0x7FFFFFFF, v59;
	v23 =	vand.u32 $0x7FFFFFFF, v23  }
0x11d: {  	[tilespmem:s14+$0x390] =	vst v60;
	vm8 =	vle.f32 v26, v17;
	vm4 =	vle.f32 v23, v17;
	v23 =	vsub.f32 v50, v20  }
0x11e: {  	[tilespmem:s14+$0x3A0] =	vst v62;
	v62 =	vsub.f32 v55, v20;
	v26 =	vand.u32 $0x7FFFFFFF, v44;
	v36 =	vsel vm8, $0x3F800000, v1  }
0x11f: {  	[tilespmem:s14+$0x420] =	vst v47;
	vm5 =	vle.f32 v26, v17;
	v45 =	vsel vm9, $0x3F800000, v1;
	v23 =	vand.u32 $0x7FFFFFFF, v23  }
0x120: {  	[tilespmem:s14+$0x4B0] =	vst v56;
	v24 =	vand.u32 $0x7FFFFFFF, v62;
	vm6 =	vle.f32 v23, v17;
	v23 =	vsub.f32 v55, v19  }
0x121: {  	[tilespmem:s14+$0x480] =	vst v52;
	v51 =	vsel vm5, $0x3F800000, v1;
	vm10 =	vle.f32 v24, v17;
	v24 =	vand.u32 $0x7FFFFFFF, v38  }
0x122: {  	[tilespmem:s14+$0x510] =	vst v58;
	v39 =	vsel vm10, $0x3F800000, v1;
	vm12 =	vle.f32 v24, v17;
	v23 =	vand.u32 $0x7FFFFFFF, v23  }
0x123: {  	[tilespmem:s14+$0x530] =	vst v61;
	v43 =	vsub.f32 v63, v21;
	vm9 =	vle.f32 v23, v17;
	v23 =	vsub.f32 v55, v21  }
0x124: {  	[tilespmem:s14+$0x410] =	vst v45;
	v24 =	vsub.f32 v42, v21;
	v48 =	vsel vm11, $0x3F800000, v1;
	v45 =	vsel vm12, $0x3F800000, v1  }
0x125: {  	[tilespmem:s14+$0x430] =	vst v48;
	v25 =	vand.u32 $0x7FFFFFFF, v43;
	v48 =	vperm.xlane v22, v15;
	v23 =	vand.u32 $0x7FFFFFFF, v23  }
0x126: {  	[tilespmem:s14+$0x580] =	vst v36;
	v24 =	vand.u32 $0x7FFFFFFF, v24;
	vm11 =	vle.f32 v23, v17;
	v23 =	vsub.f32 v63, v19  }
0x127: {  	[tilespmem:s14+$0x690] =	vst v51;
	v22 =	vperm.xlane v22, v16;
	vm15 =	vle.f32 v25, v17;
	vm7 =	vle.f32 v24, v17  }
0x128: {  	[tilespmem:s14+$0x5A0] =	vst v39;
	v53 =	vsel vm13, $0x3F800000, v1;
	v52 =	vsub.f32 v48, v18;
	v23 =	vand.u32 $0x7FFFFFFF, v23  }
0x129: {  	[tilespmem:s14+$0x600] =	vst v45;
	v58 =	vsub.f32 v22, v18;
	vm13 =	vle.f32 v23, v17;
	v23 =	vand.u32 $0x7FFFFFFF, v41  }
0x12a: {  	v54 =	vsel vm14, $0x3F800000, v1;
	[tilespmem:s14+$0x490] =	vst v53;
	vm14 =	vle.f32 v23, v17;
	v23 =	vsub.f32 v42, v18  }
0x12b: {  	v49 =	vsel vm15, $0x3F800000, v1;
	[tilespmem:s14+$0x4A0] =	vst v54;
	v54 =	vsel vm7, $0x3F800000, v1;
	v29 =	vand.u32 $0x7FFFFFFF, v52  }
0x12c: {  	[tilespmem:s14+$0x630] =	vst v49;
	v26 =	vand.u32 $0x7FFFFFFF, v58;
	vm8 =	vle.f32 v29, v17;
	v23 =	vand.u32 $0x7FFFFFFF, v23  }
0x12d: {  	[tilespmem:s14+$0x6B0] =	vst v54;
	v57 =	vsel vm4, $0x3F800000, v1;
	vm4 =	vle.f32 v23, v17;
	v23 =	vsub.f32 v42, v20  }
0x12e: {  	vm12 =	vle.f32 v26, v17;
	v56 =	vsel vm8, $0x3F800000, v1;
	[tilespmem:s14+$0x500] =	vst v57  }
0x12f: {  	v62 =	vsel vm12, $0x3F800000, v1;
	[tilespmem:s14+$0x700] =	vst v56;
	v55 =	vsub.f32 v48, v20;
	v23 =	vand.u32 $0x7FFFFFFF, v23  }
0x130: {  	[tilespmem:s14+$0x780] =	vst v62;
	v60 =	vsel vm6, $0x3F800000, v1;
	vm6 =	vle.f32 v23, v17;
	v23 =	vsub.f32 v48, v19  }
0x131: {  	[tilespmem:s14+$0x520] =	vst v60;
	v37 =	vsel vm9, $0x3F800000, v1;
	v27 =	vand.u32 $0x7FFFFFFF, v55  }
0x132: {  	[tilespmem:s14+$0x590] =	vst v37;
	vm10 =	vle.f32 v27, v17;
	v40 =	vsel vm11, $0x3F800000, v1;
	v23 =	vand.u32 $0x7FFFFFFF, v23  }
0x133: {  	v59 =	vsel vm10, $0x3F800000, v1;
	[tilespmem:s14+$0x5B0] =	vst v40;
	vm9 =	vle.f32 v23, v17;
	v23 =	vsub.f32 v48, v21  }
0x134: {  	[tilespmem:s14+$0x720] =	vst v59;
	v46 =	vsel vm13, $0x3F800000, v1  }
0x135: {  	v47 =	vsel vm14, $0x3F800000, v1;
	[tilespmem:s14+$0x610] =	vst v46;
	v23 =	vand.u32 $0x7FFFFFFF, v23  }
0x136: {  	[tilespmem:s14+$0x620] =	vst v47;
	v50 =	vsel vm4, $0x3F800000, v1;
	vm11 =	vle.f32 v23, v17;
	v23 =	vsub.f32 v22, v19  }
0x137: {  	s13 =	sadd.s32 $0x2, s13;
	v61 =	vsub.f32 v22, v20;
	[tilespmem:s14+$0x680] =	vst v50;
	v53 =	vsel vm6, $0x3F800000, v1;
	v22 =	vsub.f32 v22, v21  }
0x138: {  	p0 =	slt.u32 s13, $0x1E;
	[tilespmem:s14+$0x6A0] =	vst v53;
	v57 =	vsel vm9, $0x3F800000, v1;
	v23 =	vand.u32 $0x7FFFFFFF, v23  }
.Ltmp0:
0x139: {  	[tilespmem:s14+$0x710] =	vst v57;
	v60 =	vsel vm11, $0x3F800000, v1;
	v22 =	vand.u32 $0x7FFFFFFF, v22;
	vm13 =	vle.f32 v23, v17;
	(pc) =	sbr.rel @p0 .LBB2_2-.Ltmp0, $4  }
0x13a: {  	[tilespmem:s14+$0x730] =	vst v60;
	v23 =	vand.u32 $0x7FFFFFFF, v61;
	vm15 =	vle.f32 v22, v17;
	v63 =	vsel vm13, $0x3F800000, v1  }
0x13b: {  	vm14 =	vle.f32 v23, v17;
	v22 =	vsel vm15, $0x3F800000, v1;
	[tilespmem:s14+$0x790] =	vst v63  }
0x13c: {  	v23 =	vsel vm14, $0x3F800000, v1;
	[tilespmem:s14+$0x7B0] =	vst v22  }
0x13d: {  	s15 =	sadd.s32 $0x20, s15;
	[tilespmem:s14+$0x7A0] =	vst v23;
	s14 =	sadd.s32 $0x1000, s14  }
0x13e: {  	s12 =	sadd.s32 $0x1, s12  }
0x13f: {  	p0 =	sne.s32 s12, s7  }
.Ltmp1:
0x140: {  	_ = 	snop;
	(pc) =	sbr.rel @p0 .LBB2_1-.Ltmp1, $4  }
0x141: {  	[hbm4b:s6+s4] =	stream.linear.scatter [tilespmem:s11], [sflag:$0x1], $0x10000, $0x38;
	[tilespmem:$0x10300] =	vst v63  }
0x142: {  	_ =	swait.ge [sflag:s8], $0x10000  }
0x143: {  	[sflag:s8] =	ssyncset.done $0x0  }
0x144: {  	[sflag:s8] =	ssyncadd.s32 $0xFFFF0000  }
0x145: {  	_ =	sfence.sel $0x180000  }
0x146: {  	[bflag:$0x0] =	sbarrier.arrive $0xFFFF  }
0x147: {  	p0 =	sne.s32 s2, $0x0;
	_ =	strace $0x90000047  }
0x148: {  	s0 =	sadd.s32 @!p0 $0x100000, s0;
	[bflag:$0x2] =	sbarrier.arrive $0xFFFF  }
0x149: {  	[sflag:s0] =	ssyncadd.tile.s32 @!p0 $0x1;
	_ =	shalt  }
.Lfunc_end2:
_tile_overlayer_lowered:
.L_overlay_start_2:
0x14a: {  	(tag) =	ssettag $0x2  }
0x14b: {  	s0 =	rddreg [dreg:$0x0];
	s2 =	stileid.u32  }
0x14c: {  	s1 =	rddreg [dreg:$0x1];
	p0 =	sne.s32 s2, $0x0  }
0x14d: {  	s3 =	rddreg [dreg:$0x2];
	[bflag:$0x3] =	sbarrier.arrive $0xFFFF;
	s2 =	simm.s32 @!p0 $0x1C01  }
0x14e: {  	[timem:s3], [sflag:s2] =	dma.local @!p0 [hbm:s0], s1  }
0x14f: {  	s0 =	simm.s32 @!p0 $0x1  }
0x150: {  	_ =	swait.ge @!p0 [sflag:s0], s1  }
0x151: {  	s1 =	ssub.s32 @!p0 $0x0, s1;
	[sflag:s0] =	ssyncset.done @!p0 $0x0  }
0x152: {  	[sflag:s0] =	ssyncadd.s32 @!p0 s1  }
0x153: {  	[bflag:$0x3] =	sbarrier.arrive $0xFFFF  }
0x154: {  	_ =	shalt  }

</sc_bundles>
